<compile_context>
chip_gen: v7x
topology: tpu7x:2x2x1
jax: 0.10.2.dev20260603
libtpu: 0.0.44.dev20260713+nightly
codegen_flags: <defaults>
</compile_context>

<pallas_src>
import functools

import jax
import jax.numpy as jnp
from jax import lax
from jax.experimental import pallas as pl
from jax.experimental.pallas import tpu as pltpu
from jax.experimental.pallas import tpu_sc as plsc

N_EXPERTS = 32
N_EMBD = 256
HIDDEN = 4 * N_EMBD
TOPK = 7
NPK = TOPK + 1
T = 2048

BTG = 256
BT = 512
BTC = 256
NBLK = 64
PADTOT = NBLK * BT

_NC, _NS = 2, 16
_NW = _NC * _NS

_INV_SQRT2 = 0.7071067811865476


def _gate_kernel(x_ref, wgt_ref, bgp_ref, rw_ref, idx_ref, w8_ref):
    xb = x_ref[...]
    logits = jnp.dot(xb, wgt_ref[...], preferred_element_type=jnp.float32)
    logits = logits + bgp_ref[...]
    m = jnp.max(logits, axis=1, keepdims=True)
    ex = jnp.exp(logits - m)
    z = jnp.sum(ex, axis=1, keepdims=True)
    p = ex / z
    lane = jax.lax.broadcasted_iota(jnp.int32, (BTG, N_EXPERTS), 1)
    valid = lane < (N_EXPERTS - 1)
    p = jnp.where(valid, p, -1.0)
    pcur = p
    selmask = jnp.zeros((BTG, N_EXPERTS), dtype=jnp.bool_)
    vals, idxs = [], []
    for _ in range(TOPK):
        mj = jnp.max(pcur, axis=1, keepdims=True)
        ismax = pcur == mj
        selidx = jnp.min(jnp.where(ismax, lane, N_EXPERTS - 1), axis=1,
                         keepdims=True)
        mask_j = lane == selidx
        selmask = jnp.logical_or(selmask, mask_j)
        vals.append(mj)
        idxs.append(selidx)
        pcur = jnp.where(mask_j, -1.0, pcur)
    psel = jnp.where(selmask, p, 0.0)
    s = jnp.sum(psel, axis=1, keepdims=True)
    scale = (TOPK / (TOPK + 1.0)) / s
    col0 = jnp.full((BTG, 1), 1.0 / (TOPK + 1.0), dtype=jnp.float32)
    rw_ref[...] = jnp.concatenate([col0, (psel * scale)[:, : N_EXPERTS - 1]],
                                  axis=1)
    idx_ref[...] = jnp.concatenate(
        [jnp.zeros((BTG, 1), jnp.int32)] + [i + 1 for i in idxs], axis=1)
    w8_ref[...] = jnp.concatenate([col0] + [v * scale for v in vals], axis=1)


def _sc_gather(table, idx3, chunk, nchunks, out_rows):
    d = table.shape[1]
    bpw = nchunks * chunk
    mesh = plsc.VectorSubcoreMesh(core_axis_name="c", subcore_axis_name="s")

    @functools.partial(
        pl.kernel,
        mesh=mesh,
        out_type=jax.ShapeDtypeStruct((out_rows, d), jnp.float32),
        scratch_types=[
            pltpu.VMEM((nchunks, chunk), jnp.int32),
            pltpu.VMEM((chunk, d), jnp.float32),
            pltpu.SemaphoreType.DMA,
        ],
    )
    def gather_k(table_hbm, idx_hbm, out_hbm, idx_v, rows_v, sem):
        wid = lax.axis_index("s") * _NC + lax.axis_index("c")
        base = wid * bpw
        pltpu.sync_copy(idx_hbm.at[wid], idx_v)
        for ci in range(nchunks):
            pltpu.async_copy(table_hbm.at[idx_v.at[ci]], rows_v, sem).wait()
            pltpu.sync_copy(rows_v, out_hbm.at[pl.ds(base + ci * chunk, chunk)])

    return gather_k(table, idx3)


def _sc_scatter_rows(table, idx3, out_rows):
    d = table.shape[1]
    tpw = table.shape[0] // _NW
    mesh = plsc.VectorSubcoreMesh(core_axis_name="c", subcore_axis_name="s")

    @functools.partial(
        pl.kernel,
        mesh=mesh,
        out_type=jax.ShapeDtypeStruct((out_rows, d), jnp.float32),
        scratch_types=[
            pltpu.VMEM((NPK, tpw), jnp.int32),
            pltpu.VMEM((tpw, d), jnp.float32),
            pltpu.SemaphoreType.DMA,
        ],
    )
    def scatter_k(table_hbm, idx_hbm, out_hbm, idx_v, rows_v, sem):
        wid = lax.axis_index("s") * _NC + lax.axis_index("c")
        pltpu.sync_copy(idx_hbm.at[wid], idx_v)
        pltpu.sync_copy(table_hbm.at[pl.ds(wid * tpw, tpw)], rows_v)
        copies = [
            pltpu.async_copy(rows_v, out_hbm.at[idx_v.at[k]], sem)
            for k in range(NPK)
        ]
        for cp in copies:
            cp.wait()

    return scatter_k(table, idx3)


def _mlp_kernel(be_ref, nb_ref, x_ref, wfc_ref, bfc_ref, wproj_ref, bproj_ref,
                y_ref):
    b = pl.program_id(0)

    @pl.when(b < nb_ref[0])
    def _():
        xb = x_ref[...].astype(jnp.bfloat16)
        h = jax.lax.dot_general(xb, wfc_ref[0].astype(jnp.bfloat16),
                                (((1,), (1,)), ((), ())),
                                preferred_element_type=jnp.float32)
        h = h + bfc_ref[0]
        h = 0.5 * h * (1.0 + jax.lax.erf(h * _INV_SQRT2))
        y = jax.lax.dot_general(h.astype(jnp.bfloat16),
                                wproj_ref[0].astype(jnp.bfloat16),
                                (((1,), (1,)), ((), ())),
                                preferred_element_type=jnp.float32)
        y_ref[...] = y + bproj_ref[0]


def _expmap_hoisted(rb, y, cv, xn2, one_m_cxn2, half_c_sf, inv_sqrt_c):
    vn2 = jnp.sum(y * y, axis=-1, keepdims=True)
    arg = jnp.sqrt(half_c_sf * vn2)
    second = (inv_sqrt_c * jnp.tanh(arg) * jax.lax.rsqrt(vn2)) * y
    ip = jnp.sum(rb * second, axis=-1, keepdims=True)
    sn2 = jnp.sum(second * second, axis=-1, keepdims=True)
    a = 1.0 + 2.0 * cv * ip
    num = (a + cv * sn2) * rb + one_m_cxn2 * second
    den = a + cv * cv * xn2 * sn2
    return num / den


def _combine_kernel(yg_ref, ref_ref, w8_ref, c_ref, out_ref):
    cv = c_ref[0, 0]
    rb = ref_ref[...]
    xn2 = jnp.sum(rb * rb, axis=-1, keepdims=True)
    sf = 2.0 / (1.0 + cv * xn2)
    one_m_cxn2 = 1.0 - cv * xn2
    half_c_sf = 0.5 * cv * sf
    inv_sqrt_c = jax.lax.rsqrt(cv)
    acc = jnp.zeros((BTC, N_EMBD), dtype=jnp.float32)
    for k in range(NPK):
        z = _expmap_hoisted(rb, yg_ref[k], cv, xn2, one_m_cxn2, half_c_sf,
                            inv_sqrt_c)
        acc = acc + w8_ref[:, k:k + 1] * z
    out_ref[...] = acc


def kernel(x, reference_point, c, Wg, bg, Wfc, bfc, Wproj, bproj):
    b, t, ch = x.shape
    x_flat = x.reshape(b * t, ch)
    ref_flat = reference_point.reshape(b * t, ch)

    wgt = jnp.zeros((N_EMBD, N_EXPERTS), dtype=jnp.float32).at[:, : N_EXPERTS - 1].set(Wg.T)
    bgp = jnp.full((1, N_EXPERTS), -1e30, dtype=jnp.float32).at[0, : N_EXPERTS - 1].set(bg)

    rw, idx8, w8 = pl.pallas_call(
        _gate_kernel,
        grid=(T // BTG,),
        in_specs=[
            pl.BlockSpec((BTG, N_EMBD), lambda i: (i, 0)),
            pl.BlockSpec((N_EMBD, N_EXPERTS), lambda i: (0, 0)),
            pl.BlockSpec((1, N_EXPERTS), lambda i: (0, 0)),
        ],
        out_specs=[
            pl.BlockSpec((BTG, N_EXPERTS), lambda i: (i, 0)),
            pl.BlockSpec((BTG, NPK), lambda i: (i, 0)),
            pl.BlockSpec((BTG, NPK), lambda i: (i, 0)),
        ],
        out_shape=[
            jax.ShapeDtypeStruct((T, N_EXPERTS), jnp.float32),
            jax.ShapeDtypeStruct((T, NPK), jnp.int32),
            jax.ShapeDtypeStruct((T, NPK), jnp.float32),
        ],
    )(x_flat, wgt, bgp)

    cnt = jax.nn.one_hot(idx8, N_EXPERTS, dtype=jnp.int32).sum(axis=1)
    ranks = jnp.cumsum(cnt, axis=0) - cnt
    counts = cnt.sum(axis=0)
    nb = (counts + BT - 1) // BT
    csum_nb = jnp.cumsum(nb)
    po = (csum_nb - nb) * BT
    nblocks = csum_nb[-1].reshape(1)
    pos_full = po[None, :] + ranks
    pos8 = jnp.take_along_axis(pos_full, idx8, axis=1)
    block_expert = jnp.minimum(
        jnp.sum(jnp.arange(NBLK, dtype=jnp.int32)[:, None] >= csum_nb[None, :],
                axis=1),
        N_EXPERTS - 1).astype(jnp.int32)

    idx_s = pos8.reshape(_NW, T // _NW, NPK).transpose(0, 2, 1)
    x_sorted = _sc_scatter_rows(x_flat, idx_s, PADTOT)

    y_sorted = pl.pallas_call(
        _mlp_kernel,
        grid_spec=pltpu.PrefetchScalarGridSpec(
            num_scalar_prefetch=2,
            grid=(NBLK,),
            in_specs=[
                pl.BlockSpec((BT, N_EMBD), lambda bi, be, nbl: (bi, 0)),
                pl.BlockSpec((1, HIDDEN, N_EMBD),
                             lambda bi, be, nbl: (be[bi], 0, 0)),
                pl.BlockSpec((1, 1, HIDDEN), lambda bi, be, nbl: (be[bi], 0, 0)),
                pl.BlockSpec((1, N_EMBD, HIDDEN),
                             lambda bi, be, nbl: (be[bi], 0, 0)),
                pl.BlockSpec((1, 1, N_EMBD), lambda bi, be, nbl: (be[bi], 0, 0)),
            ],
            out_specs=pl.BlockSpec((BT, N_EMBD), lambda bi, be, nbl: (bi, 0)),
        ),
        out_shape=jax.ShapeDtypeStruct((PADTOT, N_EMBD), jnp.float32),
    )(block_expert, nblocks, x_sorted, Wfc,
      bfc.reshape(N_EXPERTS, 1, HIDDEN), Wproj,
      bproj.reshape(N_EXPERTS, 1, N_EMBD))

    idx_z = pos8.T.reshape(-1)
    zg_chunk, zg_nch = 128, (NPK * T) // (_NW * 128)
    yg = _sc_gather(y_sorted, idx_z.reshape(_NW, zg_nch, zg_chunk),
                    zg_chunk, zg_nch, NPK * T)

    out = pl.pallas_call(
        _combine_kernel,
        grid=(T // BTC,),
        in_specs=[
            pl.BlockSpec((NPK, BTC, N_EMBD), lambda i: (0, i, 0)),
            pl.BlockSpec((BTC, N_EMBD), lambda i: (i, 0)),
            pl.BlockSpec((BTC, NPK), lambda i: (i, 0)),
            pl.BlockSpec((1, 1), lambda i: (0, 0)),
        ],
        out_specs=pl.BlockSpec((BTC, N_EMBD), lambda i: (i, 0)),
        out_shape=jax.ShapeDtypeStruct((T, N_EMBD), jnp.float32),
    )(yg.reshape(NPK, T, N_EMBD), ref_flat, w8, c.reshape(1, 1))

    return (out.reshape(b, t, ch), rw)

# --- scband reference (transcript-rebuilt; emitter-appended) ---
"""Pipeline reference for scband-dsmo-e-71193377898704 (READ-ONLY COPY).

The authoritative reference and input builder live on the scoring server;
editing this copy changes nothing except your own understanding.
"""

import jax, jax.numpy as jnp
import numpy as np

NUM_EXP = 8
N_EXPERTS = 32
N_EMBD = 256
HIDDEN = 4 * N_EMBD


def mobius_addition(x, y, c):
    x_norm2 = jnp.sum(x * x, axis=-1, keepdims=True)
    y_norm2 = jnp.sum(y * y, axis=-1, keepdims=True)
    ip = jnp.sum(x * y, axis=-1, keepdims=True)
    numerator = (1 + 2 * c * ip + c * y_norm2) * x + (1 - c * x_norm2) * y
    denominator = 1 + 2 * c * ip + c ** 2 * x_norm2 * y_norm2
    return numerator / denominator


def expmap(x, v, c):
    x_norm2 = jnp.sum(x * x, axis=-1, keepdims=True)
    sf = 2.0 / (1.0 + c * x_norm2)
    v_norm = jnp.sqrt(jnp.sum(v * v, axis=-1, keepdims=True))
    second_term = (1.0 / jnp.sqrt(c)) * jnp.tanh(jnp.sqrt(c * sf * v_norm ** 2 / 2.0)) * v / v_norm
    return mobius_addition(x, second_term, c)


def setup_inputs(seed: int = 0) -> dict:
    key = jax.random.key(seed)
    ks = jax.random.split(key, 8)
    B, T = 1, 2048
    x = jax.random.normal(ks[0], (B, T, N_EMBD), dtype=jnp.float32)
    reference_point = jax.random.normal(ks[1], (B, T, N_EMBD), dtype=jnp.float32)
    c = jax.random.uniform(ks[2], (1,), minval=0.1, maxval=1.0, dtype=jnp.float32)
    Wg = jax.random.normal(ks[3], (N_EXPERTS - 1, N_EMBD), dtype=jnp.float32) * 0.02
    bg = jnp.zeros((N_EXPERTS - 1,), dtype=jnp.float32)
    Wfc = jax.random.normal(ks[4], (N_EXPERTS, HIDDEN, N_EMBD), dtype=jnp.float32) * 0.02
    bfc = jnp.zeros((N_EXPERTS, HIDDEN), dtype=jnp.float32)
    Wproj = jax.random.normal(ks[5], (N_EXPERTS, N_EMBD, HIDDEN), dtype=jnp.float32) * 0.02
    bproj = jnp.zeros((N_EXPERTS, N_EMBD), dtype=jnp.float32)
    return {"x": x, "reference_point": reference_point, "c": c, "Wg": Wg, "bg": bg, "Wfc": Wfc, "bfc": bfc, "Wproj": Wproj, "bproj": bproj}


def reference(x, reference_point, c, Wg, bg, Wfc, bfc, Wproj, bproj):
    b, t, ch = x.shape
    x_flat = x.reshape(b * t, ch)
    ref_flat = reference_point.reshape(b * t, ch)
    N = x_flat.shape[0]
    # gate: Linear -> (no noise, eval mode) -> softmax
    gate_val_continuous = jax.nn.softmax(x_flat @ Wg.T + bg, axis=-1)
    biased_gate_vals = gate_val_continuous  # expert_bias is zeros
    gate_vals, gate_val_indices = jax.lax.top_k(biased_gate_vals, NUM_EXP - 1)
    gate_vals = gate_vals / jnp.sum(gate_vals, axis=-1, keepdims=True)
    shared_expert_weight = jnp.ones_like(gate_vals[:, :1]) / NUM_EXP
    gate_vals = jnp.concatenate([shared_expert_weight, gate_vals * (NUM_EXP - 1) / NUM_EXP], axis=-1)
    gate_val_indices = jnp.concatenate([jnp.zeros_like(gate_val_indices[:, :1]), gate_val_indices + 1], axis=-1)
    # dense expert evaluation (all experts on all tokens), eval mode (dropout off)
    h = jnp.einsum('nc,ehc->enh', x_flat, Wfc) + bfc[:, None, :]
    h = jax.nn.gelu(h, approximate=False)
    y = jnp.einsum('enh,ech->enc', h, Wproj) + bproj[:, None, :]
    expert_outputs = expmap(ref_flat[None, :, :], y, c)  # [E, N, C]
    # scatter-add router weights
    router_weights = jnp.zeros((N, N_EXPERTS), dtype=x.dtype)
    router_weights = router_weights.at[jnp.arange(N)[:, None], gate_val_indices].add(gate_vals)
    weighted_outputs = expert_outputs * router_weights.T[:, :, None]
    output = jnp.sum(weighted_outputs, axis=0).reshape(b, t, ch)
    return (output, router_weights)

if __name__ == "__main__":
    import jax
    _d = setup_inputs()
    print(jax.jit(kernel)(*tuple(_d.values())))

</pallas_src>

<mosaic_0001>
#map = affine_map<(d0, d1) -> (0, 0)>
#map1 = affine_map<(d0, d1) -> (0, 0, 0)>
module attributes {stable_mosaic.version = 14 : i64} {
  func.func @scatter_k(%arg0: i32, %arg1: i32, %arg2: memref<2048x256xf32, #tpu.memory_space<hbm>>, %arg3: memref<32x8x64xi32, #tpu.memory_space<hbm>>, %arg4: memref<32768x256xf32, #tpu.memory_space<hbm>>, %arg5: memref<8x64xi32, #tpu.memory_space<vmem>>, %arg6: memref<64x256xf32, #tpu.memory_space<vmem>>, %arg7: memref<!tpu.dma_semaphore, #tpu.memory_space<semaphore_mem>>) attributes {dimension_semantics = [#tpu.dimension_semantics<core_parallel>, #tpu.dimension_semantics<subcore_parallel>], iteration_bounds = array<i64: 2, 16>, scalar_prefetch = 0 : i64, scratch_operands = 3 : i64, tpu.core_type = #tpu.core_type<sc_vector_subcore>, window_params = [{transform_indices = #map}, {transform_indices = #map1}, {transform_indices = #map}]} {
    %mul3A = arith.constant 2 : i32
    %mul3A_0 = arith.muli %arg1, %mul3A : i32
    %add3A = arith.addi %mul3A_0, %arg0 : i32
    "tpu.region"() ({
      %run_scoped3A = tpu.sem_alloc : memref<!tpu.dma_semaphore, #tpu.memory_space<semaphore_mem>>
      %dma_start3A_113 = arith.constant 0 : i32
      %dma_start3A_114 = arith.constant 0 : i32
      %dma_start3A_115 = tpu.memref_slice %arg3[%add3A, %dma_start3A_113, %dma_start3A_114] : memref<32x8x64xi32, #tpu.memory_space<hbm>> -> memref<1x8x64xi32, #tpu.memory_space<hbm>>
      %dma_start3A_116 = tpu.memref_squeeze %dma_start3A_115 : memref<1x8x64xi32, #tpu.memory_space<hbm>> -> memref<8x64xi32, #tpu.memory_space<hbm>>
      %dma_start3A_117 = arith.constant 0 : i32
      %dma_start3A_118 = arith.constant 0 : i32
      %dma_start3A_119 = tpu.memref_slice %arg3[%add3A, %dma_start3A_117, %dma_start3A_118] : memref<32x8x64xi32, #tpu.memory_space<hbm>> -> memref<1x8x64xi32, #tpu.memory_space<hbm>>
      %dma_start3A_120 = tpu.memref_squeeze %dma_start3A_119 : memref<1x8x64xi32, #tpu.memory_space<hbm>> -> memref<8x64xi32, #tpu.memory_space<hbm>>
      tpu.enqueue_dma source(%dma_start3A_120 : memref<8x64xi32, #tpu.memory_space<hbm>>) target(%arg5 : memref<8x64xi32, #tpu.memory_space<vmem>>) target_semaphore(%run_scoped3A : memref<!tpu.dma_semaphore, #tpu.memory_space<semaphore_mem>>)
      %dma_wait3A_121 = arith.constant 0 : i32
      %dma_wait3A_122 = arith.constant 0 : i32
      %dma_wait3A_123 = tpu.memref_slice %arg3[%add3A, %dma_wait3A_121, %dma_wait3A_122] : memref<32x8x64xi32, #tpu.memory_space<hbm>> -> memref<1x8x64xi32, #tpu.memory_space<hbm>>
      %dma_wait3A_124 = tpu.memref_squeeze %dma_wait3A_123 : memref<1x8x64xi32, #tpu.memory_space<hbm>> -> memref<8x64xi32, #tpu.memory_space<hbm>>
      %dma_wait3A_125 = arith.constant 0 : i32
      %dma_wait3A_126 = arith.constant 0 : i32
      %dma_wait3A_127 = tpu.memref_slice %arg3[%add3A, %dma_wait3A_125, %dma_wait3A_126] : memref<32x8x64xi32, #tpu.memory_space<hbm>> -> memref<1x8x64xi32, #tpu.memory_space<hbm>>
      %dma_wait3A_128 = tpu.memref_squeeze %dma_wait3A_127 : memref<1x8x64xi32, #tpu.memory_space<hbm>> -> memref<8x64xi32, #tpu.memory_space<hbm>>
      tpu.wait_dma2 semaphore(%run_scoped3A : memref<!tpu.dma_semaphore, #tpu.memory_space<semaphore_mem>>) src(%dma_wait3A_128 : memref<8x64xi32, #tpu.memory_space<hbm>>) dst(%arg5 : memref<8x64xi32, #tpu.memory_space<vmem>>)
      tpu.yield
    }) : () -> ()
    %mul3A_1 = arith.constant 64 : i32
    %mul3A_2 = arith.muli %add3A, %mul3A_1 : i32
    "tpu.region"() ({
      %run_scoped3A = tpu.sem_alloc : memref<!tpu.dma_semaphore, #tpu.memory_space<semaphore_mem>>
      %dma_start3A_113 = arith.constant 0 : i32
      %dma_start3A_114 = tpu.memref_slice %arg2[%mul3A_2, %dma_start3A_113] : memref<2048x256xf32, #tpu.memory_space<hbm>> -> memref<64x256xf32, #tpu.memory_space<hbm>>
      %dma_start3A_115 = arith.constant 0 : i32
      %dma_start3A_116 = tpu.memref_slice %arg2[%mul3A_2, %dma_start3A_115] : memref<2048x256xf32, #tpu.memory_space<hbm>> -> memref<64x256xf32, #tpu.memory_space<hbm>>
      tpu.enqueue_dma source(%dma_start3A_116 : memref<64x256xf32, #tpu.memory_space<hbm>>) target(%arg6 : memref<64x256xf32, #tpu.memory_space<vmem>>) target_semaphore(%run_scoped3A : memref<!tpu.dma_semaphore, #tpu.memory_space<semaphore_mem>>)
      %dma_wait3A_117 = arith.constant 0 : i32
      %dma_wait3A_118 = tpu.memref_slice %arg2[%mul3A_2, %dma_wait3A_117] : memref<2048x256xf32, #tpu.memory_space<hbm>> -> memref<64x256xf32, #tpu.memory_space<hbm>>
      %dma_wait3A_119 = arith.constant 0 : i32
      %dma_wait3A_120 = tpu.memref_slice %arg2[%mul3A_2, %dma_wait3A_119] : memref<2048x256xf32, #tpu.memory_space<hbm>> -> memref<64x256xf32, #tpu.memory_space<hbm>>
      tpu.wait_dma2 semaphore(%run_scoped3A : memref<!tpu.dma_semaphore, #tpu.memory_space<semaphore_mem>>) src(%dma_wait3A_120 : memref<64x256xf32, #tpu.memory_space<hbm>>) dst(%arg6 : memref<64x256xf32, #tpu.memory_space<vmem>>)
      tpu.yield
    }) : () -> ()
    %dma_start3A = arith.constant 0 : i32
    %dma_start3A_3 = arith.constant 0 : i32
    %dma_start3A_4 = tpu.memref_slice %arg5[%dma_start3A, %dma_start3A_3] : memref<8x64xi32, #tpu.memory_space<vmem>> -> memref<1x64xi32, #tpu.memory_space<vmem>>
    %dma_start3A_5 = tpu.memref_squeeze %dma_start3A_4 : memref<1x64xi32, #tpu.memory_space<vmem>> -> memref<64xi32, #tpu.memory_space<vmem>>
    %dma_start3A_6 = arith.constant 0 : i32
    %dma_start3A_7 = arith.constant 0 : i32
    %dma_start3A_8 = tpu.memref_slice %arg4[%dma_start3A_6, %dma_start3A_7] : memref<32768x256xf32, #tpu.memory_space<hbm>> -> memref<32768x256xf32, #tpu.memory_space<hbm>>
    tpu.enqueue_indirect_dma source(%arg6 : memref<64x256xf32, #tpu.memory_space<vmem>>) target(%dma_start3A_8 : memref<32768x256xf32, #tpu.memory_space<hbm>>) offsets(%dma_start3A_5 : memref<64xi32, #tpu.memory_space<vmem>>) semaphore(%arg7 : memref<!tpu.dma_semaphore, #tpu.memory_space<semaphore_mem>>)
    %dma_start3A_9 = arith.constant 1 : i32
    %dma_start3A_10 = arith.constant 0 : i32
    %dma_start3A_11 = tpu.memref_slice %arg5[%dma_start3A_9, %dma_start3A_10] : memref<8x64xi32, #tpu.memory_space<vmem>> -> memref<1x64xi32, #tpu.memory_space<vmem>>
    %dma_start3A_12 = tpu.memref_squeeze %dma_start3A_11 : memref<1x64xi32, #tpu.memory_space<vmem>> -> memref<64xi32, #tpu.memory_space<vmem>>
    %dma_start3A_13 = arith.constant 0 : i32
    %dma_start3A_14 = arith.constant 0 : i32
    %dma_start3A_15 = tpu.memref_slice %arg4[%dma_start3A_13, %dma_start3A_14] : memref<32768x256xf32, #tpu.memory_space<hbm>> -> memref<32768x256xf32, #tpu.memory_space<hbm>>
    tpu.enqueue_indirect_dma source(%arg6 : memref<64x256xf32, #tpu.memory_space<vmem>>) target(%dma_start3A_15 : memref<32768x256xf32, #tpu.memory_space<hbm>>) offsets(%dma_start3A_12 : memref<64xi32, #tpu.memory_space<vmem>>) semaphore(%arg7 : memref<!tpu.dma_semaphore, #tpu.memory_space<semaphore_mem>>)
    %dma_start3A_16 = arith.constant 2 : i32
    %dma_start3A_17 = arith.constant 0 : i32
    %dma_start3A_18 = tpu.memref_slice %arg5[%dma_start3A_16, %dma_start3A_17] : memref<8x64xi32, #tpu.memory_space<vmem>> -> memref<1x64xi32, #tpu.memory_space<vmem>>
    %dma_start3A_19 = tpu.memref_squeeze %dma_start3A_18 : memref<1x64xi32, #tpu.memory_space<vmem>> -> memref<64xi32, #tpu.memory_space<vmem>>
    %dma_start3A_20 = arith.constant 0 : i32
    %dma_start3A_21 = arith.constant 0 : i32
    %dma_start3A_22 = tpu.memref_slice %arg4[%dma_start3A_20, %dma_start3A_21] : memref<32768x256xf32, #tpu.memory_space<hbm>> -> memref<32768x256xf32, #tpu.memory_space<hbm>>
    tpu.enqueue_indirect_dma source(%arg6 : memref<64x256xf32, #tpu.memory_space<vmem>>) target(%dma_start3A_22 : memref<32768x256xf32, #tpu.memory_space<hbm>>) offsets(%dma_start3A_19 : memref<64xi32, #tpu.memory_space<vmem>>) semaphore(%arg7 : memref<!tpu.dma_semaphore, #tpu.memory_space<semaphore_mem>>)
    %dma_start3A_23 = arith.constant 3 : i32
    %dma_start3A_24 = arith.constant 0 : i32
    %dma_start3A_25 = tpu.memref_slice %arg5[%dma_start3A_23, %dma_start3A_24] : memref<8x64xi32, #tpu.memory_space<vmem>> -> memref<1x64xi32, #tpu.memory_space<vmem>>
    %dma_start3A_26 = tpu.memref_squeeze %dma_start3A_25 : memref<1x64xi32, #tpu.memory_space<vmem>> -> memref<64xi32, #tpu.memory_space<vmem>>
    %dma_start3A_27 = arith.constant 0 : i32
    %dma_start3A_28 = arith.constant 0 : i32
    %dma_start3A_29 = tpu.memref_slice %arg4[%dma_start3A_27, %dma_start3A_28] : memref<32768x256xf32, #tpu.memory_space<hbm>> -> memref<32768x256xf32, #tpu.memory_space<hbm>>
    tpu.enqueue_indirect_dma source(%arg6 : memref<64x256xf32, #tpu.memory_space<vmem>>) target(%dma_start3A_29 : memref<32768x256xf32, #tpu.memory_space<hbm>>) offsets(%dma_start3A_26 : memref<64xi32, #tpu.memory_space<vmem>>) semaphore(%arg7 : memref<!tpu.dma_semaphore, #tpu.memory_space<semaphore_mem>>)
    %dma_start3A_30 = arith.constant 4 : i32
    %dma_start3A_31 = arith.constant 0 : i32
    %dma_start3A_32 = tpu.memref_slice %arg5[%dma_start3A_30, %dma_start3A_31] : memref<8x64xi32, #tpu.memory_space<vmem>> -> memref<1x64xi32, #tpu.memory_space<vmem>>
    %dma_start3A_33 = tpu.memref_squeeze %dma_start3A_32 : memref<1x64xi32, #tpu.memory_space<vmem>> -> memref<64xi32, #tpu.memory_space<vmem>>
    %dma_start3A_34 = arith.constant 0 : i32
    %dma_start3A_35 = arith.constant 0 : i32
    %dma_start3A_36 = tpu.memref_slice %arg4[%dma_start3A_34, %dma_start3A_35] : memref<32768x256xf32, #tpu.memory_space<hbm>> -> memref<32768x256xf32, #tpu.memory_space<hbm>>
    tpu.enqueue_indirect_dma source(%arg6 : memref<64x256xf32, #tpu.memory_space<vmem>>) target(%dma_start3A_36 : memref<32768x256xf32, #tpu.memory_space<hbm>>) offsets(%dma_start3A_33 : memref<64xi32, #tpu.memory_space<vmem>>) semaphore(%arg7 : memref<!tpu.dma_semaphore, #tpu.memory_space<semaphore_mem>>)
    %dma_start3A_37 = arith.constant 5 : i32
    %dma_start3A_38 = arith.constant 0 : i32
    %dma_start3A_39 = tpu.memref_slice %arg5[%dma_start3A_37, %dma_start3A_38] : memref<8x64xi32, #tpu.memory_space<vmem>> -> memref<1x64xi32, #tpu.memory_space<vmem>>
    %dma_start3A_40 = tpu.memref_squeeze %dma_start3A_39 : memref<1x64xi32, #tpu.memory_space<vmem>> -> memref<64xi32, #tpu.memory_space<vmem>>
    %dma_start3A_41 = arith.constant 0 : i32
    %dma_start3A_42 = arith.constant 0 : i32
    %dma_start3A_43 = tpu.memref_slice %arg4[%dma_start3A_41, %dma_start3A_42] : memref<32768x256xf32, #tpu.memory_space<hbm>> -> memref<32768x256xf32, #tpu.memory_space<hbm>>
    tpu.enqueue_indirect_dma source(%arg6 : memref<64x256xf32, #tpu.memory_space<vmem>>) target(%dma_start3A_43 : memref<32768x256xf32, #tpu.memory_space<hbm>>) offsets(%dma_start3A_40 : memref<64xi32, #tpu.memory_space<vmem>>) semaphore(%arg7 : memref<!tpu.dma_semaphore, #tpu.memory_space<semaphore_mem>>)
    %dma_start3A_44 = arith.constant 6 : i32
    %dma_start3A_45 = arith.constant 0 : i32
    %dma_start3A_46 = tpu.memref_slice %arg5[%dma_start3A_44, %dma_start3A_45] : memref<8x64xi32, #tpu.memory_space<vmem>> -> memref<1x64xi32, #tpu.memory_space<vmem>>
    %dma_start3A_47 = tpu.memref_squeeze %dma_start3A_46 : memref<1x64xi32, #tpu.memory_space<vmem>> -> memref<64xi32, #tpu.memory_space<vmem>>
    %dma_start3A_48 = arith.constant 0 : i32
    %dma_start3A_49 = arith.constant 0 : i32
    %dma_start3A_50 = tpu.memref_slice %arg4[%dma_start3A_48, %dma_start3A_49] : memref<32768x256xf32, #tpu.memory_space<hbm>> -> memref<32768x256xf32, #tpu.memory_space<hbm>>
    tpu.enqueue_indirect_dma source(%arg6 : memref<64x256xf32, #tpu.memory_space<vmem>>) target(%dma_start3A_50 : memref<32768x256xf32, #tpu.memory_space<hbm>>) offsets(%dma_start3A_47 : memref<64xi32, #tpu.memory_space<vmem>>) semaphore(%arg7 : memref<!tpu.dma_semaphore, #tpu.memory_space<semaphore_mem>>)
    %dma_start3A_51 = arith.constant 7 : i32
    %dma_start3A_52 = arith.constant 0 : i32
    %dma_start3A_53 = tpu.memref_slice %arg5[%dma_start3A_51, %dma_start3A_52] : memref<8x64xi32, #tpu.memory_space<vmem>> -> memref<1x64xi32, #tpu.memory_space<vmem>>
    %dma_start3A_54 = tpu.memref_squeeze %dma_start3A_53 : memref<1x64xi32, #tpu.memory_space<vmem>> -> memref<64xi32, #tpu.memory_space<vmem>>
    %dma_start3A_55 = arith.constant 0 : i32
    %dma_start3A_56 = arith.constant 0 : i32
    %dma_start3A_57 = tpu.memref_slice %arg4[%dma_start3A_55, %dma_start3A_56] : memref<32768x256xf32, #tpu.memory_space<hbm>> -> memref<32768x256xf32, #tpu.memory_space<hbm>>
    tpu.enqueue_indirect_dma source(%arg6 : memref<64x256xf32, #tpu.memory_space<vmem>>) target(%dma_start3A_57 : memref<32768x256xf32, #tpu.memory_space<hbm>>) offsets(%dma_start3A_54 : memref<64xi32, #tpu.memory_space<vmem>>) semaphore(%arg7 : memref<!tpu.dma_semaphore, #tpu.memory_space<semaphore_mem>>)
    %dma_wait3A = arith.constant 0 : i32
    %dma_wait3A_58 = arith.constant 0 : i32
    %dma_wait3A_59 = tpu.memref_slice %arg5[%dma_wait3A, %dma_wait3A_58] : memref<8x64xi32, #tpu.memory_space<vmem>> -> memref<1x64xi32, #tpu.memory_space<vmem>>
    %dma_wait3A_60 = tpu.memref_squeeze %dma_wait3A_59 : memref<1x64xi32, #tpu.memory_space<vmem>> -> memref<64xi32, #tpu.memory_space<vmem>>
    %dma_wait3A_61 = arith.constant 0 : i32
    %dma_wait3A_62 = arith.constant 0 : i32
    %dma_wait3A_63 = tpu.memref_slice %arg4[%dma_wait3A_61, %dma_wait3A_62] : memref<32768x256xf32, #tpu.memory_space<hbm>> -> memref<32768x256xf32, #tpu.memory_space<hbm>>
    tpu.wait_indirect_dma semaphore(%arg7 : memref<!tpu.dma_semaphore, #tpu.memory_space<semaphore_mem>>) src(%arg6 : memref<64x256xf32, #tpu.memory_space<vmem>>) dst(%dma_wait3A_63 : memref<32768x256xf32, #tpu.memory_space<hbm>>)
    %dma_wait3A_64 = arith.constant 1 : i32
    %dma_wait3A_65 = arith.constant 0 : i32
    %dma_wait3A_66 = tpu.memref_slice %arg5[%dma_wait3A_64, %dma_wait3A_65] : memref<8x64xi32, #tpu.memory_space<vmem>> -> memref<1x64xi32, #tpu.memory_space<vmem>>
    %dma_wait3A_67 = tpu.memref_squeeze %dma_wait3A_66 : memref<1x64xi32, #tpu.memory_space<vmem>> -> memref<64xi32, #tpu.memory_space<vmem>>
    %dma_wait3A_68 = arith.constant 0 : i32
    %dma_wait3A_69 = arith.constant 0 : i32
    %dma_wait3A_70 = tpu.memref_slice %arg4[%dma_wait3A_68, %dma_wait3A_69] : memref<32768x256xf32, #tpu.memory_space<hbm>> -> memref<32768x256xf32, #tpu.memory_space<hbm>>
    tpu.wait_indirect_dma semaphore(%arg7 : memref<!tpu.dma_semaphore, #tpu.memory_space<semaphore_mem>>) src(%arg6 : memref<64x256xf32, #tpu.memory_space<vmem>>) dst(%dma_wait3A_70 : memref<32768x256xf32, #tpu.memory_space<hbm>>)
    %dma_wait3A_71 = arith.constant 2 : i32
    %dma_wait3A_72 = arith.constant 0 : i32
    %dma_wait3A_73 = tpu.memref_slice %arg5[%dma_wait3A_71, %dma_wait3A_72] : memref<8x64xi32, #tpu.memory_space<vmem>> -> memref<1x64xi32, #tpu.memory_space<vmem>>
    %dma_wait3A_74 = tpu.memref_squeeze %dma_wait3A_73 : memref<1x64xi32, #tpu.memory_space<vmem>> -> memref<64xi32, #tpu.memory_space<vmem>>
    %dma_wait3A_75 = arith.constant 0 : i32
    %dma_wait3A_76 = arith.constant 0 : i32
    %dma_wait3A_77 = tpu.memref_slice %arg4[%dma_wait3A_75, %dma_wait3A_76] : memref<32768x256xf32, #tpu.memory_space<hbm>> -> memref<32768x256xf32, #tpu.memory_space<hbm>>
    tpu.wait_indirect_dma semaphore(%arg7 : memref<!tpu.dma_semaphore, #tpu.memory_space<semaphore_mem>>) src(%arg6 : memref<64x256xf32, #tpu.memory_space<vmem>>) dst(%dma_wait3A_77 : memref<32768x256xf32, #tpu.memory_space<hbm>>)
    %dma_wait3A_78 = arith.constant 3 : i32
    %dma_wait3A_79 = arith.constant 0 : i32
    %dma_wait3A_80 = tpu.memref_slice %arg5[%dma_wait3A_78, %dma_wait3A_79] : memref<8x64xi32, #tpu.memory_space<vmem>> -> memref<1x64xi32, #tpu.memory_space<vmem>>
    %dma_wait3A_81 = tpu.memref_squeeze %dma_wait3A_80 : memref<1x64xi32, #tpu.memory_space<vmem>> -> memref<64xi32, #tpu.memory_space<vmem>>
    %dma_wait3A_82 = arith.constant 0 : i32
    %dma_wait3A_83 = arith.constant 0 : i32
    %dma_wait3A_84 = tpu.memref_slice %arg4[%dma_wait3A_82, %dma_wait3A_83] : memref<32768x256xf32, #tpu.memory_space<hbm>> -> memref<32768x256xf32, #tpu.memory_space<hbm>>
    tpu.wait_indirect_dma semaphore(%arg7 : memref<!tpu.dma_semaphore, #tpu.memory_space<semaphore_mem>>) src(%arg6 : memref<64x256xf32, #tpu.memory_space<vmem>>) dst(%dma_wait3A_84 : memref<32768x256xf32, #tpu.memory_space<hbm>>)
    %dma_wait3A_85 = arith.constant 4 : i32
    %dma_wait3A_86 = arith.constant 0 : i32
    %dma_wait3A_87 = tpu.memref_slice %arg5[%dma_wait3A_85, %dma_wait3A_86] : memref<8x64xi32, #tpu.memory_space<vmem>> -> memref<1x64xi32, #tpu.memory_space<vmem>>
    %dma_wait3A_88 = tpu.memref_squeeze %dma_wait3A_87 : memref<1x64xi32, #tpu.memory_space<vmem>> -> memref<64xi32, #tpu.memory_space<vmem>>
    %dma_wait3A_89 = arith.constant 0 : i32
    %dma_wait3A_90 = arith.constant 0 : i32
    %dma_wait3A_91 = tpu.memref_slice %arg4[%dma_wait3A_89, %dma_wait3A_90] : memref<32768x256xf32, #tpu.memory_space<hbm>> -> memref<32768x256xf32, #tpu.memory_space<hbm>>
    tpu.wait_indirect_dma semaphore(%arg7 : memref<!tpu.dma_semaphore, #tpu.memory_space<semaphore_mem>>) src(%arg6 : memref<64x256xf32, #tpu.memory_space<vmem>>) dst(%dma_wait3A_91 : memref<32768x256xf32, #tpu.memory_space<hbm>>)
    %dma_wait3A_92 = arith.constant 5 : i32
    %dma_wait3A_93 = arith.constant 0 : i32
    %dma_wait3A_94 = tpu.memref_slice %arg5[%dma_wait3A_92, %dma_wait3A_93] : memref<8x64xi32, #tpu.memory_space<vmem>> -> memref<1x64xi32, #tpu.memory_space<vmem>>
    %dma_wait3A_95 = tpu.memref_squeeze %dma_wait3A_94 : memref<1x64xi32, #tpu.memory_space<vmem>> -> memref<64xi32, #tpu.memory_space<vmem>>
    %dma_wait3A_96 = arith.constant 0 : i32
    %dma_wait3A_97 = arith.constant 0 : i32
    %dma_wait3A_98 = tpu.memref_slice %arg4[%dma_wait3A_96, %dma_wait3A_97] : memref<32768x256xf32, #tpu.memory_space<hbm>> -> memref<32768x256xf32, #tpu.memory_space<hbm>>
    tpu.wait_indirect_dma semaphore(%arg7 : memref<!tpu.dma_semaphore, #tpu.memory_space<semaphore_mem>>) src(%arg6 : memref<64x256xf32, #tpu.memory_space<vmem>>) dst(%dma_wait3A_98 : memref<32768x256xf32, #tpu.memory_space<hbm>>)
    %dma_wait3A_99 = arith.constant 6 : i32
    %dma_wait3A_100 = arith.constant 0 : i32
    %dma_wait3A_101 = tpu.memref_slice %arg5[%dma_wait3A_99, %dma_wait3A_100] : memref<8x64xi32, #tpu.memory_space<vmem>> -> memref<1x64xi32, #tpu.memory_space<vmem>>
    %dma_wait3A_102 = tpu.memref_squeeze %dma_wait3A_101 : memref<1x64xi32, #tpu.memory_space<vmem>> -> memref<64xi32, #tpu.memory_space<vmem>>
    %dma_wait3A_103 = arith.constant 0 : i32
    %dma_wait3A_104 = arith.constant 0 : i32
    %dma_wait3A_105 = tpu.memref_slice %arg4[%dma_wait3A_103, %dma_wait3A_104] : memref<32768x256xf32, #tpu.memory_space<hbm>> -> memref<32768x256xf32, #tpu.memory_space<hbm>>
    tpu.wait_indirect_dma semaphore(%arg7 : memref<!tpu.dma_semaphore, #tpu.memory_space<semaphore_mem>>) src(%arg6 : memref<64x256xf32, #tpu.memory_space<vmem>>) dst(%dma_wait3A_105 : memref<32768x256xf32, #tpu.memory_space<hbm>>)
    %dma_wait3A_106 = arith.constant 7 : i32
    %dma_wait3A_107 = arith.constant 0 : i32
    %dma_wait3A_108 = tpu.memref_slice %arg5[%dma_wait3A_106, %dma_wait3A_107] : memref<8x64xi32, #tpu.memory_space<vmem>> -> memref<1x64xi32, #tpu.memory_space<vmem>>
    %dma_wait3A_109 = tpu.memref_squeeze %dma_wait3A_108 : memref<1x64xi32, #tpu.memory_space<vmem>> -> memref<64xi32, #tpu.memory_space<vmem>>
    %dma_wait3A_110 = arith.constant 0 : i32
    %dma_wait3A_111 = arith.constant 0 : i32
    %dma_wait3A_112 = tpu.memref_slice %arg4[%dma_wait3A_110, %dma_wait3A_111] : memref<32768x256xf32, #tpu.memory_space<hbm>> -> memref<32768x256xf32, #tpu.memory_space<hbm>>
    tpu.wait_indirect_dma semaphore(%arg7 : memref<!tpu.dma_semaphore, #tpu.memory_space<semaphore_mem>>) src(%arg6 : memref<64x256xf32, #tpu.memory_space<vmem>>) dst(%dma_wait3A_112 : memref<32768x256xf32, #tpu.memory_space<hbm>>)
    return
  }
}

#map = affine_map<(d0, d1) -> (0, 0)>
#map1 = affine_map<(d0, d1) -> (0, 0, 0)>
module attributes {stable_mosaic.version = 14 : i64} {
  func.func @gather_k(%arg0: i32, %arg1: i32, %arg2: memref<32768x256xf32, #tpu.memory_space<hbm>>, %arg3: memref<32x4x128xi32, #tpu.memory_space<hbm>>, %arg4: memref<16384x256xf32, #tpu.memory_space<hbm>>, %arg5: memref<4x128xi32, #tpu.memory_space<vmem>>, %arg6: memref<128x256xf32, #tpu.memory_space<vmem>>, %arg7: memref<!tpu.dma_semaphore, #tpu.memory_space<semaphore_mem>>) attributes {dimension_semantics = [#tpu.dimension_semantics<core_parallel>, #tpu.dimension_semantics<subcore_parallel>], iteration_bounds = array<i64: 2, 16>, scalar_prefetch = 0 : i64, scratch_operands = 3 : i64, tpu.core_type = #tpu.core_type<sc_vector_subcore>, window_params = [{transform_indices = #map}, {transform_indices = #map1}, {transform_indices = #map}]} {
    %mul3A = arith.constant 2 : i32
    %mul3A_0 = arith.muli %arg1, %mul3A : i32
    %add3A = arith.addi %mul3A_0, %arg0 : i32
    %mul3A_1 = arith.constant 512 : i32
    %mul3A_2 = arith.muli %add3A, %mul3A_1 : i32
    "tpu.region"() ({
      %run_scoped3A = tpu.sem_alloc : memref<!tpu.dma_semaphore, #tpu.memory_space<semaphore_mem>>
      %dma_start3A_65 = arith.constant 0 : i32
      %dma_start3A_66 = arith.constant 0 : i32
      %dma_start3A_67 = tpu.memref_slice %arg3[%add3A, %dma_start3A_65, %dma_start3A_66] : memref<32x4x128xi32, #tpu.memory_space<hbm>> -> memref<1x4x128xi32, #tpu.memory_space<hbm>>
      %dma_start3A_68 = tpu.memref_squeeze %dma_start3A_67 : memref<1x4x128xi32, #tpu.memory_space<hbm>> -> memref<4x128xi32, #tpu.memory_space<hbm>>
      %dma_start3A_69 = arith.constant 0 : i32
      %dma_start3A_70 = arith.constant 0 : i32
      %dma_start3A_71 = tpu.memref_slice %arg3[%add3A, %dma_start3A_69, %dma_start3A_70] : memref<32x4x128xi32, #tpu.memory_space<hbm>> -> memref<1x4x128xi32, #tpu.memory_space<hbm>>
      %dma_start3A_72 = tpu.memref_squeeze %dma_start3A_71 : memref<1x4x128xi32, #tpu.memory_space<hbm>> -> memref<4x128xi32, #tpu.memory_space<hbm>>
      tpu.enqueue_dma source(%dma_start3A_72 : memref<4x128xi32, #tpu.memory_space<hbm>>) target(%arg5 : memref<4x128xi32, #tpu.memory_space<vmem>>) target_semaphore(%run_scoped3A : memref<!tpu.dma_semaphore, #tpu.memory_space<semaphore_mem>>)
      %dma_wait3A_73 = arith.constant 0 : i32
      %dma_wait3A_74 = arith.constant 0 : i32
      %dma_wait3A_75 = tpu.memref_slice %arg3[%add3A, %dma_wait3A_73, %dma_wait3A_74] : memref<32x4x128xi32, #tpu.memory_space<hbm>> -> memref<1x4x128xi32, #tpu.memory_space<hbm>>
      %dma_wait3A_76 = tpu.memref_squeeze %dma_wait3A_75 : memref<1x4x128xi32, #tpu.memory_space<hbm>> -> memref<4x128xi32, #tpu.memory_space<hbm>>
      %dma_wait3A_77 = arith.constant 0 : i32
      %dma_wait3A_78 = arith.constant 0 : i32
      %dma_wait3A_79 = tpu.memref_slice %arg3[%add3A, %dma_wait3A_77, %dma_wait3A_78] : memref<32x4x128xi32, #tpu.memory_space<hbm>> -> memref<1x4x128xi32, #tpu.memory_space<hbm>>
      %dma_wait3A_80 = tpu.memref_squeeze %dma_wait3A_79 : memref<1x4x128xi32, #tpu.memory_space<hbm>> -> memref<4x128xi32, #tpu.memory_space<hbm>>
      tpu.wait_dma2 semaphore(%run_scoped3A : memref<!tpu.dma_semaphore, #tpu.memory_space<semaphore_mem>>) src(%dma_wait3A_80 : memref<4x128xi32, #tpu.memory_space<hbm>>) dst(%arg5 : memref<4x128xi32, #tpu.memory_space<vmem>>)
      tpu.yield
    }) : () -> ()
    %dma_start3A = arith.constant 0 : i32
    %dma_start3A_3 = arith.constant 0 : i32
    %dma_start3A_4 = tpu.memref_slice %arg5[%dma_start3A, %dma_start3A_3] : memref<4x128xi32, #tpu.memory_space<vmem>> -> memref<1x128xi32, #tpu.memory_space<vmem>>
    %dma_start3A_5 = tpu.memref_squeeze %dma_start3A_4 : memref<1x128xi32, #tpu.memory_space<vmem>> -> memref<128xi32, #tpu.memory_space<vmem>>
    %dma_start3A_6 = arith.constant 0 : i32
    %dma_start3A_7 = arith.constant 0 : i32
    %dma_start3A_8 = tpu.memref_slice %arg2[%dma_start3A_6, %dma_start3A_7] : memref<32768x256xf32, #tpu.memory_space<hbm>> -> memref<32768x256xf32, #tpu.memory_space<hbm>>
    tpu.enqueue_indirect_dma source(%dma_start3A_8 : memref<32768x256xf32, #tpu.memory_space<hbm>>) target(%arg6 : memref<128x256xf32, #tpu.memory_space<vmem>>) offsets(%dma_start3A_5 : memref<128xi32, #tpu.memory_space<vmem>>) semaphore(%arg7 : memref<!tpu.dma_semaphore, #tpu.memory_space<semaphore_mem>>)
    %dma_wait3A = arith.constant 0 : i32
    %dma_wait3A_9 = arith.constant 0 : i32
    %dma_wait3A_10 = tpu.memref_slice %arg5[%dma_wait3A, %dma_wait3A_9] : memref<4x128xi32, #tpu.memory_space<vmem>> -> memref<1x128xi32, #tpu.memory_space<vmem>>
    %dma_wait3A_11 = tpu.memref_squeeze %dma_wait3A_10 : memref<1x128xi32, #tpu.memory_space<vmem>> -> memref<128xi32, #tpu.memory_space<vmem>>
    %dma_wait3A_12 = arith.constant 0 : i32
    %dma_wait3A_13 = arith.constant 0 : i32
    %dma_wait3A_14 = tpu.memref_slice %arg2[%dma_wait3A_12, %dma_wait3A_13] : memref<32768x256xf32, #tpu.memory_space<hbm>> -> memref<32768x256xf32, #tpu.memory_space<hbm>>
    tpu.wait_indirect_dma semaphore(%arg7 : memref<!tpu.dma_semaphore, #tpu.memory_space<semaphore_mem>>) src(%dma_wait3A_14 : memref<32768x256xf32, #tpu.memory_space<hbm>>) dst(%arg6 : memref<128x256xf32, #tpu.memory_space<vmem>>)
    %add3A_15 = arith.constant 0 : i32
    %add3A_16 = arith.addi %mul3A_2, %add3A_15 : i32
    "tpu.region"() ({
      %run_scoped3A = tpu.sem_alloc : memref<!tpu.dma_semaphore, #tpu.memory_space<semaphore_mem>>
      %dma_start3A_65 = arith.constant 0 : i32
      %dma_start3A_66 = tpu.memref_slice %arg4[%add3A_16, %dma_start3A_65] : memref<16384x256xf32, #tpu.memory_space<hbm>> -> memref<128x256xf32, #tpu.memory_space<hbm>>
      %dma_start3A_67 = arith.constant 0 : i32
      %dma_start3A_68 = tpu.memref_slice %arg4[%add3A_16, %dma_start3A_67] : memref<16384x256xf32, #tpu.memory_space<hbm>> -> memref<128x256xf32, #tpu.memory_space<hbm>>
      tpu.enqueue_dma source(%arg6 : memref<128x256xf32, #tpu.memory_space<vmem>>) target(%dma_start3A_68 : memref<128x256xf32, #tpu.memory_space<hbm>>) target_semaphore(%run_scoped3A : memref<!tpu.dma_semaphore, #tpu.memory_space<semaphore_mem>>)
      %dma_wait3A_69 = arith.constant 0 : i32
      %dma_wait3A_70 = tpu.memref_slice %arg4[%add3A_16, %dma_wait3A_69] : memref<16384x256xf32, #tpu.memory_space<hbm>> -> memref<128x256xf32, #tpu.memory_space<hbm>>
      %dma_wait3A_71 = arith.constant 0 : i32
      %dma_wait3A_72 = tpu.memref_slice %arg4[%add3A_16, %dma_wait3A_71] : memref<16384x256xf32, #tpu.memory_space<hbm>> -> memref<128x256xf32, #tpu.memory_space<hbm>>
      tpu.wait_dma2 semaphore(%run_scoped3A : memref<!tpu.dma_semaphore, #tpu.memory_space<semaphore_mem>>) src(%arg6 : memref<128x256xf32, #tpu.memory_space<vmem>>) dst(%dma_wait3A_72 : memref<128x256xf32, #tpu.memory_space<hbm>>)
      tpu.yield
    }) : () -> ()
    %dma_start3A_17 = arith.constant 1 : i32
    %dma_start3A_18 = arith.constant 0 : i32
    %dma_start3A_19 = tpu.memref_slice %arg5[%dma_start3A_17, %dma_start3A_18] : memref<4x128xi32, #tpu.memory_space<vmem>> -> memref<1x128xi32, #tpu.memory_space<vmem>>
    %dma_start3A_20 = tpu.memref_squeeze %dma_start3A_19 : memref<1x128xi32, #tpu.memory_space<vmem>> -> memref<128xi32, #tpu.memory_space<vmem>>
    %dma_start3A_21 = arith.constant 0 : i32
    %dma_start3A_22 = arith.constant 0 : i32
    %dma_start3A_23 = tpu.memref_slice %arg2[%dma_start3A_21, %dma_start3A_22] : memref<32768x256xf32, #tpu.memory_space<hbm>> -> memref<32768x256xf32, #tpu.memory_space<hbm>>
    tpu.enqueue_indirect_dma source(%dma_start3A_23 : memref<32768x256xf32, #tpu.memory_space<hbm>>) target(%arg6 : memref<128x256xf32, #tpu.memory_space<vmem>>) offsets(%dma_start3A_20 : memref<128xi32, #tpu.memory_space<vmem>>) semaphore(%arg7 : memref<!tpu.dma_semaphore, #tpu.memory_space<semaphore_mem>>)
    %dma_wait3A_24 = arith.constant 1 : i32
    %dma_wait3A_25 = arith.constant 0 : i32
    %dma_wait3A_26 = tpu.memref_slice %arg5[%dma_wait3A_24, %dma_wait3A_25] : memref<4x128xi32, #tpu.memory_space<vmem>> -> memref<1x128xi32, #tpu.memory_space<vmem>>
    %dma_wait3A_27 = tpu.memref_squeeze %dma_wait3A_26 : memref<1x128xi32, #tpu.memory_space<vmem>> -> memref<128xi32, #tpu.memory_space<vmem>>
    %dma_wait3A_28 = arith.constant 0 : i32
    %dma_wait3A_29 = arith.constant 0 : i32
    %dma_wait3A_30 = tpu.memref_slice %arg2[%dma_wait3A_28, %dma_wait3A_29] : memref<32768x256xf32, #tpu.memory_space<hbm>> -> memref<32768x256xf32, #tpu.memory_space<hbm>>
    tpu.wait_indirect_dma semaphore(%arg7 : memref<!tpu.dma_semaphore, #tpu.memory_space<semaphore_mem>>) src(%dma_wait3A_30 : memref<32768x256xf32, #tpu.memory_space<hbm>>) dst(%arg6 : memref<128x256xf32, #tpu.memory_space<vmem>>)
    %add3A_31 = arith.constant 128 : i32
    %add3A_32 = arith.addi %mul3A_2, %add3A_31 : i32
    "tpu.region"() ({
      %run_scoped3A = tpu.sem_alloc : memref<!tpu.dma_semaphore, #tpu.memory_space<semaphore_mem>>
      %dma_start3A_65 = arith.constant 0 : i32
      %dma_start3A_66 = tpu.memref_slice %arg4[%add3A_32, %dma_start3A_65] : memref<16384x256xf32, #tpu.memory_space<hbm>> -> memref<128x256xf32, #tpu.memory_space<hbm>>
      %dma_start3A_67 = arith.constant 0 : i32
      %dma_start3A_68 = tpu.memref_slice %arg4[%add3A_32, %dma_start3A_67] : memref<16384x256xf32, #tpu.memory_space<hbm>> -> memref<128x256xf32, #tpu.memory_space<hbm>>
      tpu.enqueue_dma source(%arg6 : memref<128x256xf32, #tpu.memory_space<vmem>>) target(%dma_start3A_68 : memref<128x256xf32, #tpu.memory_space<hbm>>) target_semaphore(%run_scoped3A : memref<!tpu.dma_semaphore, #tpu.memory_space<semaphore_mem>>)
      %dma_wait3A_69 = arith.constant 0 : i32
      %dma_wait3A_70 = tpu.memref_slice %arg4[%add3A_32, %dma_wait3A_69] : memref<16384x256xf32, #tpu.memory_space<hbm>> -> memref<128x256xf32, #tpu.memory_space<hbm>>
      %dma_wait3A_71 = arith.constant 0 : i32
      %dma_wait3A_72 = tpu.memref_slice %arg4[%add3A_32, %dma_wait3A_71] : memref<16384x256xf32, #tpu.memory_space<hbm>> -> memref<128x256xf32, #tpu.memory_space<hbm>>
      tpu.wait_dma2 semaphore(%run_scoped3A : memref<!tpu.dma_semaphore, #tpu.memory_space<semaphore_mem>>) src(%arg6 : memref<128x256xf32, #tpu.memory_space<vmem>>) dst(%dma_wait3A_72 : memref<128x256xf32, #tpu.memory_space<hbm>>)
      tpu.yield
    }) : () -> ()
    %dma_start3A_33 = arith.constant 2 : i32
    %dma_start3A_34 = arith.constant 0 : i32
    %dma_start3A_35 = tpu.memref_slice %arg5[%dma_start3A_33, %dma_start3A_34] : memref<4x128xi32, #tpu.memory_space<vmem>> -> memref<1x128xi32, #tpu.memory_space<vmem>>
    %dma_start3A_36 = tpu.memref_squeeze %dma_start3A_35 : memref<1x128xi32, #tpu.memory_space<vmem>> -> memref<128xi32, #tpu.memory_space<vmem>>
    %dma_start3A_37 = arith.constant 0 : i32
    %dma_start3A_38 = arith.constant 0 : i32
    %dma_start3A_39 = tpu.memref_slice %arg2[%dma_start3A_37, %dma_start3A_38] : memref<32768x256xf32, #tpu.memory_space<hbm>> -> memref<32768x256xf32, #tpu.memory_space<hbm>>
    tpu.enqueue_indirect_dma source(%dma_start3A_39 : memref<32768x256xf32, #tpu.memory_space<hbm>>) target(%arg6 : memref<128x256xf32, #tpu.memory_space<vmem>>) offsets(%dma_start3A_36 : memref<128xi32, #tpu.memory_space<vmem>>) semaphore(%arg7 : memref<!tpu.dma_semaphore, #tpu.memory_space<semaphore_mem>>)
    %dma_wait3A_40 = arith.constant 2 : i32
    %dma_wait3A_41 = arith.constant 0 : i32
    %dma_wait3A_42 = tpu.memref_slice %arg5[%dma_wait3A_40, %dma_wait3A_41] : memref<4x128xi32, #tpu.memory_space<vmem>> -> memref<1x128xi32, #tpu.memory_space<vmem>>
    %dma_wait3A_43 = tpu.memref_squeeze %dma_wait3A_42 : memref<1x128xi32, #tpu.memory_space<vmem>> -> memref<128xi32, #tpu.memory_space<vmem>>
    %dma_wait3A_44 = arith.constant 0 : i32
    %dma_wait3A_45 = arith.constant 0 : i32
    %dma_wait3A_46 = tpu.memref_slice %arg2[%dma_wait3A_44, %dma_wait3A_45] : memref<32768x256xf32, #tpu.memory_space<hbm>> -> memref<32768x256xf32, #tpu.memory_space<hbm>>
    tpu.wait_indirect_dma semaphore(%arg7 : memref<!tpu.dma_semaphore, #tpu.memory_space<semaphore_mem>>) src(%dma_wait3A_46 : memref<32768x256xf32, #tpu.memory_space<hbm>>) dst(%arg6 : memref<128x256xf32, #tpu.memory_space<vmem>>)
    %add3A_47 = arith.constant 256 : i32
    %add3A_48 = arith.addi %mul3A_2, %add3A_47 : i32
    "tpu.region"() ({
      %run_scoped3A = tpu.sem_alloc : memref<!tpu.dma_semaphore, #tpu.memory_space<semaphore_mem>>
      %dma_start3A_65 = arith.constant 0 : i32
      %dma_start3A_66 = tpu.memref_slice %arg4[%add3A_48, %dma_start3A_65] : memref<16384x256xf32, #tpu.memory_space<hbm>> -> memref<128x256xf32, #tpu.memory_space<hbm>>
      %dma_start3A_67 = arith.constant 0 : i32
      %dma_start3A_68 = tpu.memref_slice %arg4[%add3A_48, %dma_start3A_67] : memref<16384x256xf32, #tpu.memory_space<hbm>> -> memref<128x256xf32, #tpu.memory_space<hbm>>
      tpu.enqueue_dma source(%arg6 : memref<128x256xf32, #tpu.memory_space<vmem>>) target(%dma_start3A_68 : memref<128x256xf32, #tpu.memory_space<hbm>>) target_semaphore(%run_scoped3A : memref<!tpu.dma_semaphore, #tpu.memory_space<semaphore_mem>>)
      %dma_wait3A_69 = arith.constant 0 : i32
      %dma_wait3A_70 = tpu.memref_slice %arg4[%add3A_48, %dma_wait3A_69] : memref<16384x256xf32, #tpu.memory_space<hbm>> -> memref<128x256xf32, #tpu.memory_space<hbm>>
      %dma_wait3A_71 = arith.constant 0 : i32
      %dma_wait3A_72 = tpu.memref_slice %arg4[%add3A_48, %dma_wait3A_71] : memref<16384x256xf32, #tpu.memory_space<hbm>> -> memref<128x256xf32, #tpu.memory_space<hbm>>
      tpu.wait_dma2 semaphore(%run_scoped3A : memref<!tpu.dma_semaphore, #tpu.memory_space<semaphore_mem>>) src(%arg6 : memref<128x256xf32, #tpu.memory_space<vmem>>) dst(%dma_wait3A_72 : memref<128x256xf32, #tpu.memory_space<hbm>>)
      tpu.yield
    }) : () -> ()
    %dma_start3A_49 = arith.constant 3 : i32
    %dma_start3A_50 = arith.constant 0 : i32
    %dma_start3A_51 = tpu.memref_slice %arg5[%dma_start3A_49, %dma_start3A_50] : memref<4x128xi32, #tpu.memory_space<vmem>> -> memref<1x128xi32, #tpu.memory_space<vmem>>
    %dma_start3A_52 = tpu.memref_squeeze %dma_start3A_51 : memref<1x128xi32, #tpu.memory_space<vmem>> -> memref<128xi32, #tpu.memory_space<vmem>>
    %dma_start3A_53 = arith.constant 0 : i32
    %dma_start3A_54 = arith.constant 0 : i32
    %dma_start3A_55 = tpu.memref_slice %arg2[%dma_start3A_53, %dma_start3A_54] : memref<32768x256xf32, #tpu.memory_space<hbm>> -> memref<32768x256xf32, #tpu.memory_space<hbm>>
    tpu.enqueue_indirect_dma source(%dma_start3A_55 : memref<32768x256xf32, #tpu.memory_space<hbm>>) target(%arg6 : memref<128x256xf32, #tpu.memory_space<vmem>>) offsets(%dma_start3A_52 : memref<128xi32, #tpu.memory_space<vmem>>) semaphore(%arg7 : memref<!tpu.dma_semaphore, #tpu.memory_space<semaphore_mem>>)
    %dma_wait3A_56 = arith.constant 3 : i32
    %dma_wait3A_57 = arith.constant 0 : i32
    %dma_wait3A_58 = tpu.memref_slice %arg5[%dma_wait3A_56, %dma_wait3A_57] : memref<4x128xi32, #tpu.memory_space<vmem>> -> memref<1x128xi32, #tpu.memory_space<vmem>>
    %dma_wait3A_59 = tpu.memref_squeeze %dma_wait3A_58 : memref<1x128xi32, #tpu.memory_space<vmem>> -> memref<128xi32, #tpu.memory_space<vmem>>
    %dma_wait3A_60 = arith.constant 0 : i32
    %dma_wait3A_61 = arith.constant 0 : i32
    %dma_wait3A_62 = tpu.memref_slice %arg2[%dma_wait3A_60, %dma_wait3A_61] : memref<32768x256xf32, #tpu.memory_space<hbm>> -> memref<32768x256xf32, #tpu.memory_space<hbm>>
    tpu.wait_indirect_dma semaphore(%arg7 : memref<!tpu.dma_semaphore, #tpu.memory_space<semaphore_mem>>) src(%dma_wait3A_62 : memref<32768x256xf32, #tpu.memory_space<hbm>>) dst(%arg6 : memref<128x256xf32, #tpu.memory_space<vmem>>)
    %add3A_63 = arith.constant 384 : i32
    %add3A_64 = arith.addi %mul3A_2, %add3A_63 : i32
    "tpu.region"() ({
      %run_scoped3A = tpu.sem_alloc : memref<!tpu.dma_semaphore, #tpu.memory_space<semaphore_mem>>
      %dma_start3A_65 = arith.constant 0 : i32
      %dma_start3A_66 = tpu.memref_slice %arg4[%add3A_64, %dma_start3A_65] : memref<16384x256xf32, #tpu.memory_space<hbm>> -> memref<128x256xf32, #tpu.memory_space<hbm>>
      %dma_start3A_67 = arith.constant 0 : i32
      %dma_start3A_68 = tpu.memref_slice %arg4[%add3A_64, %dma_start3A_67] : memref<16384x256xf32, #tpu.memory_space<hbm>> -> memref<128x256xf32, #tpu.memory_space<hbm>>
      tpu.enqueue_dma source(%arg6 : memref<128x256xf32, #tpu.memory_space<vmem>>) target(%dma_start3A_68 : memref<128x256xf32, #tpu.memory_space<hbm>>) target_semaphore(%run_scoped3A : memref<!tpu.dma_semaphore, #tpu.memory_space<semaphore_mem>>)
      %dma_wait3A_69 = arith.constant 0 : i32
      %dma_wait3A_70 = tpu.memref_slice %arg4[%add3A_64, %dma_wait3A_69] : memref<16384x256xf32, #tpu.memory_space<hbm>> -> memref<128x256xf32, #tpu.memory_space<hbm>>
      %dma_wait3A_71 = arith.constant 0 : i32
      %dma_wait3A_72 = tpu.memref_slice %arg4[%add3A_64, %dma_wait3A_71] : memref<16384x256xf32, #tpu.memory_space<hbm>> -> memref<128x256xf32, #tpu.memory_space<hbm>>
      tpu.wait_dma2 semaphore(%run_scoped3A : memref<!tpu.dma_semaphore, #tpu.memory_space<semaphore_mem>>) src(%arg6 : memref<128x256xf32, #tpu.memory_space<vmem>>) dst(%dma_wait3A_72 : memref<128x256xf32, #tpu.memory_space<hbm>>)
      tpu.yield
    }) : () -> ()
    return
  }
}

module attributes {stable_mosaic.version = 14 : i64} {
  func.func @_gate_kernel(%arg0: i32, %arg1: memref<256x256xf32, #tpu.memory_space<vmem>>, %arg2: memref<256x32xf32, #tpu.memory_space<vmem>>, %arg3: memref<1x32xf32, #tpu.memory_space<vmem>>, %arg4: memref<256x32xf32, #tpu.memory_space<vmem>>, %arg5: memref<256x8xi32, #tpu.memory_space<vmem>>, %arg6: memref<256x8xf32, #tpu.memory_space<vmem>>) attributes {dimension_semantics = [#tpu.dimension_semantics<arbitrary>], iteration_bounds = array<i64: 8>, scalar_prefetch = 0 : i64, scratch_operands = 0 : i64, tpu.core_type = #tpu.core_type<tc>, window_params = [{transform_indices = @transform_0, window_bounds = array<i64: 256, 256>}, {pipeline_mode = #tpu.pipeline_mode<synchronous>, transform_indices = @transform_1, window_bounds = array<i64: 256, 32>}, {pipeline_mode = #tpu.pipeline_mode<synchronous>, transform_indices = @transform_2, window_bounds = array<i64: 1, 32>}, {transform_indices = @transform_3, window_bounds = array<i64: 256, 32>}, {transform_indices = @transform_4, window_bounds = array<i64: 256, 8>}, {transform_indices = @transform_5, window_bounds = array<i64: 256, 8>}]} {
    %get3A = arith.constant 0 : index
    %get3A_0 = arith.constant 0 : index
    %get3A_1 = vector.load %arg1[%get3A, %get3A_0] : memref<256x256xf32, #tpu.memory_space<vmem>>, vector<256x256xf32>
    %get3A_2 = arith.constant 0 : index
    %get3A_3 = arith.constant 0 : index
    %get3A_4 = vector.load %arg2[%get3A_2, %get3A_3] : memref<256x32xf32, #tpu.memory_space<vmem>>, vector<256x32xf32>
    %dot_general3A = arith.constant dense<0.000000e+00> : vector<256x32xf32>
    %dot_general3A_5 = tpu.matmul %get3A_1, %get3A_4, %dot_general3A {dimension_numbers = #tpu.dot_dimension_numbers<[1], [0], [0], [1], [0, 0, 1, 1], [], []>, transpose_lhs_hint = false} : vector<256x256xf32>, vector<256x32xf32>, vector<256x32xf32> -> vector<256x32xf32>
    %get3A_6 = arith.constant 0 : index
    %get3A_7 = arith.constant 0 : index
    %get3A_8 = vector.load %arg3[%get3A_6, %get3A_7] : memref<1x32xf32, #tpu.memory_space<vmem>>, vector<1x32xf32>
    %add3A = vector.broadcast %get3A_8 : vector<1x32xf32> to vector<256x32xf32>
    %add3A_9 = arith.addf %dot_general3A_5, %add3A : vector<256x32xf32>
    %reduce_max3A = arith.constant dense<0xFF800000> : vector<256xf32>
    %reduce_max3A_10 = vector.multi_reduction <maximumf>, %add3A_9, %reduce_max3A [1] : vector<256x32xf32> to vector<256xf32>
    %broadcast_in_dim3A = vector.shape_cast %reduce_max3A_10 : vector<256xf32> to vector<256x1xf32>
    %sub3A = vector.broadcast %broadcast_in_dim3A : vector<256x1xf32> to vector<256x32xf32>
    %sub3A_11 = arith.subf %add3A_9, %sub3A : vector<256x32xf32>
    %exp3A = math.exp %sub3A_11 : vector<256x32xf32>
    %reduce_sum3A = arith.constant dense<0.000000e+00> : vector<256xf32>
    %reduce_sum3A_12 = vector.multi_reduction <add>, %exp3A, %reduce_sum3A [1] : vector<256x32xf32> to vector<256xf32>
    %broadcast_in_dim3A_13 = vector.shape_cast %reduce_sum3A_12 : vector<256xf32> to vector<256x1xf32>
    %div3A = vector.broadcast %broadcast_in_dim3A_13 : vector<256x1xf32> to vector<256x32xf32>
    %div3A_14 = arith.divf %exp3A, %div3A : vector<256x32xf32>
    %iota3A = tpu.iota {dimensions = array<i32: 1>} : vector<256x32xi32>
    %lt3A = arith.constant 31 : i32
    %lt3A_15 = vector.broadcast %lt3A : i32 to vector<256x32xi32>
    %lt3A_16 = arith.cmpi slt, %iota3A, %lt3A_15 : vector<256x32xi32>
    %jit3A = arith.constant -1.000000e+00 : f32
    %broadcast_in_dim3A_17 = vector.broadcast %jit3A : f32 to vector<256x32xf32>
    %select_n3A = arith.select %lt3A_16, %div3A_14, %broadcast_in_dim3A_17 : vector<256x32xi1>, vector<256x32xf32>
    %broadcast_in_dim3A_18 = arith.constant false
    %broadcast_in_dim3A_19 = vector.broadcast %broadcast_in_dim3A_18 : i1 to vector<256x32xi1>
    %reduce_max3A_20 = arith.constant dense<0xFF800000> : vector<256xf32>
    %reduce_max3A_21 = vector.multi_reduction <maximumf>, %select_n3A, %reduce_max3A_20 [1] : vector<256x32xf32> to vector<256xf32>
    %broadcast_in_dim3A_22 = vector.shape_cast %reduce_max3A_21 : vector<256xf32> to vector<256x1xf32>
    %eq3A = vector.broadcast %broadcast_in_dim3A_22 : vector<256x1xf32> to vector<256x32xf32>
    %eq3A_23 = arith.cmpf oeq, %select_n3A, %eq3A : vector<256x32xf32>
    %jit3A_24 = arith.constant 31 : i32
    %broadcast_in_dim3A_25 = vector.broadcast %jit3A_24 : i32 to vector<256x32xi32>
    %select_n3A_26 = arith.select %eq3A_23, %iota3A, %broadcast_in_dim3A_25 : vector<256x32xi1>, vector<256x32xi32>
    %reduce_min3A = arith.constant dense<2147483647> : vector<256xi32>
    %reduce_min3A_27 = vector.multi_reduction <minsi>, %select_n3A_26, %reduce_min3A [1] : vector<256x32xi32> to vector<256xi32>
    %broadcast_in_dim3A_28 = vector.shape_cast %reduce_min3A_27 : vector<256xi32> to vector<256x1xi32>
    %eq3A_29 = vector.broadcast %broadcast_in_dim3A_28 : vector<256x1xi32> to vector<256x32xi32>
    %eq3A_30 = arith.cmpi eq, %iota3A, %eq3A_29 : vector<256x32xi32>
    %or3A = arith.ori %broadcast_in_dim3A_19, %eq3A_30 : vector<256x32xi1>
    %jit3A_31 = arith.constant -1.000000e+00 : f32
    %broadcast_in_dim3A_32 = vector.broadcast %jit3A_31 : f32 to vector<256x32xf32>
    %select_n3A_33 = arith.select %eq3A_30, %broadcast_in_dim3A_32, %select_n3A : vector<256x32xi1>, vector<256x32xf32>
    %reduce_max3A_34 = arith.constant dense<0xFF800000> : vector<256xf32>
    %reduce_max3A_35 = vector.multi_reduction <maximumf>, %select_n3A_33, %reduce_max3A_34 [1] : vector<256x32xf32> to vector<256xf32>
    %broadcast_in_dim3A_36 = vector.shape_cast %reduce_max3A_35 : vector<256xf32> to vector<256x1xf32>
    %eq3A_37 = vector.broadcast %broadcast_in_dim3A_36 : vector<256x1xf32> to vector<256x32xf32>
    %eq3A_38 = arith.cmpf oeq, %select_n3A_33, %eq3A_37 : vector<256x32xf32>
    %jit3A_39 = arith.constant 31 : i32
    %broadcast_in_dim3A_40 = vector.broadcast %jit3A_39 : i32 to vector<256x32xi32>
    %select_n3A_41 = arith.select %eq3A_38, %iota3A, %broadcast_in_dim3A_40 : vector<256x32xi1>, vector<256x32xi32>
    %reduce_min3A_42 = arith.constant dense<2147483647> : vector<256xi32>
    %reduce_min3A_43 = vector.multi_reduction <minsi>, %select_n3A_41, %reduce_min3A_42 [1] : vector<256x32xi32> to vector<256xi32>
    %broadcast_in_dim3A_44 = vector.shape_cast %reduce_min3A_43 : vector<256xi32> to vector<256x1xi32>
    %eq3A_45 = vector.broadcast %broadcast_in_dim3A_44 : vector<256x1xi32> to vector<256x32xi32>
    %eq3A_46 = arith.cmpi eq, %iota3A, %eq3A_45 : vector<256x32xi32>
    %or3A_47 = arith.ori %or3A, %eq3A_46 : vector<256x32xi1>
    %jit3A_48 = arith.constant -1.000000e+00 : f32
    %broadcast_in_dim3A_49 = vector.broadcast %jit3A_48 : f32 to vector<256x32xf32>
    %select_n3A_50 = arith.select %eq3A_46, %broadcast_in_dim3A_49, %select_n3A_33 : vector<256x32xi1>, vector<256x32xf32>
    %reduce_max3A_51 = arith.constant dense<0xFF800000> : vector<256xf32>
    %reduce_max3A_52 = vector.multi_reduction <maximumf>, %select_n3A_50, %reduce_max3A_51 [1] : vector<256x32xf32> to vector<256xf32>
    %broadcast_in_dim3A_53 = vector.shape_cast %reduce_max3A_52 : vector<256xf32> to vector<256x1xf32>
    %eq3A_54 = vector.broadcast %broadcast_in_dim3A_53 : vector<256x1xf32> to vector<256x32xf32>
    %eq3A_55 = arith.cmpf oeq, %select_n3A_50, %eq3A_54 : vector<256x32xf32>
    %jit3A_56 = arith.constant 31 : i32
    %broadcast_in_dim3A_57 = vector.broadcast %jit3A_56 : i32 to vector<256x32xi32>
    %select_n3A_58 = arith.select %eq3A_55, %iota3A, %broadcast_in_dim3A_57 : vector<256x32xi1>, vector<256x32xi32>
    %reduce_min3A_59 = arith.constant dense<2147483647> : vector<256xi32>
    %reduce_min3A_60 = vector.multi_reduction <minsi>, %select_n3A_58, %reduce_min3A_59 [1] : vector<256x32xi32> to vector<256xi32>
    %broadcast_in_dim3A_61 = vector.shape_cast %reduce_min3A_60 : vector<256xi32> to vector<256x1xi32>
    %eq3A_62 = vector.broadcast %broadcast_in_dim3A_61 : vector<256x1xi32> to vector<256x32xi32>
    %eq3A_63 = arith.cmpi eq, %iota3A, %eq3A_62 : vector<256x32xi32>
    %or3A_64 = arith.ori %or3A_47, %eq3A_63 : vector<256x32xi1>
    %jit3A_65 = arith.constant -1.000000e+00 : f32
    %broadcast_in_dim3A_66 = vector.broadcast %jit3A_65 : f32 to vector<256x32xf32>
    %select_n3A_67 = arith.select %eq3A_63, %broadcast_in_dim3A_66, %select_n3A_50 : vector<256x32xi1>, vector<256x32xf32>
    %reduce_max3A_68 = arith.constant dense<0xFF800000> : vector<256xf32>
    %reduce_max3A_69 = vector.multi_reduction <maximumf>, %select_n3A_67, %reduce_max3A_68 [1] : vector<256x32xf32> to vector<256xf32>
    %broadcast_in_dim3A_70 = vector.shape_cast %reduce_max3A_69 : vector<256xf32> to vector<256x1xf32>
    %eq3A_71 = vector.broadcast %broadcast_in_dim3A_70 : vector<256x1xf32> to vector<256x32xf32>
    %eq3A_72 = arith.cmpf oeq, %select_n3A_67, %eq3A_71 : vector<256x32xf32>
    %jit3A_73 = arith.constant 31 : i32
    %broadcast_in_dim3A_74 = vector.broadcast %jit3A_73 : i32 to vector<256x32xi32>
    %select_n3A_75 = arith.select %eq3A_72, %iota3A, %broadcast_in_dim3A_74 : vector<256x32xi1>, vector<256x32xi32>
    %reduce_min3A_76 = arith.constant dense<2147483647> : vector<256xi32>
    %reduce_min3A_77 = vector.multi_reduction <minsi>, %select_n3A_75, %reduce_min3A_76 [1] : vector<256x32xi32> to vector<256xi32>
    %broadcast_in_dim3A_78 = vector.shape_cast %reduce_min3A_77 : vector<256xi32> to vector<256x1xi32>
    %eq3A_79 = vector.broadcast %broadcast_in_dim3A_78 : vector<256x1xi32> to vector<256x32xi32>
    %eq3A_80 = arith.cmpi eq, %iota3A, %eq3A_79 : vector<256x32xi32>
    %or3A_81 = arith.ori %or3A_64, %eq3A_80 : vector<256x32xi1>
    %jit3A_82 = arith.constant -1.000000e+00 : f32
    %broadcast_in_dim3A_83 = vector.broadcast %jit3A_82 : f32 to vector<256x32xf32>
    %select_n3A_84 = arith.select %eq3A_80, %broadcast_in_dim3A_83, %select_n3A_67 : vector<256x32xi1>, vector<256x32xf32>
    %reduce_max3A_85 = arith.constant dense<0xFF800000> : vector<256xf32>
    %reduce_max3A_86 = vector.multi_reduction <maximumf>, %select_n3A_84, %reduce_max3A_85 [1] : vector<256x32xf32> to vector<256xf32>
    %broadcast_in_dim3A_87 = vector.shape_cast %reduce_max3A_86 : vector<256xf32> to vector<256x1xf32>
    %eq3A_88 = vector.broadcast %broadcast_in_dim3A_87 : vector<256x1xf32> to vector<256x32xf32>
    %eq3A_89 = arith.cmpf oeq, %select_n3A_84, %eq3A_88 : vector<256x32xf32>
    %jit3A_90 = arith.constant 31 : i32
    %broadcast_in_dim3A_91 = vector.broadcast %jit3A_90 : i32 to vector<256x32xi32>
    %select_n3A_92 = arith.select %eq3A_89, %iota3A, %broadcast_in_dim3A_91 : vector<256x32xi1>, vector<256x32xi32>
    %reduce_min3A_93 = arith.constant dense<2147483647> : vector<256xi32>
    %reduce_min3A_94 = vector.multi_reduction <minsi>, %select_n3A_92, %reduce_min3A_93 [1] : vector<256x32xi32> to vector<256xi32>
    %broadcast_in_dim3A_95 = vector.shape_cast %reduce_min3A_94 : vector<256xi32> to vector<256x1xi32>
    %eq3A_96 = vector.broadcast %broadcast_in_dim3A_95 : vector<256x1xi32> to vector<256x32xi32>
    %eq3A_97 = arith.cmpi eq, %iota3A, %eq3A_96 : vector<256x32xi32>
    %or3A_98 = arith.ori %or3A_81, %eq3A_97 : vector<256x32xi1>
    %jit3A_99 = arith.constant -1.000000e+00 : f32
    %broadcast_in_dim3A_100 = vector.broadcast %jit3A_99 : f32 to vector<256x32xf32>
    %select_n3A_101 = arith.select %eq3A_97, %broadcast_in_dim3A_100, %select_n3A_84 : vector<256x32xi1>, vector<256x32xf32>
    %reduce_max3A_102 = arith.constant dense<0xFF800000> : vector<256xf32>
    %reduce_max3A_103 = vector.multi_reduction <maximumf>, %select_n3A_101, %reduce_max3A_102 [1] : vector<256x32xf32> to vector<256xf32>
    %broadcast_in_dim3A_104 = vector.shape_cast %reduce_max3A_103 : vector<256xf32> to vector<256x1xf32>
    %eq3A_105 = vector.broadcast %broadcast_in_dim3A_104 : vector<256x1xf32> to vector<256x32xf32>
    %eq3A_106 = arith.cmpf oeq, %select_n3A_101, %eq3A_105 : vector<256x32xf32>
    %jit3A_107 = arith.constant 31 : i32
    %broadcast_in_dim3A_108 = vector.broadcast %jit3A_107 : i32 to vector<256x32xi32>
    %select_n3A_109 = arith.select %eq3A_106, %iota3A, %broadcast_in_dim3A_108 : vector<256x32xi1>, vector<256x32xi32>
    %reduce_min3A_110 = arith.constant dense<2147483647> : vector<256xi32>
    %reduce_min3A_111 = vector.multi_reduction <minsi>, %select_n3A_109, %reduce_min3A_110 [1] : vector<256x32xi32> to vector<256xi32>
    %broadcast_in_dim3A_112 = vector.shape_cast %reduce_min3A_111 : vector<256xi32> to vector<256x1xi32>
    %eq3A_113 = vector.broadcast %broadcast_in_dim3A_112 : vector<256x1xi32> to vector<256x32xi32>
    %eq3A_114 = arith.cmpi eq, %iota3A, %eq3A_113 : vector<256x32xi32>
    %or3A_115 = arith.ori %or3A_98, %eq3A_114 : vector<256x32xi1>
    %jit3A_116 = arith.constant -1.000000e+00 : f32
    %broadcast_in_dim3A_117 = vector.broadcast %jit3A_116 : f32 to vector<256x32xf32>
    %select_n3A_118 = arith.select %eq3A_114, %broadcast_in_dim3A_117, %select_n3A_101 : vector<256x32xi1>, vector<256x32xf32>
    %reduce_max3A_119 = arith.constant dense<0xFF800000> : vector<256xf32>
    %reduce_max3A_120 = vector.multi_reduction <maximumf>, %select_n3A_118, %reduce_max3A_119 [1] : vector<256x32xf32> to vector<256xf32>
    %broadcast_in_dim3A_121 = vector.shape_cast %reduce_max3A_120 : vector<256xf32> to vector<256x1xf32>
    %eq3A_122 = vector.broadcast %broadcast_in_dim3A_121 : vector<256x1xf32> to vector<256x32xf32>
    %eq3A_123 = arith.cmpf oeq, %select_n3A_118, %eq3A_122 : vector<256x32xf32>
    %jit3A_124 = arith.constant 31 : i32
    %broadcast_in_dim3A_125 = vector.broadcast %jit3A_124 : i32 to vector<256x32xi32>
    %select_n3A_126 = arith.select %eq3A_123, %iota3A, %broadcast_in_dim3A_125 : vector<256x32xi1>, vector<256x32xi32>
    %reduce_min3A_127 = arith.constant dense<2147483647> : vector<256xi32>
    %reduce_min3A_128 = vector.multi_reduction <minsi>, %select_n3A_126, %reduce_min3A_127 [1] : vector<256x32xi32> to vector<256xi32>
    %broadcast_in_dim3A_129 = vector.shape_cast %reduce_min3A_128 : vector<256xi32> to vector<256x1xi32>
    %eq3A_130 = vector.broadcast %broadcast_in_dim3A_129 : vector<256x1xi32> to vector<256x32xi32>
    %eq3A_131 = arith.cmpi eq, %iota3A, %eq3A_130 : vector<256x32xi32>
    %or3A_132 = arith.ori %or3A_115, %eq3A_131 : vector<256x32xi1>
    %jit3A_133 = arith.constant 0.000000e+00 : f32
    %broadcast_in_dim3A_134 = vector.broadcast %jit3A_133 : f32 to vector<256x32xf32>
    %select_n3A_135 = arith.select %or3A_132, %select_n3A, %broadcast_in_dim3A_134 : vector<256x32xi1>, vector<256x32xf32>
    %reduce_sum3A_136 = arith.constant dense<0.000000e+00> : vector<256xf32>
    %reduce_sum3A_137 = vector.multi_reduction <add>, %select_n3A_135, %reduce_sum3A_136 [1] : vector<256x32xf32> to vector<256xf32>
    %broadcast_in_dim3A_138 = vector.shape_cast %reduce_sum3A_137 : vector<256xf32> to vector<256x1xf32>
    %div3A_139 = arith.constant 8.750000e-01 : f32
    %div3A_140 = vector.broadcast %div3A_139 : f32 to vector<256x1xf32>
    %div3A_141 = arith.divf %div3A_140, %broadcast_in_dim3A_138 : vector<256x1xf32>
    %broadcast_in_dim3A_142 = arith.constant 1.250000e-01 : f32
    %broadcast_in_dim3A_143 = vector.broadcast %broadcast_in_dim3A_142 : f32 to vector<256x1xf32>
    %mul3A = vector.broadcast %div3A_141 : vector<256x1xf32> to vector<256x32xf32>
    %mul3A_144 = arith.mulf %select_n3A_135, %mul3A : vector<256x32xf32>
    %slice3A = vector.extract_strided_slice %mul3A_144 {offsets = [0, 0], sizes = [256, 31], strides = [1, 1]} : vector<256x32xf32> to vector<256x31xf32>
    %concatenate3A = tpu.concatenate %broadcast_in_dim3A_143, %slice3A in 1 : vector<256x1xf32>, vector<256x31xf32> -> vector<256x32xf32>
    %swap3A = arith.constant 0 : index
    %swap3A_145 = arith.constant 0 : index
    %swap3A_146 = vector.load %arg4[%swap3A, %swap3A_145] : memref<256x32xf32, #tpu.memory_space<vmem>>, vector<256x32xf32>
    tpu.vector_store %arg4[%swap3A, %swap3A_145], %concatenate3A {strides = array<i32>} : memref<256x32xf32, #tpu.memory_space<vmem>>, vector<256x32xf32>,
    %broadcast_in_dim3A_147 = arith.constant 0 : i32
    %broadcast_in_dim3A_148 = vector.broadcast %broadcast_in_dim3A_147 : i32 to vector<256x1xi32>
    %add3A_149 = arith.constant 1 : i32
    %add3A_150 = vector.broadcast %add3A_149 : i32 to vector<256x1xi32>
    %add3A_151 = arith.addi %broadcast_in_dim3A_28, %add3A_150 : vector<256x1xi32>
    %add3A_152 = arith.constant 1 : i32
    %add3A_153 = vector.broadcast %add3A_152 : i32 to vector<256x1xi32>
    %add3A_154 = arith.addi %broadcast_in_dim3A_44, %add3A_153 : vector<256x1xi32>
    %add3A_155 = arith.constant 1 : i32
    %add3A_156 = vector.broadcast %add3A_155 : i32 to vector<256x1xi32>
    %add3A_157 = arith.addi %broadcast_in_dim3A_61, %add3A_156 : vector<256x1xi32>
    %add3A_158 = arith.constant 1 : i32
    %add3A_159 = vector.broadcast %add3A_158 : i32 to vector<256x1xi32>
    %add3A_160 = arith.addi %broadcast_in_dim3A_78, %add3A_159 : vector<256x1xi32>
    %add3A_161 = arith.constant 1 : i32
    %add3A_162 = vector.broadcast %add3A_161 : i32 to vector<256x1xi32>
    %add3A_163 = arith.addi %broadcast_in_dim3A_95, %add3A_162 : vector<256x1xi32>
    %add3A_164 = arith.constant 1 : i32
    %add3A_165 = vector.broadcast %add3A_164 : i32 to vector<256x1xi32>
    %add3A_166 = arith.addi %broadcast_in_dim3A_112, %add3A_165 : vector<256x1xi32>
    %add3A_167 = arith.constant 1 : i32
    %add3A_168 = vector.broadcast %add3A_167 : i32 to vector<256x1xi32>
    %add3A_169 = arith.addi %broadcast_in_dim3A_129, %add3A_168 : vector<256x1xi32>
    %concatenate3A_170 = tpu.concatenate %broadcast_in_dim3A_148, %add3A_151, %add3A_154, %add3A_157, %add3A_160, %add3A_163, %add3A_166, %add3A_169 in 1 : vector<256x1xi32>, vector<256x1xi32>, vector<256x1xi32>, vector<256x1xi32>, vector<256x1xi32>, vector<256x1xi32>, vector<256x1xi32>, vector<256x1xi32> -> vector<256x8xi32>
    %swap3A_171 = arith.constant 0 : index
    %swap3A_172 = arith.constant 0 : index
    %swap3A_173 = vector.load %arg5[%swap3A_171, %swap3A_172] : memref<256x8xi32, #tpu.memory_space<vmem>>, vector<256x8xi32>
    tpu.vector_store %arg5[%swap3A_171, %swap3A_172], %concatenate3A_170 {strides = array<i32>} : memref<256x8xi32, #tpu.memory_space<vmem>>, vector<256x8xi32>,
    %mul3A_174 = arith.mulf %broadcast_in_dim3A_22, %div3A_141 : vector<256x1xf32>
    %mul3A_175 = arith.mulf %broadcast_in_dim3A_36, %div3A_141 : vector<256x1xf32>
    %mul3A_176 = arith.mulf %broadcast_in_dim3A_53, %div3A_141 : vector<256x1xf32>
    %mul3A_177 = arith.mulf %broadcast_in_dim3A_70, %div3A_141 : vector<256x1xf32>
    %mul3A_178 = arith.mulf %broadcast_in_dim3A_87, %div3A_141 : vector<256x1xf32>
    %mul3A_179 = arith.mulf %broadcast_in_dim3A_104, %div3A_141 : vector<256x1xf32>
    %mul3A_180 = arith.mulf %broadcast_in_dim3A_121, %div3A_141 : vector<256x1xf32>
    %concatenate3A_181 = tpu.concatenate %broadcast_in_dim3A_143, %mul3A_174, %mul3A_175, %mul3A_176, %mul3A_177, %mul3A_178, %mul3A_179, %mul3A_180 in 1 : vector<256x1xf32>, vector<256x1xf32>, vector<256x1xf32>, vector<256x1xf32>, vector<256x1xf32>, vector<256x1xf32>, vector<256x1xf32>, vector<256x1xf32> -> vector<256x8xf32>
    %swap3A_182 = arith.constant 0 : index
    %swap3A_183 = arith.constant 0 : index
    %swap3A_184 = vector.load %arg6[%swap3A_182, %swap3A_183] : memref<256x8xf32, #tpu.memory_space<vmem>>, vector<256x8xf32>
    tpu.vector_store %arg6[%swap3A_182, %swap3A_183], %concatenate3A_181 {strides = array<i32>} : memref<256x8xf32, #tpu.memory_space<vmem>>, vector<256x8xf32>,
    return
  }
  func.func @transform_0(%arg0: i32) -> (i32, i32) {
    %c0_i32 = arith.constant 0 : i32
    %c0_i32_0 = arith.constant 0 : i32
    return %arg0, %c0_i32 : i32, i32
  }
  func.func @transform_1(%arg0: i32) -> (i32, i32) {
    %c0_i32 = arith.constant 0 : i32
    %c0_i32_0 = arith.constant 0 : i32
    %c0_i32_1 = arith.constant 0 : i32
    return %c0_i32, %c0_i32_0 : i32, i32
  }
  func.func @transform_2(%arg0: i32) -> (i32, i32) {
    %c0_i32 = arith.constant 0 : i32
    %c0_i32_0 = arith.constant 0 : i32
    %c0_i32_1 = arith.constant 0 : i32
    return %c0_i32, %c0_i32_0 : i32, i32
  }
  func.func @transform_3(%arg0: i32) -> (i32, i32) {
    %c0_i32 = arith.constant 0 : i32
    %c0_i32_0 = arith.constant 0 : i32
    return %arg0, %c0_i32 : i32, i32
  }
  func.func @transform_4(%arg0: i32) -> (i32, i32) {
    %c0_i32 = arith.constant 0 : i32
    %c0_i32_0 = arith.constant 0 : i32
    return %arg0, %c0_i32 : i32, i32
  }
  func.func @transform_5(%arg0: i32) -> (i32, i32) {
    %c0_i32 = arith.constant 0 : i32
    %c0_i32_0 = arith.constant 0 : i32
    return %arg0, %c0_i32 : i32, i32
  }
}

module attributes {stable_mosaic.version = 14 : i64} {
  func.func @_mlp_kernel(%arg0: i32, %arg1: memref<64xi32, #tpu.memory_space<smem>>, %arg2: memref<1xi32, #tpu.memory_space<smem>>, %arg3: memref<512x256xf32, #tpu.memory_space<vmem>>, %arg4: memref<1x1024x256xf32, #tpu.memory_space<vmem>>, %arg5: memref<1x1x1024xf32, #tpu.memory_space<vmem>>, %arg6: memref<1x256x1024xf32, #tpu.memory_space<vmem>>, %arg7: memref<1x1x256xf32, #tpu.memory_space<vmem>>, %arg8: memref<512x256xf32, #tpu.memory_space<vmem>>) attributes {dimension_semantics = [#tpu.dimension_semantics<arbitrary>], iteration_bounds = array<i64: 64>, scalar_prefetch = 2 : i64, scratch_operands = 0 : i64, tpu.core_type = #tpu.core_type<tc>, window_params = [{transform_indices = @transform_0, window_bounds = array<i64: 512, 256>}, {transform_indices = @transform_1, window_bounds = array<i64: 1, 1024, 256>}, {transform_indices = @transform_2, window_bounds = array<i64: 1, 1, 1024>}, {transform_indices = @transform_3, window_bounds = array<i64: 1, 256, 1024>}, {transform_indices = @transform_4, window_bounds = array<i64: 1, 1, 256>}, {transform_indices = @transform_5, window_bounds = array<i64: 512, 256>}]} {
    %get3A = arith.constant 0 : index
    %get3A_0 = memref.load %arg2[%get3A] : memref<1xi32, #tpu.memory_space<smem>>
    %lt3A = arith.cmpi slt, %arg0, %get3A_0 : i32
    %convert_element_type3A = arith.extui %lt3A : i1 to i32
    %cond3A = arith.constant 0 : i32
    %cond3A_1 = arith.cmpi ne, %convert_element_type3A, %cond3A : i32
    scf.if %cond3A_1 {
      %get3A_2 = arith.constant 0 : index
      %get3A_3 = arith.constant 0 : index
      %get3A_4 = vector.load %arg3[%get3A_2, %get3A_3] : memref<512x256xf32, #tpu.memory_space<vmem>>, vector<512x256xf32>
      %convert_element_type3A_5 = arith.truncf %get3A_4 : vector<512x256xf32> to vector<512x256xbf16>
      %get3A_6 = arith.constant 0 : index
      %get3A_7 = arith.constant 0 : index
      %get3A_8 = arith.constant 0 : index
      %get3A_9 = vector.load %arg4[%get3A_6, %get3A_7, %get3A_8] : memref<1x1024x256xf32, #tpu.memory_space<vmem>>, vector<1x1024x256xf32>
      %get3A_10 = vector.shape_cast %get3A_9 : vector<1x1024x256xf32> to vector<1024x256xf32>
      %convert_element_type3A_11 = arith.truncf %get3A_10 : vector<1024x256xf32> to vector<1024x256xbf16>
      %dot_general3A = arith.constant dense<0.000000e+00> : vector<512x1024xf32>
      %dot_general3A_12 = tpu.matmul %convert_element_type3A_5, %convert_element_type3A_11, %dot_general3A {dimension_numbers = #tpu.dot_dimension_numbers<[1], [1], [0], [0], [0, 0, 1, 0], [], []>, transpose_lhs_hint = false} : vector<512x256xbf16>, vector<1024x256xbf16>, vector<512x1024xf32> -> vector<512x1024xf32>
      %get3A_13 = arith.constant 0 : index
      %get3A_14 = arith.constant 0 : index
      %get3A_15 = arith.constant 0 : index
      %get3A_16 = vector.load %arg5[%get3A_13, %get3A_14, %get3A_15] : memref<1x1x1024xf32, #tpu.memory_space<vmem>>, vector<1x1x1024xf32>
      %get3A_17 = vector.shape_cast %get3A_16 : vector<1x1x1024xf32> to vector<1x1024xf32>
      %add3A = vector.broadcast %get3A_17 : vector<1x1024xf32> to vector<512x1024xf32>
      %add3A_18 = arith.addf %dot_general3A_12, %add3A : vector<512x1024xf32>
      %mul3A = arith.constant 5.000000e-01 : f32
      %mul3A_19 = vector.broadcast %mul3A : f32 to vector<512x1024xf32>
      %mul3A_20 = arith.mulf %mul3A_19, %add3A_18 : vector<512x1024xf32>
      %mul3A_21 = arith.constant 0.707106769 : f32
      %mul3A_22 = vector.broadcast %mul3A_21 : f32 to vector<512x1024xf32>
      %mul3A_23 = arith.mulf %add3A_18, %mul3A_22 : vector<512x1024xf32>
      %erf3A = math.erf %mul3A_23 : vector<512x1024xf32>
      %add3A_24 = arith.constant 1.000000e+00 : f32
      %add3A_25 = vector.broadcast %add3A_24 : f32 to vector<512x1024xf32>
      %add3A_26 = arith.addf %add3A_25, %erf3A : vector<512x1024xf32>
      %mul3A_27 = arith.mulf %mul3A_20, %add3A_26 : vector<512x1024xf32>
      %convert_element_type3A_28 = arith.truncf %mul3A_27 : vector<512x1024xf32> to vector<512x1024xbf16>
      %get3A_29 = arith.constant 0 : index
      %get3A_30 = arith.constant 0 : index
      %get3A_31 = arith.constant 0 : index
      %get3A_32 = vector.load %arg6[%get3A_29, %get3A_30, %get3A_31] : memref<1x256x1024xf32, #tpu.memory_space<vmem>>, vector<1x256x1024xf32>
      %get3A_33 = vector.shape_cast %get3A_32 : vector<1x256x1024xf32> to vector<256x1024xf32>
      %convert_element_type3A_34 = arith.truncf %get3A_33 : vector<256x1024xf32> to vector<256x1024xbf16>
      %dot_general3A_35 = arith.constant dense<0.000000e+00> : vector<512x256xf32>
      %dot_general3A_36 = tpu.matmul %convert_element_type3A_28, %convert_element_type3A_34, %dot_general3A_35 {dimension_numbers = #tpu.dot_dimension_numbers<[1], [1], [0], [0], [0, 0, 1, 0], [], []>, transpose_lhs_hint = false} : vector<512x1024xbf16>, vector<256x1024xbf16>, vector<512x256xf32> -> vector<512x256xf32>
      %get3A_37 = arith.constant 0 : index
      %get3A_38 = arith.constant 0 : index
      %get3A_39 = arith.constant 0 : index
      %get3A_40 = vector.load %arg7[%get3A_37, %get3A_38, %get3A_39] : memref<1x1x256xf32, #tpu.memory_space<vmem>>, vector<1x1x256xf32>
      %get3A_41 = vector.shape_cast %get3A_40 : vector<1x1x256xf32> to vector<1x256xf32>
      %add3A_42 = vector.broadcast %get3A_41 : vector<1x256xf32> to vector<512x256xf32>
      %add3A_43 = arith.addf %dot_general3A_36, %add3A_42 : vector<512x256xf32>
      %swap3A = arith.constant 0 : index
      %swap3A_44 = arith.constant 0 : index
      %swap3A_45 = vector.load %arg8[%swap3A, %swap3A_44] : memref<512x256xf32, #tpu.memory_space<vmem>>, vector<512x256xf32>
      tpu.vector_store %arg8[%swap3A, %swap3A_44], %add3A_43 {strides = array<i32>} : memref<512x256xf32, #tpu.memory_space<vmem>>, vector<512x256xf32>,
    } else {
    }
    return
  }
  func.func @transform_0(%arg0: i32, %arg1: memref<64xi32, #tpu.memory_space<smem>>, %arg2: memref<1xi32, #tpu.memory_space<smem>>) -> (i32, i32) {
    %c0_i32 = arith.constant 0 : i32
    %c0_i32_0 = arith.constant 0 : i32
    return %arg0, %c0_i32 : i32, i32
  }
  func.func @transform_1(%arg0: i32, %arg1: memref<64xi32, #tpu.memory_space<smem>>, %arg2: memref<1xi32, #tpu.memory_space<smem>>) -> (i32, i32, i32) {
    %get3A = arith.index_cast %arg0 : i32 to index
    %get3A_0 = memref.load %arg1[%get3A] : memref<64xi32, #tpu.memory_space<smem>>
    %c0_i32 = arith.constant 0 : i32
    %c0_i32_1 = arith.constant 0 : i32
    %c0_i32_2 = arith.constant 0 : i32
    return %get3A_0, %c0_i32, %c0_i32_1 : i32, i32, i32
  }
  func.func @transform_2(%arg0: i32, %arg1: memref<64xi32, #tpu.memory_space<smem>>, %arg2: memref<1xi32, #tpu.memory_space<smem>>) -> (i32, i32, i32) {
    %get3A = arith.index_cast %arg0 : i32 to index
    %get3A_0 = memref.load %arg1[%get3A] : memref<64xi32, #tpu.memory_space<smem>>
    %c0_i32 = arith.constant 0 : i32
    %c0_i32_1 = arith.constant 0 : i32
    %c0_i32_2 = arith.constant 0 : i32
    return %get3A_0, %c0_i32, %c0_i32_1 : i32, i32, i32
  }
  func.func @transform_3(%arg0: i32, %arg1: memref<64xi32, #tpu.memory_space<smem>>, %arg2: memref<1xi32, #tpu.memory_space<smem>>) -> (i32, i32, i32) {
    %get3A = arith.index_cast %arg0 : i32 to index
    %get3A_0 = memref.load %arg1[%get3A] : memref<64xi32, #tpu.memory_space<smem>>
    %c0_i32 = arith.constant 0 : i32
    %c0_i32_1 = arith.constant 0 : i32
    %c0_i32_2 = arith.constant 0 : i32
    return %get3A_0, %c0_i32, %c0_i32_1 : i32, i32, i32
  }
  func.func @transform_4(%arg0: i32, %arg1: memref<64xi32, #tpu.memory_space<smem>>, %arg2: memref<1xi32, #tpu.memory_space<smem>>) -> (i32, i32, i32) {
    %get3A = arith.index_cast %arg0 : i32 to index
    %get3A_0 = memref.load %arg1[%get3A] : memref<64xi32, #tpu.memory_space<smem>>
    %c0_i32 = arith.constant 0 : i32
    %c0_i32_1 = arith.constant 0 : i32
    %c0_i32_2 = arith.constant 0 : i32
    return %get3A_0, %c0_i32, %c0_i32_1 : i32, i32, i32
  }
  func.func @transform_5(%arg0: i32, %arg1: memref<64xi32, #tpu.memory_space<smem>>, %arg2: memref<1xi32, #tpu.memory_space<smem>>) -> (i32, i32) {
    %c0_i32 = arith.constant 0 : i32
    %c0_i32_0 = arith.constant 0 : i32
    return %arg0, %c0_i32 : i32, i32
  }
}

module attributes {stable_mosaic.version = 14 : i64} {
  func.func @_combine_kernel(%arg0: i32, %arg1: memref<8x256x256xf32, #tpu.memory_space<vmem>>, %arg2: memref<256x256xf32, #tpu.memory_space<vmem>>, %arg3: memref<256x8xf32, #tpu.memory_space<vmem>>, %arg4: memref<1x1xf32, #tpu.memory_space<vmem>>, %arg5: memref<256x256xf32, #tpu.memory_space<vmem>>) attributes {dimension_semantics = [#tpu.dimension_semantics<arbitrary>], iteration_bounds = array<i64: 8>, scalar_prefetch = 0 : i64, scratch_operands = 0 : i64, tpu.core_type = #tpu.core_type<tc>, window_params = [{transform_indices = @transform_0, window_bounds = array<i64: 8, 256, 256>}, {transform_indices = @transform_1, window_bounds = array<i64: 256, 256>}, {transform_indices = @transform_2, window_bounds = array<i64: 256, 8>}, {pipeline_mode = #tpu.pipeline_mode<synchronous>, transform_indices = @transform_3, window_bounds = array<i64: 1, 1>}, {transform_indices = @transform_4, window_bounds = array<i64: 256, 256>}]} {
    %get3A = arith.constant 0 : index
    %get3A_0 = arith.constant 0 : index
    %get3A_1 = vector.load %arg4[%get3A, %get3A_0] : memref<1x1xf32, #tpu.memory_space<vmem>>, vector<1x1xf32>
    %get3A_2 = vector.extract %get3A_1[0, 0] : f32 from vector<1x1xf32>
    %get3A_3 = arith.constant 0 : index
    %get3A_4 = arith.constant 0 : index
    %get3A_5 = vector.load %arg2[%get3A_3, %get3A_4] : memref<256x256xf32, #tpu.memory_space<vmem>>, vector<256x256xf32>
    %mul3A = arith.mulf %get3A_5, %get3A_5 : vector<256x256xf32>
    %reduce_sum3A = arith.constant dense<0.000000e+00> : vector<256xf32>
    %reduce_sum3A_6 = vector.multi_reduction <add>, %mul3A, %reduce_sum3A [1] : vector<256x256xf32> to vector<256xf32>
    %broadcast_in_dim3A = vector.shape_cast %reduce_sum3A_6 : vector<256xf32> to vector<256x1xf32>
    %mul3A_7 = vector.broadcast %get3A_2 : f32 to vector<256x1xf32>
    %mul3A_8 = arith.mulf %mul3A_7, %broadcast_in_dim3A : vector<256x1xf32>
    %add3A = arith.constant 1.000000e+00 : f32
    %add3A_9 = vector.broadcast %add3A : f32 to vector<256x1xf32>
    %add3A_10 = arith.addf %add3A_9, %mul3A_8 : vector<256x1xf32>
    %div3A = arith.constant 2.000000e+00 : f32
    %div3A_11 = vector.broadcast %div3A : f32 to vector<256x1xf32>
    %div3A_12 = arith.divf %div3A_11, %add3A_10 : vector<256x1xf32>
    %mul3A_13 = vector.broadcast %get3A_2 : f32 to vector<256x1xf32>
    %mul3A_14 = arith.mulf %mul3A_13, %broadcast_in_dim3A : vector<256x1xf32>
    %sub3A = arith.constant 1.000000e+00 : f32
    %sub3A_15 = vector.broadcast %sub3A : f32 to vector<256x1xf32>
    %sub3A_16 = arith.subf %sub3A_15, %mul3A_14 : vector<256x1xf32>
    %mul3A_17 = arith.constant 5.000000e-01 : f32
    %mul3A_18 = arith.mulf %mul3A_17, %get3A_2 : f32
    %mul3A_19 = vector.broadcast %mul3A_18 : f32 to vector<256x1xf32>
    %mul3A_20 = arith.mulf %mul3A_19, %div3A_12 : vector<256x1xf32>
    %rsqrt3A = math.rsqrt %get3A_2 : f32
    %broadcast_in_dim3A_21 = arith.constant 0.000000e+00 : f32
    %broadcast_in_dim3A_22 = vector.broadcast %broadcast_in_dim3A_21 : f32 to vector<256x256xf32>
    %get3A_23 = arith.constant 0 : index
    %get3A_24 = arith.constant 0 : index
    %get3A_25 = arith.constant 0 : index
    %get3A_26 = vector.load %arg1[%get3A_23, %get3A_24, %get3A_25] : memref<8x256x256xf32, #tpu.memory_space<vmem>>, vector<1x256x256xf32>
    %get3A_27 = vector.shape_cast %get3A_26 : vector<1x256x256xf32> to vector<256x256xf32>
    %mul3A_28 = arith.mulf %get3A_27, %get3A_27 : vector<256x256xf32>
    %reduce_sum3A_29 = arith.constant dense<0.000000e+00> : vector<256xf32>
    %reduce_sum3A_30 = vector.multi_reduction <add>, %mul3A_28, %reduce_sum3A_29 [1] : vector<256x256xf32> to vector<256xf32>
    %broadcast_in_dim3A_31 = vector.shape_cast %reduce_sum3A_30 : vector<256xf32> to vector<256x1xf32>
    %mul3A_32 = arith.mulf %mul3A_20, %broadcast_in_dim3A_31 : vector<256x1xf32>
    %sqrt3A = math.sqrt %mul3A_32 : vector<256x1xf32>
    %tanh3A = math.tanh %sqrt3A : vector<256x1xf32>
    %mul3A_33 = vector.broadcast %rsqrt3A : f32 to vector<256x1xf32>
    %mul3A_34 = arith.mulf %mul3A_33, %tanh3A : vector<256x1xf32>
    %rsqrt3A_35 = math.rsqrt %broadcast_in_dim3A_31 : vector<256x1xf32>
    %mul3A_36 = arith.mulf %mul3A_34, %rsqrt3A_35 : vector<256x1xf32>
    %mul3A_37 = vector.broadcast %mul3A_36 : vector<256x1xf32> to vector<256x256xf32>
    %mul3A_38 = arith.mulf %mul3A_37, %get3A_27 : vector<256x256xf32>
    %mul3A_39 = arith.mulf %get3A_5, %mul3A_38 : vector<256x256xf32>
    %reduce_sum3A_40 = arith.constant dense<0.000000e+00> : vector<256xf32>
    %reduce_sum3A_41 = vector.multi_reduction <add>, %mul3A_39, %reduce_sum3A_40 [1] : vector<256x256xf32> to vector<256xf32>
    %broadcast_in_dim3A_42 = vector.shape_cast %reduce_sum3A_41 : vector<256xf32> to vector<256x1xf32>
    %mul3A_43 = arith.mulf %mul3A_38, %mul3A_38 : vector<256x256xf32>
    %reduce_sum3A_44 = arith.constant dense<0.000000e+00> : vector<256xf32>
    %reduce_sum3A_45 = vector.multi_reduction <add>, %mul3A_43, %reduce_sum3A_44 [1] : vector<256x256xf32> to vector<256xf32>
    %broadcast_in_dim3A_46 = vector.shape_cast %reduce_sum3A_45 : vector<256xf32> to vector<256x1xf32>
    %mul3A_47 = arith.constant 2.000000e+00 : f32
    %mul3A_48 = arith.mulf %mul3A_47, %get3A_2 : f32
    %mul3A_49 = vector.broadcast %mul3A_48 : f32 to vector<256x1xf32>
    %mul3A_50 = arith.mulf %mul3A_49, %broadcast_in_dim3A_42 : vector<256x1xf32>
    %add3A_51 = arith.constant 1.000000e+00 : f32
    %add3A_52 = vector.broadcast %add3A_51 : f32 to vector<256x1xf32>
    %add3A_53 = arith.addf %add3A_52, %mul3A_50 : vector<256x1xf32>
    %mul3A_54 = vector.broadcast %get3A_2 : f32 to vector<256x1xf32>
    %mul3A_55 = arith.mulf %mul3A_54, %broadcast_in_dim3A_46 : vector<256x1xf32>
    %add3A_56 = arith.addf %add3A_53, %mul3A_55 : vector<256x1xf32>
    %mul3A_57 = vector.broadcast %add3A_56 : vector<256x1xf32> to vector<256x256xf32>
    %mul3A_58 = arith.mulf %mul3A_57, %get3A_5 : vector<256x256xf32>
    %mul3A_59 = vector.broadcast %sub3A_16 : vector<256x1xf32> to vector<256x256xf32>
    %mul3A_60 = arith.mulf %mul3A_59, %mul3A_38 : vector<256x256xf32>
    %add3A_61 = arith.addf %mul3A_58, %mul3A_60 : vector<256x256xf32>
    %mul3A_62 = arith.mulf %get3A_2, %get3A_2 : f32
    %mul3A_63 = vector.broadcast %mul3A_62 : f32 to vector<256x1xf32>
    %mul3A_64 = arith.mulf %mul3A_63, %broadcast_in_dim3A : vector<256x1xf32>
    %mul3A_65 = arith.mulf %mul3A_64, %broadcast_in_dim3A_46 : vector<256x1xf32>
    %add3A_66 = arith.addf %add3A_53, %mul3A_65 : vector<256x1xf32>
    %div3A_67 = vector.broadcast %add3A_66 : vector<256x1xf32> to vector<256x256xf32>
    %div3A_68 = arith.divf %add3A_61, %div3A_67 : vector<256x256xf32>
    %get3A_69 = arith.constant 0 : index
    %get3A_70 = arith.constant 0 : index
    %get3A_71 = vector.load %arg3[%get3A_69, %get3A_70] : memref<256x8xf32, #tpu.memory_space<vmem>>, vector<256x1xf32>
    %mul3A_72 = vector.broadcast %get3A_71 : vector<256x1xf32> to vector<256x256xf32>
    %mul3A_73 = arith.mulf %mul3A_72, %div3A_68 : vector<256x256xf32>
    %add3A_74 = arith.addf %broadcast_in_dim3A_22, %mul3A_73 : vector<256x256xf32>
    %get3A_75 = arith.constant 1 : index
    %get3A_76 = arith.constant 0 : index
    %get3A_77 = arith.constant 0 : index
    %get3A_78 = vector.load %arg1[%get3A_75, %get3A_76, %get3A_77] : memref<8x256x256xf32, #tpu.memory_space<vmem>>, vector<1x256x256xf32>
    %get3A_79 = vector.shape_cast %get3A_78 : vector<1x256x256xf32> to vector<256x256xf32>
    %mul3A_80 = arith.mulf %get3A_79, %get3A_79 : vector<256x256xf32>
    %reduce_sum3A_81 = arith.constant dense<0.000000e+00> : vector<256xf32>
    %reduce_sum3A_82 = vector.multi_reduction <add>, %mul3A_80, %reduce_sum3A_81 [1] : vector<256x256xf32> to vector<256xf32>
    %broadcast_in_dim3A_83 = vector.shape_cast %reduce_sum3A_82 : vector<256xf32> to vector<256x1xf32>
    %mul3A_84 = arith.mulf %mul3A_20, %broadcast_in_dim3A_83 : vector<256x1xf32>
    %sqrt3A_85 = math.sqrt %mul3A_84 : vector<256x1xf32>
    %tanh3A_86 = math.tanh %sqrt3A_85 : vector<256x1xf32>
    %mul3A_87 = vector.broadcast %rsqrt3A : f32 to vector<256x1xf32>
    %mul3A_88 = arith.mulf %mul3A_87, %tanh3A_86 : vector<256x1xf32>
    %rsqrt3A_89 = math.rsqrt %broadcast_in_dim3A_83 : vector<256x1xf32>
    %mul3A_90 = arith.mulf %mul3A_88, %rsqrt3A_89 : vector<256x1xf32>
    %mul3A_91 = vector.broadcast %mul3A_90 : vector<256x1xf32> to vector<256x256xf32>
    %mul3A_92 = arith.mulf %mul3A_91, %get3A_79 : vector<256x256xf32>
    %mul3A_93 = arith.mulf %get3A_5, %mul3A_92 : vector<256x256xf32>
    %reduce_sum3A_94 = arith.constant dense<0.000000e+00> : vector<256xf32>
    %reduce_sum3A_95 = vector.multi_reduction <add>, %mul3A_93, %reduce_sum3A_94 [1] : vector<256x256xf32> to vector<256xf32>
    %broadcast_in_dim3A_96 = vector.shape_cast %reduce_sum3A_95 : vector<256xf32> to vector<256x1xf32>
    %mul3A_97 = arith.mulf %mul3A_92, %mul3A_92 : vector<256x256xf32>
    %reduce_sum3A_98 = arith.constant dense<0.000000e+00> : vector<256xf32>
    %reduce_sum3A_99 = vector.multi_reduction <add>, %mul3A_97, %reduce_sum3A_98 [1] : vector<256x256xf32> to vector<256xf32>
    %broadcast_in_dim3A_100 = vector.shape_cast %reduce_sum3A_99 : vector<256xf32> to vector<256x1xf32>
    %mul3A_101 = arith.constant 2.000000e+00 : f32
    %mul3A_102 = arith.mulf %mul3A_101, %get3A_2 : f32
    %mul3A_103 = vector.broadcast %mul3A_102 : f32 to vector<256x1xf32>
    %mul3A_104 = arith.mulf %mul3A_103, %broadcast_in_dim3A_96 : vector<256x1xf32>
    %add3A_105 = arith.constant 1.000000e+00 : f32
    %add3A_106 = vector.broadcast %add3A_105 : f32 to vector<256x1xf32>
    %add3A_107 = arith.addf %add3A_106, %mul3A_104 : vector<256x1xf32>
    %mul3A_108 = vector.broadcast %get3A_2 : f32 to vector<256x1xf32>
    %mul3A_109 = arith.mulf %mul3A_108, %broadcast_in_dim3A_100 : vector<256x1xf32>
    %add3A_110 = arith.addf %add3A_107, %mul3A_109 : vector<256x1xf32>
    %mul3A_111 = vector.broadcast %add3A_110 : vector<256x1xf32> to vector<256x256xf32>
    %mul3A_112 = arith.mulf %mul3A_111, %get3A_5 : vector<256x256xf32>
    %mul3A_113 = vector.broadcast %sub3A_16 : vector<256x1xf32> to vector<256x256xf32>
    %mul3A_114 = arith.mulf %mul3A_113, %mul3A_92 : vector<256x256xf32>
    %add3A_115 = arith.addf %mul3A_112, %mul3A_114 : vector<256x256xf32>
    %mul3A_116 = arith.mulf %get3A_2, %get3A_2 : f32
    %mul3A_117 = vector.broadcast %mul3A_116 : f32 to vector<256x1xf32>
    %mul3A_118 = arith.mulf %mul3A_117, %broadcast_in_dim3A : vector<256x1xf32>
    %mul3A_119 = arith.mulf %mul3A_118, %broadcast_in_dim3A_100 : vector<256x1xf32>
    %add3A_120 = arith.addf %add3A_107, %mul3A_119 : vector<256x1xf32>
    %div3A_121 = vector.broadcast %add3A_120 : vector<256x1xf32> to vector<256x256xf32>
    %div3A_122 = arith.divf %add3A_115, %div3A_121 : vector<256x256xf32>
    %get3A_123 = arith.constant 0 : index
    %get3A_124 = arith.constant 1 : index
    %get3A_125 = vector.load %arg3[%get3A_123, %get3A_124] : memref<256x8xf32, #tpu.memory_space<vmem>>, vector<256x1xf32>
    %mul3A_126 = vector.broadcast %get3A_125 : vector<256x1xf32> to vector<256x256xf32>
    %mul3A_127 = arith.mulf %mul3A_126, %div3A_122 : vector<256x256xf32>
    %add3A_128 = arith.addf %add3A_74, %mul3A_127 : vector<256x256xf32>
    %get3A_129 = arith.constant 2 : index
    %get3A_130 = arith.constant 0 : index
    %get3A_131 = arith.constant 0 : index
    %get3A_132 = vector.load %arg1[%get3A_129, %get3A_130, %get3A_131] : memref<8x256x256xf32, #tpu.memory_space<vmem>>, vector<1x256x256xf32>
    %get3A_133 = vector.shape_cast %get3A_132 : vector<1x256x256xf32> to vector<256x256xf32>
    %mul3A_134 = arith.mulf %get3A_133, %get3A_133 : vector<256x256xf32>
    %reduce_sum3A_135 = arith.constant dense<0.000000e+00> : vector<256xf32>
    %reduce_sum3A_136 = vector.multi_reduction <add>, %mul3A_134, %reduce_sum3A_135 [1] : vector<256x256xf32> to vector<256xf32>
    %broadcast_in_dim3A_137 = vector.shape_cast %reduce_sum3A_136 : vector<256xf32> to vector<256x1xf32>
    %mul3A_138 = arith.mulf %mul3A_20, %broadcast_in_dim3A_137 : vector<256x1xf32>
    %sqrt3A_139 = math.sqrt %mul3A_138 : vector<256x1xf32>
    %tanh3A_140 = math.tanh %sqrt3A_139 : vector<256x1xf32>
    %mul3A_141 = vector.broadcast %rsqrt3A : f32 to vector<256x1xf32>
    %mul3A_142 = arith.mulf %mul3A_141, %tanh3A_140 : vector<256x1xf32>
    %rsqrt3A_143 = math.rsqrt %broadcast_in_dim3A_137 : vector<256x1xf32>
    %mul3A_144 = arith.mulf %mul3A_142, %rsqrt3A_143 : vector<256x1xf32>
    %mul3A_145 = vector.broadcast %mul3A_144 : vector<256x1xf32> to vector<256x256xf32>
    %mul3A_146 = arith.mulf %mul3A_145, %get3A_133 : vector<256x256xf32>
    %mul3A_147 = arith.mulf %get3A_5, %mul3A_146 : vector<256x256xf32>
    %reduce_sum3A_148 = arith.constant dense<0.000000e+00> : vector<256xf32>
    %reduce_sum3A_149 = vector.multi_reduction <add>, %mul3A_147, %reduce_sum3A_148 [1] : vector<256x256xf32> to vector<256xf32>
    %broadcast_in_dim3A_150 = vector.shape_cast %reduce_sum3A_149 : vector<256xf32> to vector<256x1xf32>
    %mul3A_151 = arith.mulf %mul3A_146, %mul3A_146 : vector<256x256xf32>
    %reduce_sum3A_152 = arith.constant dense<0.000000e+00> : vector<256xf32>
    %reduce_sum3A_153 = vector.multi_reduction <add>, %mul3A_151, %reduce_sum3A_152 [1] : vector<256x256xf32> to vector<256xf32>
    %broadcast_in_dim3A_154 = vector.shape_cast %reduce_sum3A_153 : vector<256xf32> to vector<256x1xf32>
    %mul3A_155 = arith.constant 2.000000e+00 : f32
    %mul3A_156 = arith.mulf %mul3A_155, %get3A_2 : f32
    %mul3A_157 = vector.broadcast %mul3A_156 : f32 to vector<256x1xf32>
    %mul3A_158 = arith.mulf %mul3A_157, %broadcast_in_dim3A_150 : vector<256x1xf32>
    %add3A_159 = arith.constant 1.000000e+00 : f32
    %add3A_160 = vector.broadcast %add3A_159 : f32 to vector<256x1xf32>
    %add3A_161 = arith.addf %add3A_160, %mul3A_158 : vector<256x1xf32>
    %mul3A_162 = vector.broadcast %get3A_2 : f32 to vector<256x1xf32>
    %mul3A_163 = arith.mulf %mul3A_162, %broadcast_in_dim3A_154 : vector<256x1xf32>
    %add3A_164 = arith.addf %add3A_161, %mul3A_163 : vector<256x1xf32>
    %mul3A_165 = vector.broadcast %add3A_164 : vector<256x1xf32> to vector<256x256xf32>
    %mul3A_166 = arith.mulf %mul3A_165, %get3A_5 : vector<256x256xf32>
    %mul3A_167 = vector.broadcast %sub3A_16 : vector<256x1xf32> to vector<256x256xf32>
    %mul3A_168 = arith.mulf %mul3A_167, %mul3A_146 : vector<256x256xf32>
    %add3A_169 = arith.addf %mul3A_166, %mul3A_168 : vector<256x256xf32>
    %mul3A_170 = arith.mulf %get3A_2, %get3A_2 : f32
    %mul3A_171 = vector.broadcast %mul3A_170 : f32 to vector<256x1xf32>
    %mul3A_172 = arith.mulf %mul3A_171, %broadcast_in_dim3A : vector<256x1xf32>
    %mul3A_173 = arith.mulf %mul3A_172, %broadcast_in_dim3A_154 : vector<256x1xf32>
    %add3A_174 = arith.addf %add3A_161, %mul3A_173 : vector<256x1xf32>
    %div3A_175 = vector.broadcast %add3A_174 : vector<256x1xf32> to vector<256x256xf32>
    %div3A_176 = arith.divf %add3A_169, %div3A_175 : vector<256x256xf32>
    %get3A_177 = arith.constant 0 : index
    %get3A_178 = arith.constant 2 : index
    %get3A_179 = vector.load %arg3[%get3A_177, %get3A_178] : memref<256x8xf32, #tpu.memory_space<vmem>>, vector<256x1xf32>
    %mul3A_180 = vector.broadcast %get3A_179 : vector<256x1xf32> to vector<256x256xf32>
    %mul3A_181 = arith.mulf %mul3A_180, %div3A_176 : vector<256x256xf32>
    %add3A_182 = arith.addf %add3A_128, %mul3A_181 : vector<256x256xf32>
    %get3A_183 = arith.constant 3 : index
    %get3A_184 = arith.constant 0 : index
    %get3A_185 = arith.constant 0 : index
    %get3A_186 = vector.load %arg1[%get3A_183, %get3A_184, %get3A_185] : memref<8x256x256xf32, #tpu.memory_space<vmem>>, vector<1x256x256xf32>
    %get3A_187 = vector.shape_cast %get3A_186 : vector<1x256x256xf32> to vector<256x256xf32>
    %mul3A_188 = arith.mulf %get3A_187, %get3A_187 : vector<256x256xf32>
    %reduce_sum3A_189 = arith.constant dense<0.000000e+00> : vector<256xf32>
    %reduce_sum3A_190 = vector.multi_reduction <add>, %mul3A_188, %reduce_sum3A_189 [1] : vector<256x256xf32> to vector<256xf32>
    %broadcast_in_dim3A_191 = vector.shape_cast %reduce_sum3A_190 : vector<256xf32> to vector<256x1xf32>
    %mul3A_192 = arith.mulf %mul3A_20, %broadcast_in_dim3A_191 : vector<256x1xf32>
    %sqrt3A_193 = math.sqrt %mul3A_192 : vector<256x1xf32>
    %tanh3A_194 = math.tanh %sqrt3A_193 : vector<256x1xf32>
    %mul3A_195 = vector.broadcast %rsqrt3A : f32 to vector<256x1xf32>
    %mul3A_196 = arith.mulf %mul3A_195, %tanh3A_194 : vector<256x1xf32>
    %rsqrt3A_197 = math.rsqrt %broadcast_in_dim3A_191 : vector<256x1xf32>
    %mul3A_198 = arith.mulf %mul3A_196, %rsqrt3A_197 : vector<256x1xf32>
    %mul3A_199 = vector.broadcast %mul3A_198 : vector<256x1xf32> to vector<256x256xf32>
    %mul3A_200 = arith.mulf %mul3A_199, %get3A_187 : vector<256x256xf32>
    %mul3A_201 = arith.mulf %get3A_5, %mul3A_200 : vector<256x256xf32>
    %reduce_sum3A_202 = arith.constant dense<0.000000e+00> : vector<256xf32>
    %reduce_sum3A_203 = vector.multi_reduction <add>, %mul3A_201, %reduce_sum3A_202 [1] : vector<256x256xf32> to vector<256xf32>
    %broadcast_in_dim3A_204 = vector.shape_cast %reduce_sum3A_203 : vector<256xf32> to vector<256x1xf32>
    %mul3A_205 = arith.mulf %mul3A_200, %mul3A_200 : vector<256x256xf32>
    %reduce_sum3A_206 = arith.constant dense<0.000000e+00> : vector<256xf32>
    %reduce_sum3A_207 = vector.multi_reduction <add>, %mul3A_205, %reduce_sum3A_206 [1] : vector<256x256xf32> to vector<256xf32>
    %broadcast_in_dim3A_208 = vector.shape_cast %reduce_sum3A_207 : vector<256xf32> to vector<256x1xf32>
    %mul3A_209 = arith.constant 2.000000e+00 : f32
    %mul3A_210 = arith.mulf %mul3A_209, %get3A_2 : f32
    %mul3A_211 = vector.broadcast %mul3A_210 : f32 to vector<256x1xf32>
    %mul3A_212 = arith.mulf %mul3A_211, %broadcast_in_dim3A_204 : vector<256x1xf32>
    %add3A_213 = arith.constant 1.000000e+00 : f32
    %add3A_214 = vector.broadcast %add3A_213 : f32 to vector<256x1xf32>
    %add3A_215 = arith.addf %add3A_214, %mul3A_212 : vector<256x1xf32>
    %mul3A_216 = vector.broadcast %get3A_2 : f32 to vector<256x1xf32>
    %mul3A_217 = arith.mulf %mul3A_216, %broadcast_in_dim3A_208 : vector<256x1xf32>
    %add3A_218 = arith.addf %add3A_215, %mul3A_217 : vector<256x1xf32>
    %mul3A_219 = vector.broadcast %add3A_218 : vector<256x1xf32> to vector<256x256xf32>
    %mul3A_220 = arith.mulf %mul3A_219, %get3A_5 : vector<256x256xf32>
    %mul3A_221 = vector.broadcast %sub3A_16 : vector<256x1xf32> to vector<256x256xf32>
    %mul3A_222 = arith.mulf %mul3A_221, %mul3A_200 : vector<256x256xf32>
    %add3A_223 = arith.addf %mul3A_220, %mul3A_222 : vector<256x256xf32>
    %mul3A_224 = arith.mulf %get3A_2, %get3A_2 : f32
    %mul3A_225 = vector.broadcast %mul3A_224 : f32 to vector<256x1xf32>
    %mul3A_226 = arith.mulf %mul3A_225, %broadcast_in_dim3A : vector<256x1xf32>
    %mul3A_227 = arith.mulf %mul3A_226, %broadcast_in_dim3A_208 : vector<256x1xf32>
    %add3A_228 = arith.addf %add3A_215, %mul3A_227 : vector<256x1xf32>
    %div3A_229 = vector.broadcast %add3A_228 : vector<256x1xf32> to vector<256x256xf32>
    %div3A_230 = arith.divf %add3A_223, %div3A_229 : vector<256x256xf32>
    %get3A_231 = arith.constant 0 : index
    %get3A_232 = arith.constant 3 : index
    %get3A_233 = vector.load %arg3[%get3A_231, %get3A_232] : memref<256x8xf32, #tpu.memory_space<vmem>>, vector<256x1xf32>
    %mul3A_234 = vector.broadcast %get3A_233 : vector<256x1xf32> to vector<256x256xf32>
    %mul3A_235 = arith.mulf %mul3A_234, %div3A_230 : vector<256x256xf32>
    %add3A_236 = arith.addf %add3A_182, %mul3A_235 : vector<256x256xf32>
    %get3A_237 = arith.constant 4 : index
    %get3A_238 = arith.constant 0 : index
    %get3A_239 = arith.constant 0 : index
    %get3A_240 = vector.load %arg1[%get3A_237, %get3A_238, %get3A_239] : memref<8x256x256xf32, #tpu.memory_space<vmem>>, vector<1x256x256xf32>
    %get3A_241 = vector.shape_cast %get3A_240 : vector<1x256x256xf32> to vector<256x256xf32>
    %mul3A_242 = arith.mulf %get3A_241, %get3A_241 : vector<256x256xf32>
    %reduce_sum3A_243 = arith.constant dense<0.000000e+00> : vector<256xf32>
    %reduce_sum3A_244 = vector.multi_reduction <add>, %mul3A_242, %reduce_sum3A_243 [1] : vector<256x256xf32> to vector<256xf32>
    %broadcast_in_dim3A_245 = vector.shape_cast %reduce_sum3A_244 : vector<256xf32> to vector<256x1xf32>
    %mul3A_246 = arith.mulf %mul3A_20, %broadcast_in_dim3A_245 : vector<256x1xf32>
    %sqrt3A_247 = math.sqrt %mul3A_246 : vector<256x1xf32>
    %tanh3A_248 = math.tanh %sqrt3A_247 : vector<256x1xf32>
    %mul3A_249 = vector.broadcast %rsqrt3A : f32 to vector<256x1xf32>
    %mul3A_250 = arith.mulf %mul3A_249, %tanh3A_248 : vector<256x1xf32>
    %rsqrt3A_251 = math.rsqrt %broadcast_in_dim3A_245 : vector<256x1xf32>
    %mul3A_252 = arith.mulf %mul3A_250, %rsqrt3A_251 : vector<256x1xf32>
    %mul3A_253 = vector.broadcast %mul3A_252 : vector<256x1xf32> to vector<256x256xf32>
    %mul3A_254 = arith.mulf %mul3A_253, %get3A_241 : vector<256x256xf32>
    %mul3A_255 = arith.mulf %get3A_5, %mul3A_254 : vector<256x256xf32>
    %reduce_sum3A_256 = arith.constant dense<0.000000e+00> : vector<256xf32>
    %reduce_sum3A_257 = vector.multi_reduction <add>, %mul3A_255, %reduce_sum3A_256 [1] : vector<256x256xf32> to vector<256xf32>
    %broadcast_in_dim3A_258 = vector.shape_cast %reduce_sum3A_257 : vector<256xf32> to vector<256x1xf32>
    %mul3A_259 = arith.mulf %mul3A_254, %mul3A_254 : vector<256x256xf32>
    %reduce_sum3A_260 = arith.constant dense<0.000000e+00> : vector<256xf32>
    %reduce_sum3A_261 = vector.multi_reduction <add>, %mul3A_259, %reduce_sum3A_260 [1] : vector<256x256xf32> to vector<256xf32>
    %broadcast_in_dim3A_262 = vector.shape_cast %reduce_sum3A_261 : vector<256xf32> to vector<256x1xf32>
    %mul3A_263 = arith.constant 2.000000e+00 : f32
    %mul3A_264 = arith.mulf %mul3A_263, %get3A_2 : f32
    %mul3A_265 = vector.broadcast %mul3A_264 : f32 to vector<256x1xf32>
    %mul3A_266 = arith.mulf %mul3A_265, %broadcast_in_dim3A_258 : vector<256x1xf32>
    %add3A_267 = arith.constant 1.000000e+00 : f32
    %add3A_268 = vector.broadcast %add3A_267 : f32 to vector<256x1xf32>
    %add3A_269 = arith.addf %add3A_268, %mul3A_266 : vector<256x1xf32>
    %mul3A_270 = vector.broadcast %get3A_2 : f32 to vector<256x1xf32>
    %mul3A_271 = arith.mulf %mul3A_270, %broadcast_in_dim3A_262 : vector<256x1xf32>
    %add3A_272 = arith.addf %add3A_269, %mul3A_271 : vector<256x1xf32>
    %mul3A_273 = vector.broadcast %add3A_272 : vector<256x1xf32> to vector<256x256xf32>
    %mul3A_274 = arith.mulf %mul3A_273, %get3A_5 : vector<256x256xf32>
    %mul3A_275 = vector.broadcast %sub3A_16 : vector<256x1xf32> to vector<256x256xf32>
    %mul3A_276 = arith.mulf %mul3A_275, %mul3A_254 : vector<256x256xf32>
    %add3A_277 = arith.addf %mul3A_274, %mul3A_276 : vector<256x256xf32>
    %mul3A_278 = arith.mulf %get3A_2, %get3A_2 : f32
    %mul3A_279 = vector.broadcast %mul3A_278 : f32 to vector<256x1xf32>
    %mul3A_280 = arith.mulf %mul3A_279, %broadcast_in_dim3A : vector<256x1xf32>
    %mul3A_281 = arith.mulf %mul3A_280, %broadcast_in_dim3A_262 : vector<256x1xf32>
    %add3A_282 = arith.addf %add3A_269, %mul3A_281 : vector<256x1xf32>
    %div3A_283 = vector.broadcast %add3A_282 : vector<256x1xf32> to vector<256x256xf32>
    %div3A_284 = arith.divf %add3A_277, %div3A_283 : vector<256x256xf32>
    %get3A_285 = arith.constant 0 : index
    %get3A_286 = arith.constant 4 : index
    %get3A_287 = vector.load %arg3[%get3A_285, %get3A_286] : memref<256x8xf32, #tpu.memory_space<vmem>>, vector<256x1xf32>
    %mul3A_288 = vector.broadcast %get3A_287 : vector<256x1xf32> to vector<256x256xf32>
    %mul3A_289 = arith.mulf %mul3A_288, %div3A_284 : vector<256x256xf32>
    %add3A_290 = arith.addf %add3A_236, %mul3A_289 : vector<256x256xf32>
    %get3A_291 = arith.constant 5 : index
    %get3A_292 = arith.constant 0 : index
    %get3A_293 = arith.constant 0 : index
    %get3A_294 = vector.load %arg1[%get3A_291, %get3A_292, %get3A_293] : memref<8x256x256xf32, #tpu.memory_space<vmem>>, vector<1x256x256xf32>
    %get3A_295 = vector.shape_cast %get3A_294 : vector<1x256x256xf32> to vector<256x256xf32>
    %mul3A_296 = arith.mulf %get3A_295, %get3A_295 : vector<256x256xf32>
    %reduce_sum3A_297 = arith.constant dense<0.000000e+00> : vector<256xf32>
    %reduce_sum3A_298 = vector.multi_reduction <add>, %mul3A_296, %reduce_sum3A_297 [1] : vector<256x256xf32> to vector<256xf32>
    %broadcast_in_dim3A_299 = vector.shape_cast %reduce_sum3A_298 : vector<256xf32> to vector<256x1xf32>
    %mul3A_300 = arith.mulf %mul3A_20, %broadcast_in_dim3A_299 : vector<256x1xf32>
    %sqrt3A_301 = math.sqrt %mul3A_300 : vector<256x1xf32>
    %tanh3A_302 = math.tanh %sqrt3A_301 : vector<256x1xf32>
    %mul3A_303 = vector.broadcast %rsqrt3A : f32 to vector<256x1xf32>
    %mul3A_304 = arith.mulf %mul3A_303, %tanh3A_302 : vector<256x1xf32>
    %rsqrt3A_305 = math.rsqrt %broadcast_in_dim3A_299 : vector<256x1xf32>
    %mul3A_306 = arith.mulf %mul3A_304, %rsqrt3A_305 : vector<256x1xf32>
    %mul3A_307 = vector.broadcast %mul3A_306 : vector<256x1xf32> to vector<256x256xf32>
    %mul3A_308 = arith.mulf %mul3A_307, %get3A_295 : vector<256x256xf32>
    %mul3A_309 = arith.mulf %get3A_5, %mul3A_308 : vector<256x256xf32>
    %reduce_sum3A_310 = arith.constant dense<0.000000e+00> : vector<256xf32>
    %reduce_sum3A_311 = vector.multi_reduction <add>, %mul3A_309, %reduce_sum3A_310 [1] : vector<256x256xf32> to vector<256xf32>
    %broadcast_in_dim3A_312 = vector.shape_cast %reduce_sum3A_311 : vector<256xf32> to vector<256x1xf32>
    %mul3A_313 = arith.mulf %mul3A_308, %mul3A_308 : vector<256x256xf32>
    %reduce_sum3A_314 = arith.constant dense<0.000000e+00> : vector<256xf32>
    %reduce_sum3A_315 = vector.multi_reduction <add>, %mul3A_313, %reduce_sum3A_314 [1] : vector<256x256xf32> to vector<256xf32>
    %broadcast_in_dim3A_316 = vector.shape_cast %reduce_sum3A_315 : vector<256xf32> to vector<256x1xf32>
    %mul3A_317 = arith.constant 2.000000e+00 : f32
    %mul3A_318 = arith.mulf %mul3A_317, %get3A_2 : f32
    %mul3A_319 = vector.broadcast %mul3A_318 : f32 to vector<256x1xf32>
    %mul3A_320 = arith.mulf %mul3A_319, %broadcast_in_dim3A_312 : vector<256x1xf32>
    %add3A_321 = arith.constant 1.000000e+00 : f32
    %add3A_322 = vector.broadcast %add3A_321 : f32 to vector<256x1xf32>
    %add3A_323 = arith.addf %add3A_322, %mul3A_320 : vector<256x1xf32>
    %mul3A_324 = vector.broadcast %get3A_2 : f32 to vector<256x1xf32>
    %mul3A_325 = arith.mulf %mul3A_324, %broadcast_in_dim3A_316 : vector<256x1xf32>
    %add3A_326 = arith.addf %add3A_323, %mul3A_325 : vector<256x1xf32>
    %mul3A_327 = vector.broadcast %add3A_326 : vector<256x1xf32> to vector<256x256xf32>
    %mul3A_328 = arith.mulf %mul3A_327, %get3A_5 : vector<256x256xf32>
    %mul3A_329 = vector.broadcast %sub3A_16 : vector<256x1xf32> to vector<256x256xf32>
    %mul3A_330 = arith.mulf %mul3A_329, %mul3A_308 : vector<256x256xf32>
    %add3A_331 = arith.addf %mul3A_328, %mul3A_330 : vector<256x256xf32>
    %mul3A_332 = arith.mulf %get3A_2, %get3A_2 : f32
    %mul3A_333 = vector.broadcast %mul3A_332 : f32 to vector<256x1xf32>
    %mul3A_334 = arith.mulf %mul3A_333, %broadcast_in_dim3A : vector<256x1xf32>
    %mul3A_335 = arith.mulf %mul3A_334, %broadcast_in_dim3A_316 : vector<256x1xf32>
    %add3A_336 = arith.addf %add3A_323, %mul3A_335 : vector<256x1xf32>
    %div3A_337 = vector.broadcast %add3A_336 : vector<256x1xf32> to vector<256x256xf32>
    %div3A_338 = arith.divf %add3A_331, %div3A_337 : vector<256x256xf32>
    %get3A_339 = arith.constant 0 : index
    %get3A_340 = arith.constant 5 : index
    %get3A_341 = vector.load %arg3[%get3A_339, %get3A_340] : memref<256x8xf32, #tpu.memory_space<vmem>>, vector<256x1xf32>
    %mul3A_342 = vector.broadcast %get3A_341 : vector<256x1xf32> to vector<256x256xf32>
    %mul3A_343 = arith.mulf %mul3A_342, %div3A_338 : vector<256x256xf32>
    %add3A_344 = arith.addf %add3A_290, %mul3A_343 : vector<256x256xf32>
    %get3A_345 = arith.constant 6 : index
    %get3A_346 = arith.constant 0 : index
    %get3A_347 = arith.constant 0 : index
    %get3A_348 = vector.load %arg1[%get3A_345, %get3A_346, %get3A_347] : memref<8x256x256xf32, #tpu.memory_space<vmem>>, vector<1x256x256xf32>
    %get3A_349 = vector.shape_cast %get3A_348 : vector<1x256x256xf32> to vector<256x256xf32>
    %mul3A_350 = arith.mulf %get3A_349, %get3A_349 : vector<256x256xf32>
    %reduce_sum3A_351 = arith.constant dense<0.000000e+00> : vector<256xf32>
    %reduce_sum3A_352 = vector.multi_reduction <add>, %mul3A_350, %reduce_sum3A_351 [1] : vector<256x256xf32> to vector<256xf32>
    %broadcast_in_dim3A_353 = vector.shape_cast %reduce_sum3A_352 : vector<256xf32> to vector<256x1xf32>
    %mul3A_354 = arith.mulf %mul3A_20, %broadcast_in_dim3A_353 : vector<256x1xf32>
    %sqrt3A_355 = math.sqrt %mul3A_354 : vector<256x1xf32>
    %tanh3A_356 = math.tanh %sqrt3A_355 : vector<256x1xf32>
    %mul3A_357 = vector.broadcast %rsqrt3A : f32 to vector<256x1xf32>
    %mul3A_358 = arith.mulf %mul3A_357, %tanh3A_356 : vector<256x1xf32>
    %rsqrt3A_359 = math.rsqrt %broadcast_in_dim3A_353 : vector<256x1xf32>
    %mul3A_360 = arith.mulf %mul3A_358, %rsqrt3A_359 : vector<256x1xf32>
    %mul3A_361 = vector.broadcast %mul3A_360 : vector<256x1xf32> to vector<256x256xf32>
    %mul3A_362 = arith.mulf %mul3A_361, %get3A_349 : vector<256x256xf32>
    %mul3A_363 = arith.mulf %get3A_5, %mul3A_362 : vector<256x256xf32>
    %reduce_sum3A_364 = arith.constant dense<0.000000e+00> : vector<256xf32>
    %reduce_sum3A_365 = vector.multi_reduction <add>, %mul3A_363, %reduce_sum3A_364 [1] : vector<256x256xf32> to vector<256xf32>
    %broadcast_in_dim3A_366 = vector.shape_cast %reduce_sum3A_365 : vector<256xf32> to vector<256x1xf32>
    %mul3A_367 = arith.mulf %mul3A_362, %mul3A_362 : vector<256x256xf32>
    %reduce_sum3A_368 = arith.constant dense<0.000000e+00> : vector<256xf32>
    %reduce_sum3A_369 = vector.multi_reduction <add>, %mul3A_367, %reduce_sum3A_368 [1] : vector<256x256xf32> to vector<256xf32>
    %broadcast_in_dim3A_370 = vector.shape_cast %reduce_sum3A_369 : vector<256xf32> to vector<256x1xf32>
    %mul3A_371 = arith.constant 2.000000e+00 : f32
    %mul3A_372 = arith.mulf %mul3A_371, %get3A_2 : f32
    %mul3A_373 = vector.broadcast %mul3A_372 : f32 to vector<256x1xf32>
    %mul3A_374 = arith.mulf %mul3A_373, %broadcast_in_dim3A_366 : vector<256x1xf32>
    %add3A_375 = arith.constant 1.000000e+00 : f32
    %add3A_376 = vector.broadcast %add3A_375 : f32 to vector<256x1xf32>
    %add3A_377 = arith.addf %add3A_376, %mul3A_374 : vector<256x1xf32>
    %mul3A_378 = vector.broadcast %get3A_2 : f32 to vector<256x1xf32>
    %mul3A_379 = arith.mulf %mul3A_378, %broadcast_in_dim3A_370 : vector<256x1xf32>
    %add3A_380 = arith.addf %add3A_377, %mul3A_379 : vector<256x1xf32>
    %mul3A_381 = vector.broadcast %add3A_380 : vector<256x1xf32> to vector<256x256xf32>
    %mul3A_382 = arith.mulf %mul3A_381, %get3A_5 : vector<256x256xf32>
    %mul3A_383 = vector.broadcast %sub3A_16 : vector<256x1xf32> to vector<256x256xf32>
    %mul3A_384 = arith.mulf %mul3A_383, %mul3A_362 : vector<256x256xf32>
    %add3A_385 = arith.addf %mul3A_382, %mul3A_384 : vector<256x256xf32>
    %mul3A_386 = arith.mulf %get3A_2, %get3A_2 : f32
    %mul3A_387 = vector.broadcast %mul3A_386 : f32 to vector<256x1xf32>
    %mul3A_388 = arith.mulf %mul3A_387, %broadcast_in_dim3A : vector<256x1xf32>
    %mul3A_389 = arith.mulf %mul3A_388, %broadcast_in_dim3A_370 : vector<256x1xf32>
    %add3A_390 = arith.addf %add3A_377, %mul3A_389 : vector<256x1xf32>
    %div3A_391 = vector.broadcast %add3A_390 : vector<256x1xf32> to vector<256x256xf32>
    %div3A_392 = arith.divf %add3A_385, %div3A_391 : vector<256x256xf32>
    %get3A_393 = arith.constant 0 : index
    %get3A_394 = arith.constant 6 : index
    %get3A_395 = vector.load %arg3[%get3A_393, %get3A_394] : memref<256x8xf32, #tpu.memory_space<vmem>>, vector<256x1xf32>
    %mul3A_396 = vector.broadcast %get3A_395 : vector<256x1xf32> to vector<256x256xf32>
    %mul3A_397 = arith.mulf %mul3A_396, %div3A_392 : vector<256x256xf32>
    %add3A_398 = arith.addf %add3A_344, %mul3A_397 : vector<256x256xf32>
    %get3A_399 = arith.constant 7 : index
    %get3A_400 = arith.constant 0 : index
    %get3A_401 = arith.constant 0 : index
    %get3A_402 = vector.load %arg1[%get3A_399, %get3A_400, %get3A_401] : memref<8x256x256xf32, #tpu.memory_space<vmem>>, vector<1x256x256xf32>
    %get3A_403 = vector.shape_cast %get3A_402 : vector<1x256x256xf32> to vector<256x256xf32>
    %mul3A_404 = arith.mulf %get3A_403, %get3A_403 : vector<256x256xf32>
    %reduce_sum3A_405 = arith.constant dense<0.000000e+00> : vector<256xf32>
    %reduce_sum3A_406 = vector.multi_reduction <add>, %mul3A_404, %reduce_sum3A_405 [1] : vector<256x256xf32> to vector<256xf32>
    %broadcast_in_dim3A_407 = vector.shape_cast %reduce_sum3A_406 : vector<256xf32> to vector<256x1xf32>
    %mul3A_408 = arith.mulf %mul3A_20, %broadcast_in_dim3A_407 : vector<256x1xf32>
    %sqrt3A_409 = math.sqrt %mul3A_408 : vector<256x1xf32>
    %tanh3A_410 = math.tanh %sqrt3A_409 : vector<256x1xf32>
    %mul3A_411 = vector.broadcast %rsqrt3A : f32 to vector<256x1xf32>
    %mul3A_412 = arith.mulf %mul3A_411, %tanh3A_410 : vector<256x1xf32>
    %rsqrt3A_413 = math.rsqrt %broadcast_in_dim3A_407 : vector<256x1xf32>
    %mul3A_414 = arith.mulf %mul3A_412, %rsqrt3A_413 : vector<256x1xf32>
    %mul3A_415 = vector.broadcast %mul3A_414 : vector<256x1xf32> to vector<256x256xf32>
    %mul3A_416 = arith.mulf %mul3A_415, %get3A_403 : vector<256x256xf32>
    %mul3A_417 = arith.mulf %get3A_5, %mul3A_416 : vector<256x256xf32>
    %reduce_sum3A_418 = arith.constant dense<0.000000e+00> : vector<256xf32>
    %reduce_sum3A_419 = vector.multi_reduction <add>, %mul3A_417, %reduce_sum3A_418 [1] : vector<256x256xf32> to vector<256xf32>
    %broadcast_in_dim3A_420 = vector.shape_cast %reduce_sum3A_419 : vector<256xf32> to vector<256x1xf32>
    %mul3A_421 = arith.mulf %mul3A_416, %mul3A_416 : vector<256x256xf32>
    %reduce_sum3A_422 = arith.constant dense<0.000000e+00> : vector<256xf32>
    %reduce_sum3A_423 = vector.multi_reduction <add>, %mul3A_421, %reduce_sum3A_422 [1] : vector<256x256xf32> to vector<256xf32>
    %broadcast_in_dim3A_424 = vector.shape_cast %reduce_sum3A_423 : vector<256xf32> to vector<256x1xf32>
    %mul3A_425 = arith.constant 2.000000e+00 : f32
    %mul3A_426 = arith.mulf %mul3A_425, %get3A_2 : f32
    %mul3A_427 = vector.broadcast %mul3A_426 : f32 to vector<256x1xf32>
    %mul3A_428 = arith.mulf %mul3A_427, %broadcast_in_dim3A_420 : vector<256x1xf32>
    %add3A_429 = arith.constant 1.000000e+00 : f32
    %add3A_430 = vector.broadcast %add3A_429 : f32 to vector<256x1xf32>
    %add3A_431 = arith.addf %add3A_430, %mul3A_428 : vector<256x1xf32>
    %mul3A_432 = vector.broadcast %get3A_2 : f32 to vector<256x1xf32>
    %mul3A_433 = arith.mulf %mul3A_432, %broadcast_in_dim3A_424 : vector<256x1xf32>
    %add3A_434 = arith.addf %add3A_431, %mul3A_433 : vector<256x1xf32>
    %mul3A_435 = vector.broadcast %add3A_434 : vector<256x1xf32> to vector<256x256xf32>
    %mul3A_436 = arith.mulf %mul3A_435, %get3A_5 : vector<256x256xf32>
    %mul3A_437 = vector.broadcast %sub3A_16 : vector<256x1xf32> to vector<256x256xf32>
    %mul3A_438 = arith.mulf %mul3A_437, %mul3A_416 : vector<256x256xf32>
    %add3A_439 = arith.addf %mul3A_436, %mul3A_438 : vector<256x256xf32>
    %mul3A_440 = arith.mulf %get3A_2, %get3A_2 : f32
    %mul3A_441 = vector.broadcast %mul3A_440 : f32 to vector<256x1xf32>
    %mul3A_442 = arith.mulf %mul3A_441, %broadcast_in_dim3A : vector<256x1xf32>
    %mul3A_443 = arith.mulf %mul3A_442, %broadcast_in_dim3A_424 : vector<256x1xf32>
    %add3A_444 = arith.addf %add3A_431, %mul3A_443 : vector<256x1xf32>
    %div3A_445 = vector.broadcast %add3A_444 : vector<256x1xf32> to vector<256x256xf32>
    %div3A_446 = arith.divf %add3A_439, %div3A_445 : vector<256x256xf32>
    %get3A_447 = arith.constant 0 : index
    %get3A_448 = arith.constant 7 : index
    %get3A_449 = vector.load %arg3[%get3A_447, %get3A_448] : memref<256x8xf32, #tpu.memory_space<vmem>>, vector<256x1xf32>
    %mul3A_450 = vector.broadcast %get3A_449 : vector<256x1xf32> to vector<256x256xf32>
    %mul3A_451 = arith.mulf %mul3A_450, %div3A_446 : vector<256x256xf32>
    %add3A_452 = arith.addf %add3A_398, %mul3A_451 : vector<256x256xf32>
    %swap3A = arith.constant 0 : index
    %swap3A_453 = arith.constant 0 : index
    %swap3A_454 = vector.load %arg5[%swap3A, %swap3A_453] : memref<256x256xf32, #tpu.memory_space<vmem>>, vector<256x256xf32>
    tpu.vector_store %arg5[%swap3A, %swap3A_453], %add3A_452 {strides = array<i32>} : memref<256x256xf32, #tpu.memory_space<vmem>>, vector<256x256xf32>,
    return
  }
  func.func @transform_0(%arg0: i32) -> (i32, i32, i32) {
    %c0_i32 = arith.constant 0 : i32
    %c0_i32_0 = arith.constant 0 : i32
    %c0_i32_1 = arith.constant 0 : i32
    return %c0_i32, %arg0, %c0_i32_0 : i32, i32, i32
  }
  func.func @transform_1(%arg0: i32) -> (i32, i32) {
    %c0_i32 = arith.constant 0 : i32
    %c0_i32_0 = arith.constant 0 : i32
    return %arg0, %c0_i32 : i32, i32
  }
  func.func @transform_2(%arg0: i32) -> (i32, i32) {
    %c0_i32 = arith.constant 0 : i32
    %c0_i32_0 = arith.constant 0 : i32
    return %arg0, %c0_i32 : i32, i32
  }
  func.func @transform_3(%arg0: i32) -> (i32, i32) {
    %c0_i32 = arith.constant 0 : i32
    %c0_i32_0 = arith.constant 0 : i32
    %c0_i32_1 = arith.constant 0 : i32
    return %c0_i32, %c0_i32_0 : i32, i32
  }
  func.func @transform_4(%arg0: i32) -> (i32, i32) {
    %c0_i32 = arith.constant 0 : i32
    %c0_i32_0 = arith.constant 0 : i32
    return %arg0, %c0_i32 : i32, i32
  }
}

</mosaic_0001>

<sc_bundles>
// kernel: gather_offload_async_start
scs
__scs_entry_jumppad:
0x0: {  	(pc) =	sbr.rel $0x88, $3  }
0x1: {  	(tag) =	ssettag $0x0;
	lr =	simm.s32 $0x1  }
0x2: {  	[smem:$0x3F98] =	sst lr;
	_ =	strace $0xD0000000  }
0x3: {  	_ = 	snop  }
0x4: {  	_ = 	snop  }
0x5: {  	_ = 	snop  }
0x6: {  	_ = 	snop  }
0x7: {  	_ = 	snop  }
__scs_overlays_trampoline_lowered:
0x8: {  	[smem:$0x3FA7] =	sst s0  }
0x9: {  	[smem:$0x3FA8] =	sst s1  }
0xa: {  	[smem:$0x3FA9] =	sst s2  }
0xb: {  	[smem:$0x3FAA] =	sst s3  }
0xc: {  	[smem:$0x3FAB] =	sst s4  }
0xd: {  	[smem:$0x3FAC] =	sst s5  }
0xe: {  	[smem:$0x3FAD] =	sst s6  }
0xf: {  	[smem:$0x3FAE] =	sst s7  }
0x10: {  	[smem:$0x3FAF] =	sst s8  }
0x11: {  	[smem:$0x3FB0] =	sst s9;
	s0 =	simm.s32 @!p0 $0x0  }
0x12: {  	s1 =	sld [smem:$0x3F96];
	s0 =	simm.s32 @p0 $0x1  }
0x13: {  	[smem:$0x3FB1] =	sst s0;
	s0 =	simm.s32 @!p1 $0x0  }
0x14: {  	s2 =	sld [smem:$0x3F95];
	s0 =	simm.s32 @p1 $0x1  }
0x15: {  	[smem:$0x3FB2] =	sst s0;
	s0 =	simm.s32 @!p2 $0x0  }
0x16: {  	s3 =	sld [smem:$0x3FDB];
	s0 =	simm.s32 @p2 $0x1  }
0x17: {  	s4 =	simm.s32 $0x1BF5;
	[smem:$0x3FB4] =	sst s0  }
0x18: {  	s0 =	sld [smem:$0x3F97];
	_ =	swait.ge [sflag:s4], $0x0  }
0x19: {  	s7 =	sld [smem:$0x3F98]  }
0x1a: {  	s8 =	sadd.s32 $0xFFFFE003, lr  }
0x1b: {  	s9 =	sadd.s32 $0xFFFFFEF7, lr;
	s5 =	simm.s32 $0xFFFFFFFF;
	p2 =	slt.u32 s8, $0xFFFFF086  }
0x1c: {  	p1 =	slt.u32 s9, $0xF7A;
	s5 =	simm.s32 @!p2 $0x0  }
0x1d: {  	s5 =	simm.s32 @p1 $0x1;
	p0 =	seq.s32 s7, s2  }
0x1e: {  	s7 =	smul.u32 @!p0 $0xF7A, s2;
	p2 =	seq.s32 @!p0 s5, $0x0  }
0x1f: {  	s9 =	smul.u32 $0xF7A, s1;
	s8 =	simm.s32 @!p0 $0x1BF5;
	p2 =	por !p2, p0  }
0x20: {  	[sflag:s8] =	ssyncset.s32 @!p0 $0xFFFFF086;
	s6 =	sadd.s32 @!p0 s3, s7;
	s7 =	simm.s32 @!p0 $0x108  }
0x21: {  	s3 =	sadd.s32 s3, s9;
	s6 =	sadd.s32 @!p0 $0x88, s6;
	s7 =	simm.s32 @p2 $0x1082  }
0x22: {  	[simem:s7], [sflag:s8] =	dma.local @!p0 [hbm:s6], $0xF7A  }
0x23: {  	s9 =	sor.u32 $0xD0000000, s2;
	s6 =	simm.s32 $0x108;
	_ =	swait.ge @!p0 [sflag:s8], $0x0  }
0x24: {  	s3 =	sadd.s32 $0x88, s3;
	s6 =	simm.s32 @!p1 $0x1082;
	[sflag:s4] =	ssyncset.s32 $0xFFFFF086  }
0x25: {  	[simem:s6], [sflag:s4] =	dma.local [hbm:s3], $0xF7A  }
0x26: {  	[smem:$0x3F98] =	sst s1;
	(tag) =	ssettag s2;
	_ =	strace s9  }
0x27: {  	s1 =	sld [smem:$0x3FA8]  }
0x28: {  	s2 =	sld [smem:$0x3FA9]  }
0x29: {  	s4 =	sld [smem:$0x3FAB]  }
0x2a: {  	p0 =	seq.s32 s5, $0x0;
	s5 =	sld [smem:$0x3FAC]  }
0x2b: {  	s6 =	sld [smem:$0x3FAD]  }
0x2c: {  	s7 =	sld [smem:$0x3FAE]  }
0x2d: {  	s3 =	simm.s32 $0x108;
	s8 =	sld [smem:$0x3FAF]  }
0x2e: {  	s3 =	simm.s32 @!p0 $0x1082;
	s9 =	sld [smem:$0x3FB0]  }
0x2f: {  	lr =	sadd.s32 s0, s3;
	s0 =	sld [smem:$0x3FA7]  }
0x30: {  	s3 =	sld [smem:$0x3FAA]  }
0x31: {  	[smem:$0x3FB3] =	sst s10  }
0x32: {  	s10 =	sld [smem:$0x3FB1];
	_ =	sdelay $0x3  }
0x33: {  	p0 =	seq.s32 s10, $0x1;
	s10 =	sld [smem:$0x3FB3];
	_ =	sdelay $0x3  }
0x34: {  	[smem:$0x3FB3] =	sst s10  }
0x35: {  	s10 =	sld [smem:$0x3FB2];
	_ =	sdelay $0x3  }
0x36: {  	p1 =	seq.s32 s10, $0x1;
	s10 =	sld [smem:$0x3FB3];
	_ =	sdelay $0x3  }
0x37: {  	[smem:$0x3FB3] =	sst s10  }
0x38: {  	s10 =	sld [smem:$0x3FB4]  }
0x39: {  	_ = 	snop;
	(pc) =	sbr.ind lr, $3  }
0x3a: {  	_ = 	snop  }
0x3b: {  	_ = 	snop  }
0x3c: {  	p2 =	seq.s32 s10, $0x1;
	s10 =	sld [smem:$0x3FB3]  }
0x3d: {  	_ =	shalt  }
0x3e: {  	_ =	shalt  }
0x3f: {  	_ =	shalt  }
0x40: {  	_ =	shalt  }
0x41: {  	_ =	shalt  }
0x42: {  	_ =	shalt  }
0x43: {  	_ =	shalt  }
0x44: {  	_ =	shalt  }
0x45: {  	_ =	shalt  }
0x46: {  	_ =	shalt  }
0x47: {  	_ =	shalt  }
0x48: {  	_ =	shalt  }
0x49: {  	_ =	shalt  }
0x4a: {  	_ =	shalt  }
0x4b: {  	_ =	shalt  }
0x4c: {  	_ =	shalt  }
0x4d: {  	_ =	shalt  }
0x4e: {  	_ =	shalt  }
0x4f: {  	_ =	shalt  }
0x50: {  	_ =	shalt  }
0x51: {  	_ =	shalt  }
0x52: {  	_ =	shalt  }
0x53: {  	_ =	shalt  }
0x54: {  	_ =	shalt  }
0x55: {  	_ =	shalt  }
0x56: {  	_ =	shalt  }
0x57: {  	_ =	shalt  }
0x58: {  	_ =	shalt  }
0x59: {  	_ =	shalt  }
0x5a: {  	_ =	shalt  }
0x5b: {  	_ =	shalt  }
0x5c: {  	_ =	shalt  }
0x5d: {  	_ =	shalt  }
0x5e: {  	_ =	shalt  }
0x5f: {  	_ =	shalt  }
0x60: {  	_ =	shalt  }
0x61: {  	_ =	shalt  }
0x62: {  	_ =	shalt  }
0x63: {  	_ =	shalt  }
0x64: {  	_ =	shalt  }
0x65: {  	_ =	shalt  }
0x66: {  	_ =	shalt  }
0x67: {  	_ =	shalt  }
0x68: {  	_ =	shalt  }
0x69: {  	_ =	shalt  }
0x6a: {  	_ =	shalt  }
0x6b: {  	_ =	shalt  }
0x6c: {  	_ =	shalt  }
0x6d: {  	_ =	shalt  }
0x6e: {  	_ =	shalt  }
0x6f: {  	_ =	shalt  }
0x70: {  	_ =	shalt  }
0x71: {  	_ =	shalt  }
0x72: {  	_ =	shalt  }
0x73: {  	_ =	shalt  }
0x74: {  	_ =	shalt  }
0x75: {  	_ =	shalt  }
0x76: {  	_ =	shalt  }
0x77: {  	_ =	shalt  }
0x78: {  	_ =	shalt  }
0x79: {  	_ =	shalt  }
0x7a: {  	_ =	shalt  }
0x7b: {  	_ =	shalt  }
0x7c: {  	_ =	shalt  }
0x7d: {  	_ =	shalt  }
0x7e: {  	_ =	shalt  }
0x7f: {  	_ =	shalt  }
0x80: {  	_ =	shalt  }
0x81: {  	_ =	shalt  }
0x82: {  	_ =	shalt  }
0x83: {  	_ =	shalt  }
0x84: {  	_ =	shalt  }
0x85: {  	_ =	shalt  }
0x86: {  	_ =	shalt  }
0x87: {  	_ =	shalt  }
.Lfunc_end0:
.L_simem_size_0:
called_computation_lowered:
.L_overlay_start_0:
0x88: {  	s2 =	sld [smem:$0x3FD9]  }
0x89: {  	s3 =	sld [smem:$0x3FFE];
	_ =	sdelay $0x1  }
0x8a: {  	s1 =	srdreg.scid  }
0x8b: {  	s0 =	sand.u32 $0x1, s1  }
0x8c: {  	s14 =	sshll.u32 s0, $0xA;
	s2 =	sadd.s32 s3, s2  }
0x8d: {  	s2 =	sadd.s32 s2, s14  }
0x8e: {  	[smem:$0x3FBF] =	sst s2  }
0x8f: {  	_ = 	snop  }
0x90: {  	s2 =	sld [smem:$0x3FD0];
	_ =	sdelay $0x2  }
0x91: {  	s15 =	simm.s32 $0xA;
	s4 =	simm.s32 $0x10  }
0x92: {  	[smem:s4], [sflag:s15] =	dma.local [hbm:s2], $0x1  }
0x93: {  	_ =	swait.eq [sflag:s15], $0x1  }
0x94: {  	[sflag:s15] =	ssyncset.done $0x0  }
0x95: {  	[sflag:s15] =	ssyncadd.s32 $0xFFFFFFFF  }
0x96: {  	s16 =	sld [smem:$0x11];
	(tm) =	ssettm $0x1  }
0x97: {  	s17 =	sld [smem:$0x3FFB];
	_ =	sdelay $0x3  }
0x98: {  	_ =	strace s17  }
0x99: {  	s3 =	sld [smem:$0x3FFC];
	_ =	sdelay $0x3  }
0x9a: {  	_ =	strace s3  }
0x9b: {  	s3 =	sld [smem:$0x3FFD];
	_ =	sdelay $0x3  }
0x9c: {  	_ =	strace s3  }
0x9d: {  	_ =	strace $0x8FFFFFFF  }
0x9e: {  	s18 =	sld [smem:$0x3FDB];
	_ =	sdelay $0x1  }
0x9f: {  	s19 =	simm.s32 $_scs_section_size  }
0xa0: {  	s5 =	simm.s32 $_size__tile_overlayer_lowered;
	s6 =	simm.s32 $_tile_overlayer_lowered  }
0xa1: {  	s22 =	simm.s32 $0x1BFF;
	s21 =	sshll.u32 s6, $0x1;
	s3 =	sadd.s32 s19, s18  }
0xa2: {  	s7 =	simm.s32 $0x0;
	s20 =	sshll.u32 s5, $0x1;
	s5 =	sadd.s32 s21, s3  }
0xa3: {  	[timem:s7], [sflag:s22] =	dma.local [hbm:s5], s20  }
0xa4: {  	_ =	swait.ge [sflag:s22], s20  }
0xa5: {  	s4 =	ssub.s32 $0x0, s20;
	[sflag:s22] =	ssyncset.done $0x0  }
0xa6: {  	[sflag:s22] =	ssyncadd.s32 s4;
	_ =	sdelay $0x1  }
0xa7: {  	s23 =	simm.s32 $0x1B8B  }
0xa8: {  	_ =	swait.ge [sflag:s23], $0x1  }
0xa9: {  	[sflag:s23] =	ssyncset.done $0x0  }
0xaa: {  	s25 =	simm.s32 $0x1B8E;
	s24 =	sld [smem:$0x3FFE];
	[sflag:s23] =	ssyncadd.s32 $0xFFFFFFFF  }
0xab: {  	s26 =	simm.s32 $execute0_lowered;
	[smem:$0x3FD2] =	sst s25  }
0xac: {  	s5 =	sshll.u32 s26, $0x1;
	_ =	strace $0x80000046;
	[dreg:$0x1] =	wrdreg $0xFFFFFFFF  }
0xad: {  	s28 =	simm.s32 $_size_execute0_lowered;
	s3 =	sadd.s32 s3, s5;
	[dreg:$0x0] =	wrdreg $0x0  }
0xae: {  	s5 =	sshll.u32 s28, $0x1;
	[dreg:$0x2] =	wrdreg s3  }
0xaf: {  	[dreg:$0x3] =	wrdreg s5  }
0xb0: {  	[dreg:$0x4] =	wrdreg $0xC0  }
0xb1: {  	_ =	task [dreg:s7], $0x5FFFF  }
0xb2: {  	[dreg:$0x1] =	wrdreg $0xFFFFFFFF  }
0xb3: {  	[dreg:$0x0] =	wrdreg $0x60  }
0xb4: {  	[dreg:$0x2] =	wrdreg s16  }
0xb5: {  	[dreg:$0x3] =	wrdreg s24  }
0xb6: {  	[dreg:$0x4] =	wrdreg $0x9  }
0xb7: {  	_ =	task.clear_ibuf [dreg:s7], $0x5FFFF;
	_ =	strace $0x90000046  }
0xb8: {  	s29 =	simm.s32 $0x9;
	_ =	strace $0x80000048  }
0xb9: {  	_ =	swait.ge [sflag:s29], $0x1  }
0xba: {  	[sflag:s29] =	ssyncadd.s32 $0xFFFFFFFF  }
0xbb: {  	_ =	strace $0x90000048  }
0xbc: {  	_ =	sfence  }
0xbd: {  	s30 =	sld [smem:$0x0];
	_ =	sdelay $0x2  }
0xbe: {  	s31 =	sshll.u32 s1, $0xD;
	s1 =	sshrl.u32 s1, $0x2  }
0xbf: {  	s3 =	sand.u32 $0x4000, s31;
	s1 =	sadd.s32 s1, s30  }
0xc0: {  	s0 =	sor.u32 s3, s0;
	s1 =	sshll.u32 s1, $0x11  }
0xc1: {  	s0 =	sor.u32 s1, s0  }
0xc2: {  	s0 =	sadd.s32 $0x8F2B, s0  }
0xc3: {  	[sflag:s0] =	ssyncadd.remote.s32 $0x1  }
0xc4: {  	_ =	sfence.sel $0xFFFF  }
0xc5: {  	[dreg:$0x0] =	wrdreg $0xFFFFFFFF;
	(pc) =	sbr.abs _section_cstart, $3  }
0xc6: {  	[dreg:$0x1] =	wrdreg $0xFFFFFFFF  }
0xc7: {  	_ =	task.clear_ibuf [dreg:s7], $0x2FFFF;
	_ =	strace $0x9FFFFFFF  }
0xc8: {  	(tm) =	ssettm $0x7FFFFFFF  }
0xc9: {  	_ =	shalt  }
tec
execute0_lowered:
.L_overlay_start_1:
0x0: {  	(tag) =	ssettag $0x1  }
0x1: {  	s1 =	srdreg.scid;
	s2 =	rddreg [dreg:$0x0]  }
0x2: {  	s0 =	stileid.u32;
	s5 =	rddreg [dreg:$0x1];
	s6 =	simm.s32 $0x1  }
0x3: {  	s9 =	simm.s32 $0x1;
	s10 =	simm.s32 $0x3;
	s1 =	sshll.u32 s1, $0x8  }
0x4: {  	s13 =	simm.s32 $0x0;
	s3 =	sshll.u32 s0, $0x9;
	s4 =	sand.u32 $0x100, s1  }
0x5: {  	s12 =	simm.s32 $0x0;
	s1 =	rddreg [dreg:$0x2];
	s3 =	sor.u32 s3, s4  }
0x6: {  	_ =	strace $0x80000047;
	s4 =	sadd.s32 $0x10200, s5;
	s8 =	ssub.s32 $0x4000, s3  }
.Ltmp0:
0x7: {  	s5 =	sadd.s32 $0x10A00, s5;
	s7 =	sand.u32 $0x1F00, s8;
	(pc) =	sbr.rel .LBB2_1-.Ltmp0, $4  }
0x8: {  	[sflag:s6] =	ssyncpa.u1 $0x0;
	s11 =	smov.u32 s3;
	p0 =	sne.s32 s7, $0x0  }
0x9: {  	s8 =	sshrl.u32 s8, $0xD;
	s7 =	simm.s32 $0x2;
	s9 =	simm.s32 @!p0 $0x0  }
0xa: {  	[sflag:s7] =	ssyncpa.u1 $0x0;
	p0 =	por $0x0, $0x0;
	s8 =	sadd.s32 s9, s8  }
0xb: {  	vm0 =	vmmov $0xffff;
	[sflag:s10] =	ssyncpa.u1 $0x0;
	s10 =	simm.s32 $0x0;
	s9 =	sadd.s32 $0x1, s8  }
.LBB2_4:
0xc: {  	vm1 =	veq.s32 v0, $0x80000000;
	v63 =	vand.u32 $0x7FF, v0;
	v2 =	vand.u32 $0x1F, v2  }
0xd: {  	v0 =	vsel vm1, $0xFFFFFFFF, v63;
	v2 =	vsel vm1, $0xFFFFFFFF, v2  }
0xe: {  	v3 =	vshll.u32 v2, $0xB;
	v4 =	vshll.u32 v0, $0x3  }
0xf: {  	v2 =	vshll.u32 v2, $0x7;
	v3 =	vand.u32 $0xFFFFC000, v3;
	v4 =	vand.u32 $0xFFFFFC00, v4  }
0x10: {  	v2 =	vand.u32 $0x380, v2;
	v3 =	vadd.s32 v4, v3  }
0x11: {  	v0 =	vand.u32 $0x7F, v0;
	v2 =	vor.u32 v2, v3  }
0x12: {  	v0 =	vor.u32 v0, v2;
	_ =	sdelay $0x1  }
0x13: {  	(ifvalue) =	ssetifvalue $0x7FFFFFFF;
	s14 =	sadd.s32 $0x10, s14  }
0x14: {  	[tilespmem:s14], [sflag:$0x1] =	stream.indirect_vreg.gather [hbm4b:s2+s10], $0x1, v1, vm0, $0x4038;
	[tilespmem:$0x400] =	vst v63  }
0x15: {  	(ifvalue) =	ssetifvalue $0x7FFFFFFF;
	s14 =	sadd.s32 $0x10, s14  }
0x16: {  	[tilespmem:s14], [sflag:$0x1] =	stream.indirect_vreg.gather [hbm4b:s2+s10], $0x1, v0, vm0, $0x4038;
	[tilespmem:$0x400] =	vst v63  }
0x17: {  	_ =	swait.ge [sflag:s6], $0x100  }
0x18: {  	s30 =	sshrl.u32 s13, $0x3;
	[sflag:s6] =	ssyncset.done $0x0  }
0x19: {  	s31 =	sand.u32 $0x7, s13;
	s14 =	sadd.s32 s5, s30;
	[sflag:s6] =	ssyncadd.s32 $0xFFFFFF00  }
0x1a: {  	[hbm4b:s14+s31] =	stream.linear.scatter [tilespmem:s15], [sflag:$0x3], $0x100, $0x38;
	[tilespmem:$0x400] =	vst v63  }
.LBB2_5:
0x1b: {  	s15 =	sadd.s32 $0x2000, s11  }
0x1c: {  	p2 =	sgt.s32 s15, $0x3FFF  }
0x1d: {  	s15 =	smov.u32 @p2 s3;
	p2 =	sne.s32 s12, s9  }
.Ltmp1:
0x1e: {  	p1 =	slt.u32 s12, $0x2;
	(pc) =	sbr.rel @!p2 .LBB2_6-.Ltmp1, $4  }
0x1f: {  	s14 =	simm.s32 @!p1 $0x3  }
0x20: {  	s16 =	sadd.s32 $0x1, s12;
	_ =	swait.ge @!p1 [sflag:s14], $0x100  }
0x21: {  	s13 =	smov.u32 s11;
	p0 =	por !p0, !p0;
	[sflag:s14] =	ssyncset.done @!p1 $0x0  }
0x22: {  	s12 =	smov.u32 s16;
	s11 =	smov.u32 s15;
	[sflag:s14] =	ssyncadd.s32 @!p1 $0xFFFFFF00  }
.LBB2_1:
0x23: {  	p1 =	sge.u32 s12, s8  }
0x24: {  	s14 =	sxor.u32 @!p1 $0xFFFFFFFF, s12  }
0x25: {  	s31 =	sadd.s32 $0xFFFFFFFF, s12;
	s15 =	sshrl.u32 @!p1 s11, $0x3;
	s14 =	sshll.u32 @!p1 s14, $0x8  }
0x26: {  	s16 =	sand.u32 @!p1 $0x7, s11;
	s15 =	sadd.s32 @!p1 s4, s15;
	s14 =	sand.u32 @!p1 $0x100, s14  }
0x27: {  	[tilespmem:s14], [sflag:$0x2] =	stream.linear.gather @!p1 [hbm4b:s15+s16], $0x100, $0x38;
	[tilespmem:$0x400] =	vst v63  }
0x28: {  	p1 =	sge.u32 s31, s8  }
.Ltmp2:
0x29: {  	_ = 	snop;
	(pc) =	sbr.rel @p1 .LBB2_5-.Ltmp2, $1  }
0x2a: {  	_ =	sdelay $0x3  }
0x2b: {  	s14 =	simm.s32 $0x1  }
0x2c: {  	_ =	swait.ge [sflag:s7], $0x100;
	s14 =	simm.s32 @!p0 $0x0  }
0x2d: {  	[sflag:s7] =	ssyncset.done $0x0;
	s14 =	sshll.u32 s14, $0x8  }
0x2e: {  	[sflag:s7] =	ssyncadd.s32 $0xFFFFFF00;
	(ifvalue) =	ssetifvalue $0x7FFFFFFF;
	v0 =	vld.msk [tilespmem:s14+$0x0 ss:$0x1], $0xffff;
	_ =	sdelay $0x4  }
0x2f: {  	s15 =	sadd.s32 $0x10, s14;
	v1 =	vshrl.u32 v0, $0xB  }
0x30: {  	v2 =	vld.msk [tilespmem:s15+$0x0 ss:$0x1], $0xffff;
	vm1 =	veq.s32 v0, $0x80000000;
	v0 =	vand.u32 $0x7FF, v0;
	v1 =	vand.u32 $0x1F, v1  }
0x31: {  	v0 =	vsel vm1, $0xFFFFFFFF, v0;
	v1 =	vsel vm1, $0xFFFFFFFF, v1  }
0x32: {  	v4 =	vshll.u32 v0, $0x3;
	v3 =	vshll.u32 v1, $0xB  }
0x33: {  	v4 =	vand.u32 $0xFFFFFC00, v4;
	v1 =	vshll.u32 v1, $0x7;
	v3 =	vand.u32 $0xFFFFC000, v3  }
0x34: {  	v0 =	vand.u32 $0x7F, v0;
	v1 =	vand.u32 $0x380, v1;
	v3 =	vadd.s32 v4, v3  }
0x35: {  	vm1 =	veq.s32 v2, $0x80000000;
	v1 =	vor.u32 v1, v3;
	v3 =	vshrl.u32 v2, $0xB  }
0x36: {  	s17 =	sadd.s32 $0x10, s15;
	v2 =	vand.u32 $0x7FF, v2;
	v1 =	vor.u32 v0, v1;
	v3 =	vand.u32 $0x1F, v3  }
0x37: {  	v0 =	vld.msk [tilespmem:s17+$0x0 ss:$0x1], $0xffff;
	v2 =	vsel vm1, $0xFFFFFFFF, v2;
	v3 =	vsel vm1, $0xFFFFFFFF, v3  }
0x38: {  	v5 =	vshll.u32 v2, $0x3;
	v63 =	vshll.u32 v3, $0xB  }
0x39: {  	s31 =	sshll.u32 s12, $0x8;
	v5 =	vand.u32 $0xFFFFFC00, v5;
	v3 =	vshll.u32 v3, $0x7;
	v4 =	vand.u32 $0xFFFFC000, v63  }
0x3a: {  	s14 =	sor.u32 $0x200, s14;
	s15 =	sand.u32 $0x100, s31;
	(ifvalue) =	ssetifvalue $0x7FFFFFFF;
	v3 =	vand.u32 $0x380, v3;
	v4 =	vadd.s32 v5, v4  }
0x3b: {  	[tilespmem:s14], [sflag:$0x1] =	stream.indirect_vreg.gather [hbm4b:s2+s10], $0x1, v1, vm0, $0x4038;
	v1 =	vand.u32 $0x7F, v2;
	v3 =	vor.u32 v3, v4;
	[tilespmem:$0x400] =	vst v63  }
0x3c: {  	s16 =	simm.s32 $0x20;
	s15 =	sor.u32 $0x200, s15;
	s17 =	sadd.s32 $0x10, s17;
	v2 =	vshrl.u32 v0, $0xB;
	v1 =	vor.u32 v1, v3  }
.LBB2_3:
0x3d: {  	s16 =	sadd.s32 $0x10, s16;
	vm1 =	veq.s32 v0, $0x80000000;
	v3 =	vand.u32 $0x7FF, v0;
	v0 =	vld.msk [tilespmem:s17+$0x0 ss:$0x1], $0xffff;
	v2 =	vand.u32 $0x1F, v2  }
0x3e: {  	p1 =	slt.u32 s16, $0xF0;
	v3 =	vsel vm1, $0xFFFFFFFF, v3;
	v2 =	vsel vm1, $0xFFFFFFFF, v2  }
.Ltmp3:
0x3f: {  	v4 =	vshll.u32 v2, $0xB;
	v5 =	vshll.u32 v3, $0x3;
	(pc) =	sbr.rel @p1 .LBB2_3-.Ltmp3, $4  }
0x40: {  	s14 =	sadd.s32 $0x10, s14;
	v2 =	vshll.u32 v2, $0x7;
	v4 =	vand.u32 $0xFFFFC000, v4;
	v5 =	vand.u32 $0xFFFFFC00, v5;
	(ifvalue) =	ssetifvalue $0x7FFFFFFF  }
0x41: {  	v2 =	vand.u32 $0x380, v2;
	v4 =	vadd.s32 v5, v4;
	[tilespmem:s14], [sflag:$0x1] =	stream.indirect_vreg.gather [hbm4b:s2+s10], $0x1, v1, vm0, $0x4038;
	[tilespmem:$0x400] =	vst v63  }
0x42: {  	v1 =	vand.u32 $0x7F, v3;
	v3 =	vor.u32 v2, v4  }
0x43: {  	s17 =	sadd.s32 $0x10, s17;
	v2 =	vshrl.u32 v0, $0xB;
	v1 =	vor.u32 v1, v3  }
.Ltmp4:
0x44: {  	_ = 	snop;
	(pc) =	sbr.rel .LBB2_4-.Ltmp4, $1  }
0x45: {  	_ =	sdelay $0x3  }
.LBB2_6:
0x46: {  	_ =	sfence.sel $0x180000  }
0x47: {  	s2 =	simm.s32 $0x2;
	[bflag:$0x0] =	sbarrier.arrive $0xFFFF  }
0x48: {  	s30 =	simm.s32 $0x3;
	[sflag:s2] =	ssyncpa.u1 $0x1  }
0x49: {  	s31 =	simm.s32 $0x1;
	[sflag:s30] =	ssyncpa.u1 $0x1  }
0x4a: {  	[sflag:s31] =	ssyncpa.u1 $0x1  }
0x4b: {  	p0 =	sne.s32 s0, $0x0;
	_ =	strace $0x90000047  }
0x4c: {  	s0 =	sadd.s32 @!p0 $0x100000, s1;
	[bflag:$0x2] =	sbarrier.arrive $0xFFFF  }
0x4d: {  	[sflag:s0] =	ssyncadd.tile.s32 @!p0 $0x1;
	_ =	shalt  }
.Lfunc_end2:
_tile_overlayer_lowered:
.L_overlay_start_2:
0x4e: {  	(tag) =	ssettag $0x2  }
0x4f: {  	s0 =	rddreg [dreg:$0x0];
	s2 =	stileid.u32  }
0x50: {  	s1 =	rddreg [dreg:$0x1];
	p0 =	sne.s32 s2, $0x0  }
0x51: {  	s3 =	rddreg [dreg:$0x2];
	[bflag:$0x3] =	sbarrier.arrive $0xFFFF;
	s2 =	simm.s32 @!p0 $0x1C01  }
0x52: {  	[timem:s3], [sflag:s2] =	dma.local @!p0 [hbm:s0], s1  }
0x53: {  	s0 =	simm.s32 @!p0 $0x1  }
0x54: {  	_ =	swait.ge @!p0 [sflag:s0], s1  }
0x55: {  	s1 =	ssub.s32 @!p0 $0x0, s1;
	[sflag:s0] =	ssyncset.done @!p0 $0x0  }
0x56: {  	[sflag:s0] =	ssyncadd.s32 @!p0 s1  }
0x57: {  	[bflag:$0x3] =	sbarrier.arrive $0xFFFF  }
0x58: {  	_ =	shalt  }

// kernel: kernel.10.cloned.1.call-start
scs
__scs_entry_jumppad:
0x0: {  	(pc) =	sbr.rel $0x88, $3  }
0x1: {  	(tag) =	ssettag $0x0;
	lr =	simm.s32 $0x1  }
0x2: {  	[smem:$0x3F98] =	sst lr;
	_ =	strace $0xD0000000  }
0x3: {  	_ = 	snop  }
0x4: {  	_ = 	snop  }
0x5: {  	_ = 	snop  }
0x6: {  	_ = 	snop  }
0x7: {  	_ = 	snop  }
__scs_overlays_trampoline_lowered:
0x8: {  	[smem:$0x3FA7] =	sst s0  }
0x9: {  	[smem:$0x3FA8] =	sst s1  }
0xa: {  	[smem:$0x3FA9] =	sst s2  }
0xb: {  	[smem:$0x3FAA] =	sst s3  }
0xc: {  	[smem:$0x3FAB] =	sst s4  }
0xd: {  	[smem:$0x3FAC] =	sst s5  }
0xe: {  	[smem:$0x3FAD] =	sst s6  }
0xf: {  	[smem:$0x3FAE] =	sst s7  }
0x10: {  	[smem:$0x3FAF] =	sst s8  }
0x11: {  	[smem:$0x3FB0] =	sst s9;
	s0 =	simm.s32 @!p0 $0x0  }
0x12: {  	s1 =	sld [smem:$0x3F96];
	s0 =	simm.s32 @p0 $0x1  }
0x13: {  	[smem:$0x3FB1] =	sst s0;
	s0 =	simm.s32 @!p1 $0x0  }
0x14: {  	s2 =	sld [smem:$0x3F95];
	s0 =	simm.s32 @p1 $0x1  }
0x15: {  	[smem:$0x3FB2] =	sst s0;
	s0 =	simm.s32 @!p2 $0x0  }
0x16: {  	s3 =	sld [smem:$0x3FDB];
	s0 =	simm.s32 @p2 $0x1  }
0x17: {  	s4 =	simm.s32 $0x1BF5;
	[smem:$0x3FB4] =	sst s0  }
0x18: {  	s0 =	sld [smem:$0x3F97];
	_ =	swait.ge [sflag:s4], $0x0  }
0x19: {  	s7 =	sld [smem:$0x3F98]  }
0x1a: {  	s8 =	sadd.s32 $0xFFFFE003, lr  }
0x1b: {  	s9 =	sadd.s32 $0xFFFFFEF7, lr;
	s5 =	simm.s32 $0xFFFFFFFF;
	p2 =	slt.u32 s8, $0xFFFFF086  }
0x1c: {  	p1 =	slt.u32 s9, $0xF7A;
	s5 =	simm.s32 @!p2 $0x0  }
0x1d: {  	s5 =	simm.s32 @p1 $0x1;
	p0 =	seq.s32 s7, s2  }
0x1e: {  	s7 =	smul.u32 @!p0 $0xF7A, s2;
	p2 =	seq.s32 @!p0 s5, $0x0  }
0x1f: {  	s9 =	smul.u32 $0xF7A, s1;
	s8 =	simm.s32 @!p0 $0x1BF5;
	p2 =	por !p2, p0  }
0x20: {  	[sflag:s8] =	ssyncset.s32 @!p0 $0xFFFFF086;
	s6 =	sadd.s32 @!p0 s3, s7;
	s7 =	simm.s32 @!p0 $0x108  }
0x21: {  	s3 =	sadd.s32 s3, s9;
	s6 =	sadd.s32 @!p0 $0x88, s6;
	s7 =	simm.s32 @p2 $0x1082  }
0x22: {  	[simem:s7], [sflag:s8] =	dma.local @!p0 [hbm:s6], $0xF7A  }
0x23: {  	s9 =	sor.u32 $0xD0000000, s2;
	s6 =	simm.s32 $0x108;
	_ =	swait.ge @!p0 [sflag:s8], $0x0  }
0x24: {  	s3 =	sadd.s32 $0x88, s3;
	s6 =	simm.s32 @!p1 $0x1082;
	[sflag:s4] =	ssyncset.s32 $0xFFFFF086  }
0x25: {  	[simem:s6], [sflag:s4] =	dma.local [hbm:s3], $0xF7A  }
0x26: {  	[smem:$0x3F98] =	sst s1;
	(tag) =	ssettag s2;
	_ =	strace s9  }
0x27: {  	s1 =	sld [smem:$0x3FA8]  }
0x28: {  	s2 =	sld [smem:$0x3FA9]  }
0x29: {  	s4 =	sld [smem:$0x3FAB]  }
0x2a: {  	p0 =	seq.s32 s5, $0x0;
	s5 =	sld [smem:$0x3FAC]  }
0x2b: {  	s6 =	sld [smem:$0x3FAD]  }
0x2c: {  	s7 =	sld [smem:$0x3FAE]  }
0x2d: {  	s3 =	simm.s32 $0x108;
	s8 =	sld [smem:$0x3FAF]  }
0x2e: {  	s3 =	simm.s32 @!p0 $0x1082;
	s9 =	sld [smem:$0x3FB0]  }
0x2f: {  	lr =	sadd.s32 s0, s3;
	s0 =	sld [smem:$0x3FA7]  }
0x30: {  	s3 =	sld [smem:$0x3FAA]  }
0x31: {  	[smem:$0x3FB3] =	sst s10  }
0x32: {  	s10 =	sld [smem:$0x3FB1];
	_ =	sdelay $0x3  }
0x33: {  	p0 =	seq.s32 s10, $0x1;
	s10 =	sld [smem:$0x3FB3];
	_ =	sdelay $0x3  }
0x34: {  	[smem:$0x3FB3] =	sst s10  }
0x35: {  	s10 =	sld [smem:$0x3FB2];
	_ =	sdelay $0x3  }
0x36: {  	p1 =	seq.s32 s10, $0x1;
	s10 =	sld [smem:$0x3FB3];
	_ =	sdelay $0x3  }
0x37: {  	[smem:$0x3FB3] =	sst s10  }
0x38: {  	s10 =	sld [smem:$0x3FB4]  }
0x39: {  	_ = 	snop;
	(pc) =	sbr.ind lr, $3  }
0x3a: {  	_ = 	snop  }
0x3b: {  	_ = 	snop  }
0x3c: {  	p2 =	seq.s32 s10, $0x1;
	s10 =	sld [smem:$0x3FB3]  }
0x3d: {  	_ =	shalt  }
0x3e: {  	_ =	shalt  }
0x3f: {  	_ =	shalt  }
0x40: {  	_ =	shalt  }
0x41: {  	_ =	shalt  }
0x42: {  	_ =	shalt  }
0x43: {  	_ =	shalt  }
0x44: {  	_ =	shalt  }
0x45: {  	_ =	shalt  }
0x46: {  	_ =	shalt  }
0x47: {  	_ =	shalt  }
0x48: {  	_ =	shalt  }
0x49: {  	_ =	shalt  }
0x4a: {  	_ =	shalt  }
0x4b: {  	_ =	shalt  }
0x4c: {  	_ =	shalt  }
0x4d: {  	_ =	shalt  }
0x4e: {  	_ =	shalt  }
0x4f: {  	_ =	shalt  }
0x50: {  	_ =	shalt  }
0x51: {  	_ =	shalt  }
0x52: {  	_ =	shalt  }
0x53: {  	_ =	shalt  }
0x54: {  	_ =	shalt  }
0x55: {  	_ =	shalt  }
0x56: {  	_ =	shalt  }
0x57: {  	_ =	shalt  }
0x58: {  	_ =	shalt  }
0x59: {  	_ =	shalt  }
0x5a: {  	_ =	shalt  }
0x5b: {  	_ =	shalt  }
0x5c: {  	_ =	shalt  }
0x5d: {  	_ =	shalt  }
0x5e: {  	_ =	shalt  }
0x5f: {  	_ =	shalt  }
0x60: {  	_ =	shalt  }
0x61: {  	_ =	shalt  }
0x62: {  	_ =	shalt  }
0x63: {  	_ =	shalt  }
0x64: {  	_ =	shalt  }
0x65: {  	_ =	shalt  }
0x66: {  	_ =	shalt  }
0x67: {  	_ =	shalt  }
0x68: {  	_ =	shalt  }
0x69: {  	_ =	shalt  }
0x6a: {  	_ =	shalt  }
0x6b: {  	_ =	shalt  }
0x6c: {  	_ =	shalt  }
0x6d: {  	_ =	shalt  }
0x6e: {  	_ =	shalt  }
0x6f: {  	_ =	shalt  }
0x70: {  	_ =	shalt  }
0x71: {  	_ =	shalt  }
0x72: {  	_ =	shalt  }
0x73: {  	_ =	shalt  }
0x74: {  	_ =	shalt  }
0x75: {  	_ =	shalt  }
0x76: {  	_ =	shalt  }
0x77: {  	_ =	shalt  }
0x78: {  	_ =	shalt  }
0x79: {  	_ =	shalt  }
0x7a: {  	_ =	shalt  }
0x7b: {  	_ =	shalt  }
0x7c: {  	_ =	shalt  }
0x7d: {  	_ =	shalt  }
0x7e: {  	_ =	shalt  }
0x7f: {  	_ =	shalt  }
0x80: {  	_ =	shalt  }
0x81: {  	_ =	shalt  }
0x82: {  	_ =	shalt  }
0x83: {  	_ =	shalt  }
0x84: {  	_ =	shalt  }
0x85: {  	_ =	shalt  }
0x86: {  	_ =	shalt  }
0x87: {  	_ =	shalt  }
.Lfunc_end0:
.L_simem_size_0:
called_computation.2_lowered:
.L_overlay_start_0:
0x88: {  	s2 =	sld [smem:$0x3FD9]  }
0x89: {  	s3 =	sld [smem:$0x3FFE];
	_ =	sdelay $0x1  }
0x8a: {  	s1 =	srdreg.scid  }
0x8b: {  	s0 =	sand.u32 $0x1, s1  }
0x8c: {  	s14 =	sshll.u32 s0, $0xA;
	s2 =	sadd.s32 s3, s2  }
0x8d: {  	s2 =	sadd.s32 s2, s14  }
0x8e: {  	[smem:$0x3FBF] =	sst s2  }
0x8f: {  	_ = 	snop  }
0x90: {  	s2 =	sld [smem:$0x3FD0];
	_ =	sdelay $0x2  }
0x91: {  	s15 =	simm.s32 $0xA;
	s4 =	simm.s32 $0x10  }
0x92: {  	[smem:s4], [sflag:s15] =	dma.local [hbm:s2], $0x1  }
0x93: {  	_ =	swait.eq [sflag:s15], $0x1  }
0x94: {  	[sflag:s15] =	ssyncset.done $0x0  }
0x95: {  	[sflag:s15] =	ssyncadd.s32 $0xFFFFFFFF  }
0x96: {  	s16 =	sld [smem:$0x10];
	(tm) =	ssettm $0x1  }
0x97: {  	s17 =	sld [smem:$0x3FFB];
	_ =	sdelay $0x3  }
0x98: {  	_ =	strace s17  }
0x99: {  	s3 =	sld [smem:$0x3FFC];
	_ =	sdelay $0x3  }
0x9a: {  	_ =	strace s3  }
0x9b: {  	s3 =	sld [smem:$0x3FFD];
	_ =	sdelay $0x3  }
0x9c: {  	_ =	strace s3  }
0x9d: {  	_ =	strace $0x8FFFFFFF  }
0x9e: {  	s18 =	sld [smem:$0x3FDB];
	_ =	sdelay $0x1  }
0x9f: {  	s19 =	simm.s32 $_scs_section_size  }
0xa0: {  	s5 =	simm.s32 $_size__tile_overlayer_lowered;
	s6 =	simm.s32 $_tile_overlayer_lowered  }
0xa1: {  	s22 =	simm.s32 $0x1BFF;
	s21 =	sshll.u32 s6, $0x1;
	s3 =	sadd.s32 s19, s18  }
0xa2: {  	s7 =	simm.s32 $0x0;
	s20 =	sshll.u32 s5, $0x1;
	s5 =	sadd.s32 s21, s3  }
0xa3: {  	[timem:s7], [sflag:s22] =	dma.local [hbm:s5], s20  }
0xa4: {  	_ =	swait.ge [sflag:s22], s20  }
0xa5: {  	s4 =	ssub.s32 $0x0, s20;
	[sflag:s22] =	ssyncset.done $0x0  }
0xa6: {  	[sflag:s22] =	ssyncadd.s32 s4;
	_ =	sdelay $0x1  }
0xa7: {  	s23 =	simm.s32 $0x1B8B  }
0xa8: {  	_ =	swait.ge [sflag:s23], $0x1  }
0xa9: {  	[sflag:s23] =	ssyncset.done $0x0  }
0xaa: {  	s25 =	simm.s32 $0x1B8E;
	s24 =	sld [smem:$0x3FFE];
	[sflag:s23] =	ssyncadd.s32 $0xFFFFFFFF  }
0xab: {  	s26 =	simm.s32 $execute0_lowered;
	[smem:$0x3FD2] =	sst s25  }
0xac: {  	s5 =	sshll.u32 s26, $0x1;
	_ =	strace $0x8000004C;
	[dreg:$0x1] =	wrdreg $0xFFFFFFFF  }
0xad: {  	s28 =	simm.s32 $_size_execute0_lowered;
	s3 =	sadd.s32 s3, s5;
	[dreg:$0x0] =	wrdreg $0x0  }
0xae: {  	s5 =	sshll.u32 s28, $0x1;
	[dreg:$0x2] =	wrdreg s3  }
0xaf: {  	[dreg:$0x3] =	wrdreg s5  }
0xb0: {  	[dreg:$0x4] =	wrdreg $0xC0  }
0xb1: {  	_ =	task [dreg:s7], $0x5FFFF  }
0xb2: {  	[dreg:$0x1] =	wrdreg $0xFFFFFFFF  }
0xb3: {  	[dreg:$0x0] =	wrdreg $0x60  }
0xb4: {  	[dreg:$0x2] =	wrdreg s24  }
0xb5: {  	[dreg:$0x3] =	wrdreg s16  }
0xb6: {  	[dreg:$0x4] =	wrdreg $0x9  }
0xb7: {  	_ =	task.clear_ibuf [dreg:s7], $0x5FFFF;
	_ =	strace $0x9000004C  }
0xb8: {  	s29 =	simm.s32 $0x9;
	_ =	strace $0x8000004E  }
0xb9: {  	_ =	swait.ge [sflag:s29], $0x1  }
0xba: {  	[sflag:s29] =	ssyncadd.s32 $0xFFFFFFFF  }
0xbb: {  	_ =	strace $0x9000004E  }
0xbc: {  	_ =	sfence  }
0xbd: {  	s30 =	sld [smem:$0x0];
	_ =	sdelay $0x2  }
0xbe: {  	s31 =	sshll.u32 s1, $0xD;
	s1 =	sshrl.u32 s1, $0x2  }
0xbf: {  	s3 =	sand.u32 $0x4000, s31;
	s1 =	sadd.s32 s1, s30  }
0xc0: {  	s0 =	sor.u32 s3, s0;
	s1 =	sshll.u32 s1, $0x11  }
0xc1: {  	s0 =	sor.u32 s1, s0  }
0xc2: {  	s0 =	sadd.s32 $0x8F2B, s0  }
0xc3: {  	[sflag:s0] =	ssyncadd.remote.s32 $0x1  }
0xc4: {  	_ =	sfence.sel $0xFFFF  }
0xc5: {  	[dreg:$0x0] =	wrdreg $0xFFFFFFFF;
	(pc) =	sbr.abs _section_cstart, $3  }
0xc6: {  	[dreg:$0x1] =	wrdreg $0xFFFFFFFF  }
0xc7: {  	_ =	task.clear_ibuf [dreg:s7], $0x2FFFF;
	_ =	strace $0x9FFFFFFF  }
0xc8: {  	(tm) =	ssettm $0x7FFFFFFF  }
0xc9: {  	_ =	shalt  }
tec
execute0_lowered:
.L_overlay_start_1:
0x0: {  	(tag) =	ssettag $0x1  }
0x1: {  	s4 =	rddreg [dreg:$0x0]  }
0x2: {  	s5 =	rddreg [dreg:$0x1]  }
0x3: {  	s0 =	rddreg [dreg:$0x2];
	s3 =	srdreg.scid  }
0x4: {  	s2 =	simm.s32 $0x0;
	s1 =	stileid.u32;
	s10 =	simm.s32 $0x2  }
0x5: {  	s11 =	simm.s32 $0x200;
	s12 =	simm.s32 $0xA00;
	s13 =	simm.s32 $0x1200  }
0x6: {  	s14 =	simm.s32 $0x1A00;
	s15 =	simm.s32 $0x2200;
	s16 =	simm.s32 $0x2A00  }
0x7: {  	s17 =	simm.s32 $0x3200;
	s18 =	simm.s32 $0x3A00;
	s19 =	simm.s32 $0x4200  }
0x8: {  	s20 =	simm.s32 $0x4A00;
	s21 =	simm.s32 $0x5200;
	s22 =	simm.s32 $0x5A00  }
0x9: {  	s23 =	simm.s32 $0x6200;
	s24 =	simm.s32 $0x6A00;
	s25 =	simm.s32 $0x7200  }
0xa: {  	s26 =	simm.s32 $0x7A00;
	s28 =	simm.s32 $0x1;
	s3 =	sand.u32 $0x1, s3  }
0xb: {  	[smem:$0x7FF] =	sst s2;
	s6 =	sshll.u32 s1, $0xA;
	s7 =	sshll.u32 s3, $0x9  }
0xc: {  	_ =	strace $0x8000004D;
	s30 =	ssub.s32 $0x2, s3;
	s6 =	sor.u32 s7, s6  }
0xd: {  	s3 =	sadd.s32 $0x110200, s4;
	s9 =	sshrl.u32 s30, $0x1;
	s8 =	sshll.u32 s6, $0x5  }
0xe: {  	v2 =	vlaneseq.u32;
	s9 =	ssub.s32 s30, s9;
	s31 =	sshrl.u32 s6, $0x3;
	s8 =	sadd.s32 s8, s4  }
0xf: {  	vm0 =	vmmov $0xffff;
	v1 =	vshrl.u32 v2, $0x3;
	s4 =	sadd.s32 s5, s31;
	s9 =	smax.u32 s9, $0x1;
	s5 =	sadd.s32 $0x10000, s8  }
0x10: {  	v0 =	vand.u32 $0x7, v2;
	v2 =	vor.u32 $0x8, v2;
	v1 =	vmul.u32 $0x8, v1;
	s6 =	sadd.s32 $0x11000, s8;
	s7 =	sadd.s32 $0x12000, s8;
	s8 =	sadd.s32 $0x13000, s8  }
.LBB2_1:
0x11: {  	[tilespmem:s2], [sflag:$0x2] =	stream.linear.gather [hbm4b:s4+s2], $0x200, $0x38;
	[tilespmem:$0x8200] =	vst v63  }
0x12: {  	_ =	swait.ge [sflag:s10], $0x200  }
0x13: {  	[sflag:s10] =	ssyncset.done $0x0  }
0x14: {  	[sflag:s10] =	ssyncadd.s32 $0xFFFFFE00  }
0x15: {  	v3 =	vld [tilespmem:$0x0];
	_ =	sdelay $0x4  }
0x16: {  	v4 =	vshll.u32 v3, $0x1  }
0x17: {  	v3 =	vand.u32 $0x7, v3;
	v4 =	vand.u32 $0xFFFFFFF0, v4  }
0x18: {  	v3 =	vor.u32 v3, v4  }
0x19: {  	v4 =	vperm.xlane v3, v0;
	_ =	sdelay $0x1  }
0x1a: {  	v3 =	vperm.xlane v3, v2;
	v4 =	vadd.s32 v1, v4;
	_ =	sdelay $0x1  }
0x1b: {  	v3 =	vadd.s32 v1, v3;
	_ =	sdelay $0x2  }
0x1c: {  	[tilespmem:s11], [sflag:$0x1] =	stream.indirect_vreg.gather [hbm4b:s3+s2], $0x80, v4, vm0, $0xb8;
	[tilespmem:$0x8200] =	vst v63  }
0x1d: {  	_ = 	snop  }
0x1e: {  	[tilespmem:s12], [sflag:$0x1] =	stream.indirect_vreg.gather [hbm4b:s3+s2], $0x80, v3, vm0, $0xb8;
	[tilespmem:$0x8200] =	vst v63  }
0x1f: {  	v3 =	vld [tilespmem:$0x10];
	_ =	sdelay $0x4  }
0x20: {  	v33 =	vshll.u32 v3, $0x1  }
0x21: {  	v3 =	vand.u32 $0x7, v3;
	v4 =	vand.u32 $0xFFFFFFF0, v33  }
0x22: {  	v3 =	vor.u32 v3, v4  }
0x23: {  	v4 =	vperm.xlane v3, v0;
	_ =	sdelay $0x1  }
0x24: {  	v3 =	vperm.xlane v3, v2;
	v4 =	vadd.s32 v1, v4;
	_ =	sdelay $0x1  }
0x25: {  	v3 =	vadd.s32 v1, v3;
	_ =	sdelay $0x2  }
0x26: {  	[tilespmem:s13], [sflag:$0x1] =	stream.indirect_vreg.gather [hbm4b:s3+s2], $0x80, v4, vm0, $0xb8;
	[tilespmem:$0x8200] =	vst v63  }
0x27: {  	_ = 	snop  }
0x28: {  	[tilespmem:s14], [sflag:$0x1] =	stream.indirect_vreg.gather [hbm4b:s3+s2], $0x80, v3, vm0, $0xb8;
	[tilespmem:$0x8200] =	vst v63  }
0x29: {  	v3 =	vld [tilespmem:$0x20];
	_ =	sdelay $0x4  }
0x2a: {  	v34 =	vshll.u32 v3, $0x1  }
0x2b: {  	v3 =	vand.u32 $0x7, v3;
	v4 =	vand.u32 $0xFFFFFFF0, v34  }
0x2c: {  	v3 =	vor.u32 v3, v4  }
0x2d: {  	v4 =	vperm.xlane v3, v0;
	_ =	sdelay $0x1  }
0x2e: {  	v3 =	vperm.xlane v3, v2;
	v4 =	vadd.s32 v1, v4;
	_ =	sdelay $0x1  }
0x2f: {  	v3 =	vadd.s32 v1, v3;
	_ =	sdelay $0x2  }
0x30: {  	[tilespmem:s15], [sflag:$0x1] =	stream.indirect_vreg.gather [hbm4b:s3+s2], $0x80, v4, vm0, $0xb8;
	[tilespmem:$0x8200] =	vst v63  }
0x31: {  	_ = 	snop  }
0x32: {  	[tilespmem:s16], [sflag:$0x1] =	stream.indirect_vreg.gather [hbm4b:s3+s2], $0x80, v3, vm0, $0xb8;
	[tilespmem:$0x8200] =	vst v63  }
0x33: {  	v3 =	vld [tilespmem:$0x30];
	_ =	sdelay $0x4  }
0x34: {  	v35 =	vshll.u32 v3, $0x1  }
0x35: {  	v3 =	vand.u32 $0x7, v3;
	v4 =	vand.u32 $0xFFFFFFF0, v35  }
0x36: {  	v3 =	vor.u32 v3, v4  }
0x37: {  	v4 =	vperm.xlane v3, v0;
	_ =	sdelay $0x1  }
0x38: {  	v3 =	vperm.xlane v3, v2;
	v4 =	vadd.s32 v1, v4;
	_ =	sdelay $0x1  }
0x39: {  	v3 =	vadd.s32 v1, v3;
	_ =	sdelay $0x2  }
0x3a: {  	[tilespmem:s17], [sflag:$0x1] =	stream.indirect_vreg.gather [hbm4b:s3+s2], $0x80, v4, vm0, $0xb8;
	[tilespmem:$0x8200] =	vst v63  }
0x3b: {  	_ = 	snop  }
0x3c: {  	[tilespmem:s18], [sflag:$0x1] =	stream.indirect_vreg.gather [hbm4b:s3+s2], $0x80, v3, vm0, $0xb8;
	[tilespmem:$0x8200] =	vst v63  }
0x3d: {  	v3 =	vld [tilespmem:$0x40];
	_ =	sdelay $0x4  }
0x3e: {  	v36 =	vshll.u32 v3, $0x1  }
0x3f: {  	v3 =	vand.u32 $0x7, v3;
	v4 =	vand.u32 $0xFFFFFFF0, v36  }
0x40: {  	v3 =	vor.u32 v3, v4  }
0x41: {  	v4 =	vperm.xlane v3, v0;
	_ =	sdelay $0x1  }
0x42: {  	v3 =	vperm.xlane v3, v2;
	v4 =	vadd.s32 v1, v4;
	_ =	sdelay $0x1  }
0x43: {  	v3 =	vadd.s32 v1, v3;
	_ =	sdelay $0x2  }
0x44: {  	[tilespmem:s19], [sflag:$0x1] =	stream.indirect_vreg.gather [hbm4b:s3+s2], $0x80, v4, vm0, $0xb8;
	[tilespmem:$0x8200] =	vst v63  }
0x45: {  	_ = 	snop  }
0x46: {  	[tilespmem:s20], [sflag:$0x1] =	stream.indirect_vreg.gather [hbm4b:s3+s2], $0x80, v3, vm0, $0xb8;
	[tilespmem:$0x8200] =	vst v63  }
0x47: {  	v3 =	vld [tilespmem:$0x50];
	_ =	sdelay $0x4  }
0x48: {  	v37 =	vshll.u32 v3, $0x1  }
0x49: {  	v3 =	vand.u32 $0x7, v3;
	v4 =	vand.u32 $0xFFFFFFF0, v37  }
0x4a: {  	v3 =	vor.u32 v3, v4  }
0x4b: {  	v4 =	vperm.xlane v3, v0;
	_ =	sdelay $0x1  }
0x4c: {  	v3 =	vperm.xlane v3, v2;
	v4 =	vadd.s32 v1, v4;
	_ =	sdelay $0x1  }
0x4d: {  	v3 =	vadd.s32 v1, v3;
	_ =	sdelay $0x2  }
0x4e: {  	[tilespmem:s21], [sflag:$0x1] =	stream.indirect_vreg.gather [hbm4b:s3+s2], $0x80, v4, vm0, $0xb8;
	[tilespmem:$0x8200] =	vst v63  }
0x4f: {  	_ = 	snop  }
0x50: {  	[tilespmem:s22], [sflag:$0x1] =	stream.indirect_vreg.gather [hbm4b:s3+s2], $0x80, v3, vm0, $0xb8;
	[tilespmem:$0x8200] =	vst v63  }
0x51: {  	v3 =	vld [tilespmem:$0x60];
	_ =	sdelay $0x4  }
0x52: {  	v38 =	vshll.u32 v3, $0x1  }
0x53: {  	v3 =	vand.u32 $0x7, v3;
	v4 =	vand.u32 $0xFFFFFFF0, v38  }
0x54: {  	v3 =	vor.u32 v3, v4  }
0x55: {  	v4 =	vperm.xlane v3, v0;
	_ =	sdelay $0x1  }
0x56: {  	v3 =	vperm.xlane v3, v2;
	v4 =	vadd.s32 v1, v4;
	_ =	sdelay $0x1  }
0x57: {  	v3 =	vadd.s32 v1, v3;
	_ =	sdelay $0x2  }
0x58: {  	[tilespmem:s23], [sflag:$0x1] =	stream.indirect_vreg.gather [hbm4b:s3+s2], $0x80, v4, vm0, $0xb8;
	[tilespmem:$0x8200] =	vst v63  }
0x59: {  	_ = 	snop  }
0x5a: {  	[tilespmem:s24], [sflag:$0x1] =	stream.indirect_vreg.gather [hbm4b:s3+s2], $0x80, v3, vm0, $0xb8;
	[tilespmem:$0x8200] =	vst v63  }
0x5b: {  	v3 =	vld [tilespmem:$0x70];
	_ =	sdelay $0x4  }
0x5c: {  	v39 =	vshll.u32 v3, $0x1  }
0x5d: {  	v3 =	vand.u32 $0x7, v3;
	v4 =	vand.u32 $0xFFFFFFF0, v39  }
0x5e: {  	v3 =	vor.u32 v3, v4  }
0x5f: {  	v4 =	vperm.xlane v3, v0;
	_ =	sdelay $0x1  }
0x60: {  	v3 =	vperm.xlane v3, v2;
	v4 =	vadd.s32 v1, v4;
	_ =	sdelay $0x1  }
0x61: {  	v3 =	vadd.s32 v1, v3;
	_ =	sdelay $0x2  }
0x62: {  	[tilespmem:s25], [sflag:$0x1] =	stream.indirect_vreg.gather [hbm4b:s3+s2], $0x80, v4, vm0, $0xb8;
	[tilespmem:$0x8200] =	vst v63  }
0x63: {  	_ = 	snop  }
0x64: {  	[tilespmem:s26], [sflag:$0x1] =	stream.indirect_vreg.gather [hbm4b:s3+s2], $0x80, v3, vm0, $0xb8;
	[tilespmem:$0x8200] =	vst v63  }
0x65: {  	_ =	swait.ge [sflag:s28], $0x8000  }
0x66: {  	[sflag:s28] =	ssyncset.done $0x0  }
0x67: {  	[sflag:s28] =	ssyncadd.s32 $0xFFFF8000  }
0x68: {  	[hbm4b:s5+s2] =	stream.linear.scatter [tilespmem:s11], [sflag:$0x2], $0x8000, $0x38;
	[tilespmem:$0x8200] =	vst v63  }
0x69: {  	_ =	swait.ge [sflag:s10], $0x8000  }
0x6a: {  	[sflag:s10] =	ssyncset.done $0x0  }
0x6b: {  	[sflag:s10] =	ssyncadd.s32 $0xFFFF8000  }
0x6c: {  	v3 =	vld [tilespmem:$0x80];
	_ =	sdelay $0x4  }
0x6d: {  	v40 =	vshll.u32 v3, $0x1  }
0x6e: {  	v3 =	vand.u32 $0x7, v3;
	v4 =	vand.u32 $0xFFFFFFF0, v40  }
0x6f: {  	v3 =	vor.u32 v3, v4  }
0x70: {  	v4 =	vperm.xlane v3, v0;
	_ =	sdelay $0x1  }
0x71: {  	v3 =	vperm.xlane v3, v2;
	v4 =	vadd.s32 v1, v4;
	_ =	sdelay $0x1  }
0x72: {  	v3 =	vadd.s32 v1, v3;
	_ =	sdelay $0x2  }
0x73: {  	[tilespmem:s11], [sflag:$0x1] =	stream.indirect_vreg.gather [hbm4b:s3+s2], $0x80, v4, vm0, $0xb8;
	[tilespmem:$0x8200] =	vst v63  }
0x74: {  	_ = 	snop  }
0x75: {  	[tilespmem:s12], [sflag:$0x1] =	stream.indirect_vreg.gather [hbm4b:s3+s2], $0x80, v3, vm0, $0xb8;
	[tilespmem:$0x8200] =	vst v63  }
0x76: {  	v3 =	vld [tilespmem:$0x90];
	_ =	sdelay $0x4  }
0x77: {  	v41 =	vshll.u32 v3, $0x1  }
0x78: {  	v3 =	vand.u32 $0x7, v3;
	v4 =	vand.u32 $0xFFFFFFF0, v41  }
0x79: {  	v3 =	vor.u32 v3, v4  }
0x7a: {  	v4 =	vperm.xlane v3, v0;
	_ =	sdelay $0x1  }
0x7b: {  	v3 =	vperm.xlane v3, v2;
	v4 =	vadd.s32 v1, v4;
	_ =	sdelay $0x1  }
0x7c: {  	v3 =	vadd.s32 v1, v3;
	_ =	sdelay $0x2  }
0x7d: {  	[tilespmem:s13], [sflag:$0x1] =	stream.indirect_vreg.gather [hbm4b:s3+s2], $0x80, v4, vm0, $0xb8;
	[tilespmem:$0x8200] =	vst v63  }
0x7e: {  	_ = 	snop  }
0x7f: {  	[tilespmem:s14], [sflag:$0x1] =	stream.indirect_vreg.gather [hbm4b:s3+s2], $0x80, v3, vm0, $0xb8;
	[tilespmem:$0x8200] =	vst v63  }
0x80: {  	v3 =	vld [tilespmem:$0xA0];
	_ =	sdelay $0x4  }
0x81: {  	v42 =	vshll.u32 v3, $0x1  }
0x82: {  	v3 =	vand.u32 $0x7, v3;
	v4 =	vand.u32 $0xFFFFFFF0, v42  }
0x83: {  	v3 =	vor.u32 v3, v4  }
0x84: {  	v4 =	vperm.xlane v3, v0;
	_ =	sdelay $0x1  }
0x85: {  	v3 =	vperm.xlane v3, v2;
	v4 =	vadd.s32 v1, v4;
	_ =	sdelay $0x1  }
0x86: {  	v3 =	vadd.s32 v1, v3;
	_ =	sdelay $0x2  }
0x87: {  	[tilespmem:s15], [sflag:$0x1] =	stream.indirect_vreg.gather [hbm4b:s3+s2], $0x80, v4, vm0, $0xb8;
	[tilespmem:$0x8200] =	vst v63  }
0x88: {  	_ = 	snop  }
0x89: {  	[tilespmem:s16], [sflag:$0x1] =	stream.indirect_vreg.gather [hbm4b:s3+s2], $0x80, v3, vm0, $0xb8;
	[tilespmem:$0x8200] =	vst v63  }
0x8a: {  	v3 =	vld [tilespmem:$0xB0];
	_ =	sdelay $0x4  }
0x8b: {  	v43 =	vshll.u32 v3, $0x1  }
0x8c: {  	v3 =	vand.u32 $0x7, v3;
	v4 =	vand.u32 $0xFFFFFFF0, v43  }
0x8d: {  	v3 =	vor.u32 v3, v4  }
0x8e: {  	v4 =	vperm.xlane v3, v0;
	_ =	sdelay $0x1  }
0x8f: {  	v3 =	vperm.xlane v3, v2;
	v4 =	vadd.s32 v1, v4;
	_ =	sdelay $0x1  }
0x90: {  	v3 =	vadd.s32 v1, v3;
	_ =	sdelay $0x2  }
0x91: {  	[tilespmem:s17], [sflag:$0x1] =	stream.indirect_vreg.gather [hbm4b:s3+s2], $0x80, v4, vm0, $0xb8;
	[tilespmem:$0x8200] =	vst v63  }
0x92: {  	_ = 	snop  }
0x93: {  	[tilespmem:s18], [sflag:$0x1] =	stream.indirect_vreg.gather [hbm4b:s3+s2], $0x80, v3, vm0, $0xb8;
	[tilespmem:$0x8200] =	vst v63  }
0x94: {  	v3 =	vld [tilespmem:$0xC0];
	_ =	sdelay $0x4  }
0x95: {  	v44 =	vshll.u32 v3, $0x1  }
0x96: {  	v3 =	vand.u32 $0x7, v3;
	v4 =	vand.u32 $0xFFFFFFF0, v44  }
0x97: {  	v3 =	vor.u32 v3, v4  }
0x98: {  	v4 =	vperm.xlane v3, v0;
	_ =	sdelay $0x1  }
0x99: {  	v3 =	vperm.xlane v3, v2;
	v4 =	vadd.s32 v1, v4;
	_ =	sdelay $0x1  }
0x9a: {  	v3 =	vadd.s32 v1, v3;
	_ =	sdelay $0x2  }
0x9b: {  	[tilespmem:s19], [sflag:$0x1] =	stream.indirect_vreg.gather [hbm4b:s3+s2], $0x80, v4, vm0, $0xb8;
	[tilespmem:$0x8200] =	vst v63  }
0x9c: {  	_ = 	snop  }
0x9d: {  	[tilespmem:s20], [sflag:$0x1] =	stream.indirect_vreg.gather [hbm4b:s3+s2], $0x80, v3, vm0, $0xb8;
	[tilespmem:$0x8200] =	vst v63  }
0x9e: {  	v3 =	vld [tilespmem:$0xD0];
	_ =	sdelay $0x4  }
0x9f: {  	v45 =	vshll.u32 v3, $0x1  }
0xa0: {  	v3 =	vand.u32 $0x7, v3;
	v4 =	vand.u32 $0xFFFFFFF0, v45  }
0xa1: {  	v3 =	vor.u32 v3, v4  }
0xa2: {  	v4 =	vperm.xlane v3, v0;
	_ =	sdelay $0x1  }
0xa3: {  	v3 =	vperm.xlane v3, v2;
	v4 =	vadd.s32 v1, v4;
	_ =	sdelay $0x1  }
0xa4: {  	v3 =	vadd.s32 v1, v3;
	_ =	sdelay $0x2  }
0xa5: {  	[tilespmem:s21], [sflag:$0x1] =	stream.indirect_vreg.gather [hbm4b:s3+s2], $0x80, v4, vm0, $0xb8;
	[tilespmem:$0x8200] =	vst v63  }
0xa6: {  	_ = 	snop  }
0xa7: {  	[tilespmem:s22], [sflag:$0x1] =	stream.indirect_vreg.gather [hbm4b:s3+s2], $0x80, v3, vm0, $0xb8;
	[tilespmem:$0x8200] =	vst v63  }
0xa8: {  	v3 =	vld [tilespmem:$0xE0];
	_ =	sdelay $0x4  }
0xa9: {  	v46 =	vshll.u32 v3, $0x1  }
0xaa: {  	v3 =	vand.u32 $0x7, v3;
	v4 =	vand.u32 $0xFFFFFFF0, v46  }
0xab: {  	v3 =	vor.u32 v3, v4  }
0xac: {  	v4 =	vperm.xlane v3, v0;
	_ =	sdelay $0x1  }
0xad: {  	v3 =	vperm.xlane v3, v2;
	v4 =	vadd.s32 v1, v4;
	_ =	sdelay $0x1  }
0xae: {  	v3 =	vadd.s32 v1, v3;
	_ =	sdelay $0x2  }
0xaf: {  	[tilespmem:s23], [sflag:$0x1] =	stream.indirect_vreg.gather [hbm4b:s3+s2], $0x80, v4, vm0, $0xb8;
	[tilespmem:$0x8200] =	vst v63  }
0xb0: {  	_ = 	snop  }
0xb1: {  	[tilespmem:s24], [sflag:$0x1] =	stream.indirect_vreg.gather [hbm4b:s3+s2], $0x80, v3, vm0, $0xb8;
	[tilespmem:$0x8200] =	vst v63  }
0xb2: {  	v3 =	vld [tilespmem:$0xF0];
	_ =	sdelay $0x4  }
0xb3: {  	v47 =	vshll.u32 v3, $0x1  }
0xb4: {  	v3 =	vand.u32 $0x7, v3;
	v4 =	vand.u32 $0xFFFFFFF0, v47  }
0xb5: {  	v3 =	vor.u32 v3, v4  }
0xb6: {  	v4 =	vperm.xlane v3, v0;
	_ =	sdelay $0x1  }
0xb7: {  	v3 =	vperm.xlane v3, v2;
	v4 =	vadd.s32 v1, v4;
	_ =	sdelay $0x1  }
0xb8: {  	v3 =	vadd.s32 v1, v3;
	_ =	sdelay $0x2  }
0xb9: {  	[tilespmem:s25], [sflag:$0x1] =	stream.indirect_vreg.gather [hbm4b:s3+s2], $0x80, v4, vm0, $0xb8;
	[tilespmem:$0x8200] =	vst v63  }
0xba: {  	_ = 	snop  }
0xbb: {  	[tilespmem:s26], [sflag:$0x1] =	stream.indirect_vreg.gather [hbm4b:s3+s2], $0x80, v3, vm0, $0xb8;
	[tilespmem:$0x8200] =	vst v63  }
0xbc: {  	_ =	swait.ge [sflag:s28], $0x8000  }
0xbd: {  	[sflag:s28] =	ssyncset.done $0x0  }
0xbe: {  	[sflag:s28] =	ssyncadd.s32 $0xFFFF8000  }
0xbf: {  	[hbm4b:s6+s2] =	stream.linear.scatter [tilespmem:s11], [sflag:$0x2], $0x8000, $0x38;
	[tilespmem:$0x8200] =	vst v63  }
0xc0: {  	_ =	swait.ge [sflag:s10], $0x8000  }
0xc1: {  	[sflag:s10] =	ssyncset.done $0x0  }
0xc2: {  	[sflag:s10] =	ssyncadd.s32 $0xFFFF8000  }
0xc3: {  	v3 =	vld [tilespmem:$0x100];
	_ =	sdelay $0x4  }
0xc4: {  	v48 =	vshll.u32 v3, $0x1  }
0xc5: {  	v3 =	vand.u32 $0x7, v3;
	v4 =	vand.u32 $0xFFFFFFF0, v48  }
0xc6: {  	v3 =	vor.u32 v3, v4  }
0xc7: {  	v4 =	vperm.xlane v3, v0;
	_ =	sdelay $0x1  }
0xc8: {  	v3 =	vperm.xlane v3, v2;
	v4 =	vadd.s32 v1, v4;
	_ =	sdelay $0x1  }
0xc9: {  	v3 =	vadd.s32 v1, v3;
	_ =	sdelay $0x2  }
0xca: {  	[tilespmem:s11], [sflag:$0x1] =	stream.indirect_vreg.gather [hbm4b:s3+s2], $0x80, v4, vm0, $0xb8;
	[tilespmem:$0x8200] =	vst v63  }
0xcb: {  	_ = 	snop  }
0xcc: {  	[tilespmem:s12], [sflag:$0x1] =	stream.indirect_vreg.gather [hbm4b:s3+s2], $0x80, v3, vm0, $0xb8;
	[tilespmem:$0x8200] =	vst v63  }
0xcd: {  	v3 =	vld [tilespmem:$0x110];
	_ =	sdelay $0x4  }
0xce: {  	v49 =	vshll.u32 v3, $0x1  }
0xcf: {  	v3 =	vand.u32 $0x7, v3;
	v4 =	vand.u32 $0xFFFFFFF0, v49  }
0xd0: {  	v3 =	vor.u32 v3, v4  }
0xd1: {  	v4 =	vperm.xlane v3, v0;
	_ =	sdelay $0x1  }
0xd2: {  	v3 =	vperm.xlane v3, v2;
	v4 =	vadd.s32 v1, v4;
	_ =	sdelay $0x1  }
0xd3: {  	v3 =	vadd.s32 v1, v3;
	_ =	sdelay $0x2  }
0xd4: {  	[tilespmem:s13], [sflag:$0x1] =	stream.indirect_vreg.gather [hbm4b:s3+s2], $0x80, v4, vm0, $0xb8;
	[tilespmem:$0x8200] =	vst v63  }
0xd5: {  	_ = 	snop  }
0xd6: {  	[tilespmem:s14], [sflag:$0x1] =	stream.indirect_vreg.gather [hbm4b:s3+s2], $0x80, v3, vm0, $0xb8;
	[tilespmem:$0x8200] =	vst v63  }
0xd7: {  	v3 =	vld [tilespmem:$0x120];
	_ =	sdelay $0x4  }
0xd8: {  	v50 =	vshll.u32 v3, $0x1  }
0xd9: {  	v3 =	vand.u32 $0x7, v3;
	v4 =	vand.u32 $0xFFFFFFF0, v50  }
0xda: {  	v3 =	vor.u32 v3, v4  }
0xdb: {  	v4 =	vperm.xlane v3, v0;
	_ =	sdelay $0x1  }
0xdc: {  	v3 =	vperm.xlane v3, v2;
	v4 =	vadd.s32 v1, v4;
	_ =	sdelay $0x1  }
0xdd: {  	v3 =	vadd.s32 v1, v3;
	_ =	sdelay $0x2  }
0xde: {  	[tilespmem:s15], [sflag:$0x1] =	stream.indirect_vreg.gather [hbm4b:s3+s2], $0x80, v4, vm0, $0xb8;
	[tilespmem:$0x8200] =	vst v63  }
0xdf: {  	_ = 	snop  }
0xe0: {  	[tilespmem:s16], [sflag:$0x1] =	stream.indirect_vreg.gather [hbm4b:s3+s2], $0x80, v3, vm0, $0xb8;
	[tilespmem:$0x8200] =	vst v63  }
0xe1: {  	v3 =	vld [tilespmem:$0x130];
	_ =	sdelay $0x4  }
0xe2: {  	v51 =	vshll.u32 v3, $0x1  }
0xe3: {  	v3 =	vand.u32 $0x7, v3;
	v4 =	vand.u32 $0xFFFFFFF0, v51  }
0xe4: {  	v3 =	vor.u32 v3, v4  }
0xe5: {  	v4 =	vperm.xlane v3, v0;
	_ =	sdelay $0x1  }
0xe6: {  	v3 =	vperm.xlane v3, v2;
	v4 =	vadd.s32 v1, v4;
	_ =	sdelay $0x1  }
0xe7: {  	v3 =	vadd.s32 v1, v3;
	_ =	sdelay $0x2  }
0xe8: {  	[tilespmem:s17], [sflag:$0x1] =	stream.indirect_vreg.gather [hbm4b:s3+s2], $0x80, v4, vm0, $0xb8;
	[tilespmem:$0x8200] =	vst v63  }
0xe9: {  	_ = 	snop  }
0xea: {  	[tilespmem:s18], [sflag:$0x1] =	stream.indirect_vreg.gather [hbm4b:s3+s2], $0x80, v3, vm0, $0xb8;
	[tilespmem:$0x8200] =	vst v63  }
0xeb: {  	v3 =	vld [tilespmem:$0x140];
	_ =	sdelay $0x4  }
0xec: {  	v52 =	vshll.u32 v3, $0x1  }
0xed: {  	v3 =	vand.u32 $0x7, v3;
	v4 =	vand.u32 $0xFFFFFFF0, v52  }
0xee: {  	v3 =	vor.u32 v3, v4  }
0xef: {  	v4 =	vperm.xlane v3, v0;
	_ =	sdelay $0x1  }
0xf0: {  	v3 =	vperm.xlane v3, v2;
	v4 =	vadd.s32 v1, v4;
	_ =	sdelay $0x1  }
0xf1: {  	v3 =	vadd.s32 v1, v3;
	_ =	sdelay $0x2  }
0xf2: {  	[tilespmem:s19], [sflag:$0x1] =	stream.indirect_vreg.gather [hbm4b:s3+s2], $0x80, v4, vm0, $0xb8;
	[tilespmem:$0x8200] =	vst v63  }
0xf3: {  	_ = 	snop  }
0xf4: {  	[tilespmem:s20], [sflag:$0x1] =	stream.indirect_vreg.gather [hbm4b:s3+s2], $0x80, v3, vm0, $0xb8;
	[tilespmem:$0x8200] =	vst v63  }
0xf5: {  	v3 =	vld [tilespmem:$0x150];
	_ =	sdelay $0x4  }
0xf6: {  	v53 =	vshll.u32 v3, $0x1  }
0xf7: {  	v3 =	vand.u32 $0x7, v3;
	v4 =	vand.u32 $0xFFFFFFF0, v53  }
0xf8: {  	v3 =	vor.u32 v3, v4  }
0xf9: {  	v4 =	vperm.xlane v3, v0;
	_ =	sdelay $0x1  }
0xfa: {  	v3 =	vperm.xlane v3, v2;
	v4 =	vadd.s32 v1, v4;
	_ =	sdelay $0x1  }
0xfb: {  	v3 =	vadd.s32 v1, v3;
	_ =	sdelay $0x2  }
0xfc: {  	[tilespmem:s21], [sflag:$0x1] =	stream.indirect_vreg.gather [hbm4b:s3+s2], $0x80, v4, vm0, $0xb8;
	[tilespmem:$0x8200] =	vst v63  }
0xfd: {  	_ = 	snop  }
0xfe: {  	[tilespmem:s22], [sflag:$0x1] =	stream.indirect_vreg.gather [hbm4b:s3+s2], $0x80, v3, vm0, $0xb8;
	[tilespmem:$0x8200] =	vst v63  }
0xff: {  	v3 =	vld [tilespmem:$0x160];
	_ =	sdelay $0x4  }
0x100: {  	v54 =	vshll.u32 v3, $0x1  }
0x101: {  	v3 =	vand.u32 $0x7, v3;
	v4 =	vand.u32 $0xFFFFFFF0, v54  }
0x102: {  	v3 =	vor.u32 v3, v4  }
0x103: {  	v4 =	vperm.xlane v3, v0;
	_ =	sdelay $0x1  }
0x104: {  	v3 =	vperm.xlane v3, v2;
	v4 =	vadd.s32 v1, v4;
	_ =	sdelay $0x1  }
0x105: {  	v3 =	vadd.s32 v1, v3;
	_ =	sdelay $0x2  }
0x106: {  	[tilespmem:s23], [sflag:$0x1] =	stream.indirect_vreg.gather [hbm4b:s3+s2], $0x80, v4, vm0, $0xb8;
	[tilespmem:$0x8200] =	vst v63  }
0x107: {  	_ = 	snop  }
0x108: {  	[tilespmem:s24], [sflag:$0x1] =	stream.indirect_vreg.gather [hbm4b:s3+s2], $0x80, v3, vm0, $0xb8;
	[tilespmem:$0x8200] =	vst v63  }
0x109: {  	v3 =	vld [tilespmem:$0x170];
	_ =	sdelay $0x4  }
0x10a: {  	v55 =	vshll.u32 v3, $0x1  }
0x10b: {  	v3 =	vand.u32 $0x7, v3;
	v4 =	vand.u32 $0xFFFFFFF0, v55  }
0x10c: {  	v3 =	vor.u32 v3, v4  }
0x10d: {  	v4 =	vperm.xlane v3, v0;
	_ =	sdelay $0x1  }
0x10e: {  	v3 =	vperm.xlane v3, v2;
	v4 =	vadd.s32 v1, v4;
	_ =	sdelay $0x1  }
0x10f: {  	v3 =	vadd.s32 v1, v3;
	_ =	sdelay $0x2  }
0x110: {  	[tilespmem:s25], [sflag:$0x1] =	stream.indirect_vreg.gather [hbm4b:s3+s2], $0x80, v4, vm0, $0xb8;
	[tilespmem:$0x8200] =	vst v63  }
0x111: {  	_ = 	snop  }
0x112: {  	[tilespmem:s26], [sflag:$0x1] =	stream.indirect_vreg.gather [hbm4b:s3+s2], $0x80, v3, vm0, $0xb8;
	[tilespmem:$0x8200] =	vst v63  }
0x113: {  	_ =	swait.ge [sflag:s28], $0x8000  }
0x114: {  	[sflag:s28] =	ssyncset.done $0x0  }
0x115: {  	[sflag:s28] =	ssyncadd.s32 $0xFFFF8000  }
0x116: {  	[hbm4b:s7+s2] =	stream.linear.scatter [tilespmem:s11], [sflag:$0x2], $0x8000, $0x38;
	[tilespmem:$0x8200] =	vst v63  }
0x117: {  	_ =	swait.ge [sflag:s10], $0x8000  }
0x118: {  	[sflag:s10] =	ssyncset.done $0x0  }
0x119: {  	[sflag:s10] =	ssyncadd.s32 $0xFFFF8000  }
0x11a: {  	v3 =	vld [tilespmem:$0x180];
	_ =	sdelay $0x4  }
0x11b: {  	v56 =	vshll.u32 v3, $0x1  }
0x11c: {  	v3 =	vand.u32 $0x7, v3;
	v4 =	vand.u32 $0xFFFFFFF0, v56  }
0x11d: {  	v3 =	vor.u32 v3, v4  }
0x11e: {  	v4 =	vperm.xlane v3, v0;
	_ =	sdelay $0x1  }
0x11f: {  	v3 =	vperm.xlane v3, v2;
	v4 =	vadd.s32 v1, v4;
	_ =	sdelay $0x1  }
0x120: {  	v3 =	vadd.s32 v1, v3;
	_ =	sdelay $0x2  }
0x121: {  	[tilespmem:s11], [sflag:$0x1] =	stream.indirect_vreg.gather [hbm4b:s3+s2], $0x80, v4, vm0, $0xb8;
	[tilespmem:$0x8200] =	vst v63  }
0x122: {  	_ = 	snop  }
0x123: {  	[tilespmem:s12], [sflag:$0x1] =	stream.indirect_vreg.gather [hbm4b:s3+s2], $0x80, v3, vm0, $0xb8;
	[tilespmem:$0x8200] =	vst v63  }
0x124: {  	v3 =	vld [tilespmem:$0x190];
	_ =	sdelay $0x4  }
0x125: {  	v57 =	vshll.u32 v3, $0x1  }
0x126: {  	v3 =	vand.u32 $0x7, v3;
	v4 =	vand.u32 $0xFFFFFFF0, v57  }
0x127: {  	v3 =	vor.u32 v3, v4  }
0x128: {  	v4 =	vperm.xlane v3, v0;
	_ =	sdelay $0x1  }
0x129: {  	v3 =	vperm.xlane v3, v2;
	v4 =	vadd.s32 v1, v4;
	_ =	sdelay $0x1  }
0x12a: {  	v3 =	vadd.s32 v1, v3;
	_ =	sdelay $0x2  }
0x12b: {  	[tilespmem:s13], [sflag:$0x1] =	stream.indirect_vreg.gather [hbm4b:s3+s2], $0x80, v4, vm0, $0xb8;
	[tilespmem:$0x8200] =	vst v63  }
0x12c: {  	_ = 	snop  }
0x12d: {  	[tilespmem:s14], [sflag:$0x1] =	stream.indirect_vreg.gather [hbm4b:s3+s2], $0x80, v3, vm0, $0xb8;
	[tilespmem:$0x8200] =	vst v63  }
0x12e: {  	v3 =	vld [tilespmem:$0x1A0];
	_ =	sdelay $0x4  }
0x12f: {  	v58 =	vshll.u32 v3, $0x1  }
0x130: {  	v3 =	vand.u32 $0x7, v3;
	v4 =	vand.u32 $0xFFFFFFF0, v58  }
0x131: {  	v3 =	vor.u32 v3, v4  }
0x132: {  	v4 =	vperm.xlane v3, v0;
	_ =	sdelay $0x1  }
0x133: {  	v3 =	vperm.xlane v3, v2;
	v4 =	vadd.s32 v1, v4;
	_ =	sdelay $0x1  }
0x134: {  	v3 =	vadd.s32 v1, v3;
	_ =	sdelay $0x2  }
0x135: {  	[tilespmem:s15], [sflag:$0x1] =	stream.indirect_vreg.gather [hbm4b:s3+s2], $0x80, v4, vm0, $0xb8;
	[tilespmem:$0x8200] =	vst v63  }
0x136: {  	_ = 	snop  }
0x137: {  	[tilespmem:s16], [sflag:$0x1] =	stream.indirect_vreg.gather [hbm4b:s3+s2], $0x80, v3, vm0, $0xb8;
	[tilespmem:$0x8200] =	vst v63  }
0x138: {  	v3 =	vld [tilespmem:$0x1B0];
	_ =	sdelay $0x4  }
0x139: {  	v59 =	vshll.u32 v3, $0x1  }
0x13a: {  	v3 =	vand.u32 $0x7, v3;
	v4 =	vand.u32 $0xFFFFFFF0, v59  }
0x13b: {  	v3 =	vor.u32 v3, v4  }
0x13c: {  	v4 =	vperm.xlane v3, v0;
	_ =	sdelay $0x1  }
0x13d: {  	v3 =	vperm.xlane v3, v2;
	v4 =	vadd.s32 v1, v4;
	_ =	sdelay $0x1  }
0x13e: {  	v3 =	vadd.s32 v1, v3;
	_ =	sdelay $0x2  }
0x13f: {  	[tilespmem:s17], [sflag:$0x1] =	stream.indirect_vreg.gather [hbm4b:s3+s2], $0x80, v4, vm0, $0xb8;
	[tilespmem:$0x8200] =	vst v63  }
0x140: {  	_ = 	snop  }
0x141: {  	[tilespmem:s18], [sflag:$0x1] =	stream.indirect_vreg.gather [hbm4b:s3+s2], $0x80, v3, vm0, $0xb8;
	[tilespmem:$0x8200] =	vst v63  }
0x142: {  	v3 =	vld [tilespmem:$0x1C0];
	_ =	sdelay $0x4  }
0x143: {  	v60 =	vshll.u32 v3, $0x1  }
0x144: {  	v3 =	vand.u32 $0x7, v3;
	v4 =	vand.u32 $0xFFFFFFF0, v60  }
0x145: {  	v3 =	vor.u32 v3, v4  }
0x146: {  	v4 =	vperm.xlane v3, v0;
	_ =	sdelay $0x1  }
0x147: {  	v3 =	vperm.xlane v3, v2;
	v4 =	vadd.s32 v1, v4;
	_ =	sdelay $0x1  }
0x148: {  	v3 =	vadd.s32 v1, v3;
	_ =	sdelay $0x2  }
0x149: {  	[tilespmem:s19], [sflag:$0x1] =	stream.indirect_vreg.gather [hbm4b:s3+s2], $0x80, v4, vm0, $0xb8;
	[tilespmem:$0x8200] =	vst v63  }
0x14a: {  	_ = 	snop  }
0x14b: {  	[tilespmem:s20], [sflag:$0x1] =	stream.indirect_vreg.gather [hbm4b:s3+s2], $0x80, v3, vm0, $0xb8;
	[tilespmem:$0x8200] =	vst v63  }
0x14c: {  	v3 =	vld [tilespmem:$0x1D0];
	_ =	sdelay $0x4  }
0x14d: {  	v61 =	vshll.u32 v3, $0x1  }
0x14e: {  	v3 =	vand.u32 $0x7, v3;
	v4 =	vand.u32 $0xFFFFFFF0, v61  }
0x14f: {  	v3 =	vor.u32 v3, v4  }
0x150: {  	v4 =	vperm.xlane v3, v0;
	_ =	sdelay $0x1  }
0x151: {  	v3 =	vperm.xlane v3, v2;
	v4 =	vadd.s32 v1, v4;
	_ =	sdelay $0x1  }
0x152: {  	v3 =	vadd.s32 v1, v3;
	_ =	sdelay $0x2  }
0x153: {  	[tilespmem:s21], [sflag:$0x1] =	stream.indirect_vreg.gather [hbm4b:s3+s2], $0x80, v4, vm0, $0xb8;
	[tilespmem:$0x8200] =	vst v63  }
0x154: {  	_ = 	snop  }
0x155: {  	[tilespmem:s22], [sflag:$0x1] =	stream.indirect_vreg.gather [hbm4b:s3+s2], $0x80, v3, vm0, $0xb8;
	[tilespmem:$0x8200] =	vst v63  }
0x156: {  	v3 =	vld [tilespmem:$0x1E0];
	_ =	sdelay $0x4  }
0x157: {  	v62 =	vshll.u32 v3, $0x1  }
0x158: {  	v3 =	vand.u32 $0x7, v3;
	v4 =	vand.u32 $0xFFFFFFF0, v62  }
0x159: {  	v3 =	vor.u32 v3, v4  }
0x15a: {  	v4 =	vperm.xlane v3, v0;
	_ =	sdelay $0x1  }
0x15b: {  	v3 =	vperm.xlane v3, v2;
	v4 =	vadd.s32 v1, v4;
	_ =	sdelay $0x1  }
0x15c: {  	v3 =	vadd.s32 v1, v3;
	_ =	sdelay $0x2  }
0x15d: {  	[tilespmem:s23], [sflag:$0x1] =	stream.indirect_vreg.gather [hbm4b:s3+s2], $0x80, v4, vm0, $0xb8;
	[tilespmem:$0x8200] =	vst v63  }
0x15e: {  	_ = 	snop  }
0x15f: {  	[tilespmem:s24], [sflag:$0x1] =	stream.indirect_vreg.gather [hbm4b:s3+s2], $0x80, v3, vm0, $0xb8;
	[tilespmem:$0x8200] =	vst v63  }
0x160: {  	v3 =	vld [tilespmem:$0x1F0];
	_ =	sdelay $0x4  }
0x161: {  	v63 =	vshll.u32 v3, $0x1  }
0x162: {  	v3 =	vand.u32 $0x7, v3;
	v4 =	vand.u32 $0xFFFFFFF0, v63  }
0x163: {  	v3 =	vor.u32 v3, v4  }
0x164: {  	v4 =	vperm.xlane v3, v0;
	_ =	sdelay $0x1  }
0x165: {  	v3 =	vperm.xlane v3, v2;
	v4 =	vadd.s32 v1, v4;
	_ =	sdelay $0x1  }
0x166: {  	v3 =	vadd.s32 v1, v3;
	_ =	sdelay $0x2  }
0x167: {  	[tilespmem:s25], [sflag:$0x1] =	stream.indirect_vreg.gather [hbm4b:s3+s2], $0x80, v4, vm0, $0xb8;
	[tilespmem:$0x8200] =	vst v63  }
0x168: {  	_ = 	snop  }
0x169: {  	[tilespmem:s26], [sflag:$0x1] =	stream.indirect_vreg.gather [hbm4b:s3+s2], $0x80, v3, vm0, $0xb8;
	[tilespmem:$0x8200] =	vst v63  }
0x16a: {  	_ =	swait.ge [sflag:s28], $0x8000  }
0x16b: {  	p0 =	sne.s32 s9, $0x1;
	[sflag:s28] =	ssyncset.done $0x0  }
.Ltmp0:
0x16c: {  	[sflag:s28] =	ssyncadd.s32 $0xFFFF8000;
	(pc) =	sbr.rel @p0 .LBB2_1-.Ltmp0, $4  }
0x16d: {  	[hbm4b:s8+s2] =	stream.linear.scatter [tilespmem:s11], [sflag:$0x2], $0x8000, $0x38;
	[tilespmem:$0x8200] =	vst v63  }
0x16e: {  	_ =	swait.ge [sflag:s10], $0x8000  }
0x16f: {  	[sflag:s10] =	ssyncset.done $0x0  }
0x170: {  	s9 =	sadd.s32 $0xFFFFFFFF, s9;
	[sflag:s10] =	ssyncadd.s32 $0xFFFF8000  }
0x171: {  	_ =	sfence.sel $0x180000  }
0x172: {  	[bflag:$0x0] =	sbarrier.arrive $0xFFFF  }
0x173: {  	p0 =	sne.s32 s1, $0x0;
	_ =	strace $0x9000004D  }
0x174: {  	s0 =	sadd.s32 @!p0 $0x100000, s0;
	[bflag:$0x2] =	sbarrier.arrive $0xFFFF  }
0x175: {  	[sflag:s0] =	ssyncadd.tile.s32 @!p0 $0x1;
	_ =	shalt  }
.Lfunc_end2:
_tile_overlayer_lowered:
.L_overlay_start_2:
0x176: {  	(tag) =	ssettag $0x2  }
0x177: {  	s0 =	rddreg [dreg:$0x0];
	s2 =	stileid.u32  }
0x178: {  	s1 =	rddreg [dreg:$0x1];
	p0 =	sne.s32 s2, $0x0  }
0x179: {  	s3 =	rddreg [dreg:$0x2];
	[bflag:$0x3] =	sbarrier.arrive $0xFFFF;
	s2 =	simm.s32 @!p0 $0x1C02  }
0x17a: {  	[timem:s3], [sflag:s2] =	dma.local @!p0 [hbm:s0], s1  }
0x17b: {  	s0 =	simm.s32 @!p0 $0x2  }
0x17c: {  	_ =	swait.ge @!p0 [sflag:s0], s1  }
0x17d: {  	s1 =	ssub.s32 @!p0 $0x0, s1;
	[sflag:s0] =	ssyncset.done @!p0 $0x0  }
0x17e: {  	[sflag:s0] =	ssyncadd.s32 @!p0 s1  }
0x17f: {  	[bflag:$0x3] =	sbarrier.arrive $0xFFFF  }
0x180: {  	_ =	shalt  }

// kernel: kernel.7.cloned.1.call-start
scs
__scs_entry_jumppad:
0x0: {  	(pc) =	sbr.rel $0x88, $3  }
0x1: {  	(tag) =	ssettag $0x0;
	lr =	simm.s32 $0x1  }
0x2: {  	[smem:$0x3F98] =	sst lr;
	_ =	strace $0xD0000000  }
0x3: {  	_ = 	snop  }
0x4: {  	_ = 	snop  }
0x5: {  	_ = 	snop  }
0x6: {  	_ = 	snop  }
0x7: {  	_ = 	snop  }
__scs_overlays_trampoline_lowered:
0x8: {  	[smem:$0x3FA7] =	sst s0  }
0x9: {  	[smem:$0x3FA8] =	sst s1  }
0xa: {  	[smem:$0x3FA9] =	sst s2  }
0xb: {  	[smem:$0x3FAA] =	sst s3  }
0xc: {  	[smem:$0x3FAB] =	sst s4  }
0xd: {  	[smem:$0x3FAC] =	sst s5  }
0xe: {  	[smem:$0x3FAD] =	sst s6  }
0xf: {  	[smem:$0x3FAE] =	sst s7  }
0x10: {  	[smem:$0x3FAF] =	sst s8  }
0x11: {  	[smem:$0x3FB0] =	sst s9;
	s0 =	simm.s32 @!p0 $0x0  }
0x12: {  	s1 =	sld [smem:$0x3F96];
	s0 =	simm.s32 @p0 $0x1  }
0x13: {  	[smem:$0x3FB1] =	sst s0;
	s0 =	simm.s32 @!p1 $0x0  }
0x14: {  	s2 =	sld [smem:$0x3F95];
	s0 =	simm.s32 @p1 $0x1  }
0x15: {  	[smem:$0x3FB2] =	sst s0;
	s0 =	simm.s32 @!p2 $0x0  }
0x16: {  	s3 =	sld [smem:$0x3FDB];
	s0 =	simm.s32 @p2 $0x1  }
0x17: {  	s4 =	simm.s32 $0x1BF5;
	[smem:$0x3FB4] =	sst s0  }
0x18: {  	s0 =	sld [smem:$0x3F97];
	_ =	swait.ge [sflag:s4], $0x0  }
0x19: {  	s7 =	sld [smem:$0x3F98]  }
0x1a: {  	s8 =	sadd.s32 $0xFFFFE003, lr  }
0x1b: {  	s9 =	sadd.s32 $0xFFFFFEF7, lr;
	s5 =	simm.s32 $0xFFFFFFFF;
	p2 =	slt.u32 s8, $0xFFFFF086  }
0x1c: {  	p1 =	slt.u32 s9, $0xF7A;
	s5 =	simm.s32 @!p2 $0x0  }
0x1d: {  	s5 =	simm.s32 @p1 $0x1;
	p0 =	seq.s32 s7, s2  }
0x1e: {  	s7 =	smul.u32 @!p0 $0xF7A, s2;
	p2 =	seq.s32 @!p0 s5, $0x0  }
0x1f: {  	s9 =	smul.u32 $0xF7A, s1;
	s8 =	simm.s32 @!p0 $0x1BF5;
	p2 =	por !p2, p0  }
0x20: {  	[sflag:s8] =	ssyncset.s32 @!p0 $0xFFFFF086;
	s6 =	sadd.s32 @!p0 s3, s7;
	s7 =	simm.s32 @!p0 $0x108  }
0x21: {  	s3 =	sadd.s32 s3, s9;
	s6 =	sadd.s32 @!p0 $0x88, s6;
	s7 =	simm.s32 @p2 $0x1082  }
0x22: {  	[simem:s7], [sflag:s8] =	dma.local @!p0 [hbm:s6], $0xF7A  }
0x23: {  	s9 =	sor.u32 $0xD0000000, s2;
	s6 =	simm.s32 $0x108;
	_ =	swait.ge @!p0 [sflag:s8], $0x0  }
0x24: {  	s3 =	sadd.s32 $0x88, s3;
	s6 =	simm.s32 @!p1 $0x1082;
	[sflag:s4] =	ssyncset.s32 $0xFFFFF086  }
0x25: {  	[simem:s6], [sflag:s4] =	dma.local [hbm:s3], $0xF7A  }
0x26: {  	[smem:$0x3F98] =	sst s1;
	(tag) =	ssettag s2;
	_ =	strace s9  }
0x27: {  	s1 =	sld [smem:$0x3FA8]  }
0x28: {  	s2 =	sld [smem:$0x3FA9]  }
0x29: {  	s4 =	sld [smem:$0x3FAB]  }
0x2a: {  	p0 =	seq.s32 s5, $0x0;
	s5 =	sld [smem:$0x3FAC]  }
0x2b: {  	s6 =	sld [smem:$0x3FAD]  }
0x2c: {  	s7 =	sld [smem:$0x3FAE]  }
0x2d: {  	s3 =	simm.s32 $0x108;
	s8 =	sld [smem:$0x3FAF]  }
0x2e: {  	s3 =	simm.s32 @!p0 $0x1082;
	s9 =	sld [smem:$0x3FB0]  }
0x2f: {  	lr =	sadd.s32 s0, s3;
	s0 =	sld [smem:$0x3FA7]  }
0x30: {  	s3 =	sld [smem:$0x3FAA]  }
0x31: {  	[smem:$0x3FB3] =	sst s10  }
0x32: {  	s10 =	sld [smem:$0x3FB1];
	_ =	sdelay $0x3  }
0x33: {  	p0 =	seq.s32 s10, $0x1;
	s10 =	sld [smem:$0x3FB3];
	_ =	sdelay $0x3  }
0x34: {  	[smem:$0x3FB3] =	sst s10  }
0x35: {  	s10 =	sld [smem:$0x3FB2];
	_ =	sdelay $0x3  }
0x36: {  	p1 =	seq.s32 s10, $0x1;
	s10 =	sld [smem:$0x3FB3];
	_ =	sdelay $0x3  }
0x37: {  	[smem:$0x3FB3] =	sst s10  }
0x38: {  	s10 =	sld [smem:$0x3FB4]  }
0x39: {  	_ = 	snop;
	(pc) =	sbr.ind lr, $3  }
0x3a: {  	_ = 	snop  }
0x3b: {  	_ = 	snop  }
0x3c: {  	p2 =	seq.s32 s10, $0x1;
	s10 =	sld [smem:$0x3FB3]  }
0x3d: {  	_ =	shalt  }
0x3e: {  	_ =	shalt  }
0x3f: {  	_ =	shalt  }
0x40: {  	_ =	shalt  }
0x41: {  	_ =	shalt  }
0x42: {  	_ =	shalt  }
0x43: {  	_ =	shalt  }
0x44: {  	_ =	shalt  }
0x45: {  	_ =	shalt  }
0x46: {  	_ =	shalt  }
0x47: {  	_ =	shalt  }
0x48: {  	_ =	shalt  }
0x49: {  	_ =	shalt  }
0x4a: {  	_ =	shalt  }
0x4b: {  	_ =	shalt  }
0x4c: {  	_ =	shalt  }
0x4d: {  	_ =	shalt  }
0x4e: {  	_ =	shalt  }
0x4f: {  	_ =	shalt  }
0x50: {  	_ =	shalt  }
0x51: {  	_ =	shalt  }
0x52: {  	_ =	shalt  }
0x53: {  	_ =	shalt  }
0x54: {  	_ =	shalt  }
0x55: {  	_ =	shalt  }
0x56: {  	_ =	shalt  }
0x57: {  	_ =	shalt  }
0x58: {  	_ =	shalt  }
0x59: {  	_ =	shalt  }
0x5a: {  	_ =	shalt  }
0x5b: {  	_ =	shalt  }
0x5c: {  	_ =	shalt  }
0x5d: {  	_ =	shalt  }
0x5e: {  	_ =	shalt  }
0x5f: {  	_ =	shalt  }
0x60: {  	_ =	shalt  }
0x61: {  	_ =	shalt  }
0x62: {  	_ =	shalt  }
0x63: {  	_ =	shalt  }
0x64: {  	_ =	shalt  }
0x65: {  	_ =	shalt  }
0x66: {  	_ =	shalt  }
0x67: {  	_ =	shalt  }
0x68: {  	_ =	shalt  }
0x69: {  	_ =	shalt  }
0x6a: {  	_ =	shalt  }
0x6b: {  	_ =	shalt  }
0x6c: {  	_ =	shalt  }
0x6d: {  	_ =	shalt  }
0x6e: {  	_ =	shalt  }
0x6f: {  	_ =	shalt  }
0x70: {  	_ =	shalt  }
0x71: {  	_ =	shalt  }
0x72: {  	_ =	shalt  }
0x73: {  	_ =	shalt  }
0x74: {  	_ =	shalt  }
0x75: {  	_ =	shalt  }
0x76: {  	_ =	shalt  }
0x77: {  	_ =	shalt  }
0x78: {  	_ =	shalt  }
0x79: {  	_ =	shalt  }
0x7a: {  	_ =	shalt  }
0x7b: {  	_ =	shalt  }
0x7c: {  	_ =	shalt  }
0x7d: {  	_ =	shalt  }
0x7e: {  	_ =	shalt  }
0x7f: {  	_ =	shalt  }
0x80: {  	_ =	shalt  }
0x81: {  	_ =	shalt  }
0x82: {  	_ =	shalt  }
0x83: {  	_ =	shalt  }
0x84: {  	_ =	shalt  }
0x85: {  	_ =	shalt  }
0x86: {  	_ =	shalt  }
0x87: {  	_ =	shalt  }
.Lfunc_end0:
.L_simem_size_0:
called_computation.1_lowered:
.L_overlay_start_0:
0x88: {  	s2 =	sld [smem:$0x3FD9]  }
0x89: {  	s3 =	sld [smem:$0x3FFE];
	_ =	sdelay $0x1  }
0x8a: {  	s1 =	srdreg.scid  }
0x8b: {  	s0 =	sand.u32 $0x1, s1  }
0x8c: {  	s14 =	sshll.u32 s0, $0xA;
	s2 =	sadd.s32 s3, s2  }
0x8d: {  	s2 =	sadd.s32 s2, s14  }
0x8e: {  	[smem:$0x3FBF] =	sst s2  }
0x8f: {  	_ = 	snop  }
0x90: {  	s2 =	sld [smem:$0x3FD0];
	_ =	sdelay $0x2  }
0x91: {  	s4 =	simm.s32 $0xA;
	s5 =	simm.s32 $0x10;
	s15 =	sld [smem:$0x3FC9]  }
0x92: {  	[smem:s5], [sflag:s4] =	dma.local [hbm:s2], $0x1  }
0x93: {  	_ =	swait.eq [sflag:s4], $0x1  }
0x94: {  	[sflag:s4] =	ssyncset.done $0x0  }
0x95: {  	[sflag:s4] =	ssyncadd.s32 $0xFFFFFFFF  }
0x96: {  	s16 =	sld [smem:$0x11];
	(tm) =	ssettm $0x1  }
0x97: {  	s17 =	sld [smem:$0x3FFB];
	_ =	sdelay $0x3  }
0x98: {  	_ =	strace s17  }
0x99: {  	s4 =	sld [smem:$0x3FFC];
	_ =	sdelay $0x3  }
0x9a: {  	_ =	strace s4  }
0x9b: {  	s4 =	sld [smem:$0x3FFD];
	_ =	sdelay $0x3  }
0x9c: {  	_ =	strace s4  }
0x9d: {  	_ =	strace $0x8FFFFFFF  }
0x9e: {  	s18 =	sld [smem:$0x3FDB];
	_ =	sdelay $0x1  }
0x9f: {  	s19 =	simm.s32 $_scs_section_size  }
0xa0: {  	s6 =	simm.s32 $_size__tile_overlayer_lowered;
	s7 =	simm.s32 $_tile_overlayer_lowered  }
0xa1: {  	s22 =	simm.s32 $0x1BFF;
	s21 =	sshll.u32 s7, $0x1;
	s4 =	sadd.s32 s19, s18  }
0xa2: {  	s8 =	simm.s32 $0x0;
	s20 =	sshll.u32 s6, $0x1;
	s6 =	sadd.s32 s21, s4  }
0xa3: {  	[timem:s8], [sflag:s22] =	dma.local [hbm:s6], s20  }
0xa4: {  	_ =	swait.ge [sflag:s22], s20  }
0xa5: {  	s5 =	ssub.s32 $0x0, s20;
	[sflag:s22] =	ssyncset.done $0x0  }
0xa6: {  	[sflag:s22] =	ssyncadd.s32 s5;
	_ =	sdelay $0x1  }
0xa7: {  	s23 =	simm.s32 $0x1B8B  }
0xa8: {  	_ =	swait.ge [sflag:s23], $0x1  }
0xa9: {  	[sflag:s23] =	ssyncset.done $0x0  }
0xaa: {  	s25 =	simm.s32 $0x1B8E;
	s24 =	sld [smem:$0x3FFE];
	[sflag:s23] =	ssyncadd.s32 $0xFFFFFFFF  }
0xab: {  	s26 =	simm.s32 $execute0_lowered;
	[smem:$0x3FD2] =	sst s25  }
0xac: {  	s6 =	sshll.u32 s26, $0x1;
	_ =	strace $0x80000049;
	[dreg:$0x1] =	wrdreg $0xFFFFFFFF  }
0xad: {  	s28 =	simm.s32 $_size_execute0_lowered;
	s4 =	sadd.s32 s4, s6;
	[dreg:$0x0] =	wrdreg $0x0  }
0xae: {  	s6 =	sshll.u32 s28, $0x1;
	[dreg:$0x2] =	wrdreg s4  }
0xaf: {  	[dreg:$0x3] =	wrdreg s6  }
0xb0: {  	[dreg:$0x4] =	wrdreg $0xC0  }
0xb1: {  	_ =	task [dreg:s8], $0x5FFFF  }
0xb2: {  	[dreg:$0x1] =	wrdreg $0xFFFFFFFF  }
0xb3: {  	[dreg:$0x0] =	wrdreg $0x60  }
0xb4: {  	[dreg:$0x2] =	wrdreg s15  }
0xb5: {  	[dreg:$0x3] =	wrdreg s16  }
0xb6: {  	[dreg:$0x4] =	wrdreg s24  }
0xb7: {  	[dreg:$0x5] =	wrdreg $0x9  }
0xb8: {  	_ =	task.clear_ibuf [dreg:s8], $0x6FFFF;
	_ =	strace $0x90000049  }
0xb9: {  	s29 =	simm.s32 $0x9;
	_ =	strace $0x8000004B  }
0xba: {  	_ =	swait.ge [sflag:s29], $0x1  }
0xbb: {  	[sflag:s29] =	ssyncadd.s32 $0xFFFFFFFF  }
0xbc: {  	_ =	strace $0x9000004B  }
0xbd: {  	_ =	sfence  }
0xbe: {  	s30 =	sld [smem:$0x0];
	_ =	sdelay $0x2  }
0xbf: {  	s31 =	sshll.u32 s1, $0xD;
	s1 =	sshrl.u32 s1, $0x2  }
0xc0: {  	s3 =	sand.u32 $0x4000, s31;
	s1 =	sadd.s32 s1, s30  }
0xc1: {  	s0 =	sor.u32 s3, s0;
	s1 =	sshll.u32 s1, $0x11  }
0xc2: {  	s0 =	sor.u32 s1, s0  }
0xc3: {  	s0 =	sadd.s32 $0x8F2B, s0  }
0xc4: {  	[sflag:s0] =	ssyncadd.remote.s32 $0x1  }
0xc5: {  	_ =	sfence.sel $0xFFFF  }
0xc6: {  	[dreg:$0x0] =	wrdreg $0xFFFFFFFF;
	(pc) =	sbr.abs _section_cstart, $3  }
0xc7: {  	[dreg:$0x1] =	wrdreg $0xFFFFFFFF  }
0xc8: {  	_ =	task.clear_ibuf [dreg:s8], $0x2FFFF;
	_ =	strace $0x9FFFFFFF  }
0xc9: {  	(tm) =	ssettm $0x7FFFFFFF  }
tec
execute0_lowered:
.L_overlay_start_1:
0x0: {  	(tag) =	ssettag $0x1  }
0x1: {  	s5 =	rddreg [dreg:$0x0]  }
0x2: {  	s4 =	rddreg [dreg:$0x1]  }
0x3: {  	s3 =	rddreg [dreg:$0x2]  }
0x4: {  	s0 =	rddreg [dreg:$0x3]  }
0x5: {  	s2 =	simm.s32 $0x0;
	s6 =	srdreg.scid;
	s1 =	stileid.u32  }
0x6: {  	s10 =	simm.s32 $0x1400;
	s11 =	simm.s32 $0x1C00;
	s12 =	simm.s32 $0x2400  }
0x7: {  	s13 =	simm.s32 $0x2C00;
	s14 =	simm.s32 $0x3400;
	s15 =	simm.s32 $0x3C00  }
0x8: {  	s16 =	simm.s32 $0x1;
	[smem:$0x7FF] =	sst s2;
	s6 =	sand.u32 $0x1, s6  }
0x9: {  	s7 =	sshll.u32 s1, $0x1;
	s3 =	sadd.s32 $0x10200, s3;
	s8 =	ssub.s32 $0x2, s6  }
0xa: {  	_ =	strace $0x8000004A;
	s6 =	sor.u32 s6, s7;
	s31 =	sshrl.u32 s8, $0x1  }
0xb: {  	v2 =	vlaneseq.u32;
	s9 =	sshll.u32 s6, $0x7;
	s6 =	sshll.u32 s6, $0xB;
	s7 =	ssub.s32 s8, s31  }
0xc: {  	vm0 =	vmmov $0xffff;
	v1 =	vshrl.u32 v2, $0x3;
	s4 =	sadd.s32 s4, s9;
	s5 =	sadd.s32 s5, s6;
	s8 =	simm.s32 $0x400  }
0xd: {  	v0 =	vand.u32 $0x7, v2;
	v2 =	vor.u32 $0x8, v2;
	v1 =	vmul.u32 $0x8, v1;
	s9 =	simm.s32 $0xC00;
	s6 =	smax.u32 s7, $0x1;
	s7 =	simm.s32 $0x2  }
.LBB2_1:
0xe: {  	[tilespmem:s2], [sflag:$0x2] =	stream.linear.gather [hbm4b:s4+s2], $0x400, $0x38;
	[tilespmem:$0x4400] =	vst v63  }
0xf: {  	_ =	swait.ge [sflag:s7], $0x400  }
0x10: {  	[sflag:s7] =	ssyncset.done $0x0  }
0x11: {  	[sflag:s7] =	ssyncadd.s32 $0xFFFFFC00  }
0x12: {  	[tilespmem:s8], [sflag:$0x2] =	stream.linear.gather [hbm4b:s5+s2], $0x4000, $0x38;
	[tilespmem:$0x4400] =	vst v63  }
0x13: {  	_ =	swait.ge [sflag:s7], $0x4000  }
0x14: {  	[sflag:s7] =	ssyncset.done $0x0  }
0x15: {  	[sflag:s7] =	ssyncadd.s32 $0xFFFFC000  }
0x16: {  	v3 =	vld [tilespmem:$0x0];
	_ =	sdelay $0x4  }
0x17: {  	v4 =	vshll.u32 v3, $0x1  }
0x18: {  	v3 =	vand.u32 $0x7, v3;
	v4 =	vand.u32 $0xFFFFFFF0, v4  }
0x19: {  	v3 =	vor.u32 v3, v4  }
0x1a: {  	v4 =	vperm.xlane v3, v0;
	_ =	sdelay $0x1  }
0x1b: {  	v3 =	vperm.xlane v3, v2;
	v4 =	vadd.s32 v1, v4;
	_ =	sdelay $0x1  }
0x1c: {  	v3 =	vadd.s32 v1, v3;
	_ =	sdelay $0x2  }
0x1d: {  	[hbm4b:s3+s2] =	stream.indirect_vreg.scatter [tilespmem:s8], [sflag:$0x1], $0x80, v4, vm0, $0xb8;
	[tilespmem:$0x4400] =	vst v63  }
0x1e: {  	_ = 	snop  }
0x1f: {  	[hbm4b:s3+s2] =	stream.indirect_vreg.scatter [tilespmem:s9], [sflag:$0x1], $0x80, v3, vm0, $0xb8;
	[tilespmem:$0x4400] =	vst v63  }
0x20: {  	v3 =	vld [tilespmem:$0x10];
	_ =	sdelay $0x4  }
0x21: {  	v33 =	vshll.u32 v3, $0x1  }
0x22: {  	v3 =	vand.u32 $0x7, v3;
	v4 =	vand.u32 $0xFFFFFFF0, v33  }
0x23: {  	v3 =	vor.u32 v3, v4  }
0x24: {  	v4 =	vperm.xlane v3, v0;
	_ =	sdelay $0x1  }
0x25: {  	v3 =	vperm.xlane v3, v2;
	v4 =	vadd.s32 v1, v4;
	_ =	sdelay $0x1  }
0x26: {  	v3 =	vadd.s32 v1, v3;
	_ =	sdelay $0x2  }
0x27: {  	[hbm4b:s3+s2] =	stream.indirect_vreg.scatter [tilespmem:s10], [sflag:$0x1], $0x80, v4, vm0, $0xb8;
	[tilespmem:$0x4400] =	vst v63  }
0x28: {  	_ = 	snop  }
0x29: {  	[hbm4b:s3+s2] =	stream.indirect_vreg.scatter [tilespmem:s11], [sflag:$0x1], $0x80, v3, vm0, $0xb8;
	[tilespmem:$0x4400] =	vst v63  }
0x2a: {  	v3 =	vld [tilespmem:$0x20];
	_ =	sdelay $0x4  }
0x2b: {  	v34 =	vshll.u32 v3, $0x1  }
0x2c: {  	v3 =	vand.u32 $0x7, v3;
	v4 =	vand.u32 $0xFFFFFFF0, v34  }
0x2d: {  	v3 =	vor.u32 v3, v4  }
0x2e: {  	v4 =	vperm.xlane v3, v0;
	_ =	sdelay $0x1  }
0x2f: {  	v3 =	vperm.xlane v3, v2;
	v4 =	vadd.s32 v1, v4;
	_ =	sdelay $0x1  }
0x30: {  	v3 =	vadd.s32 v1, v3;
	_ =	sdelay $0x2  }
0x31: {  	[hbm4b:s3+s2] =	stream.indirect_vreg.scatter [tilespmem:s12], [sflag:$0x1], $0x80, v4, vm0, $0xb8;
	[tilespmem:$0x4400] =	vst v63  }
0x32: {  	_ = 	snop  }
0x33: {  	[hbm4b:s3+s2] =	stream.indirect_vreg.scatter [tilespmem:s13], [sflag:$0x1], $0x80, v3, vm0, $0xb8;
	[tilespmem:$0x4400] =	vst v63  }
0x34: {  	v3 =	vld [tilespmem:$0x30];
	_ =	sdelay $0x4  }
0x35: {  	v35 =	vshll.u32 v3, $0x1  }
0x36: {  	v3 =	vand.u32 $0x7, v3;
	v4 =	vand.u32 $0xFFFFFFF0, v35  }
0x37: {  	v3 =	vor.u32 v3, v4  }
0x38: {  	v4 =	vperm.xlane v3, v0;
	_ =	sdelay $0x1  }
0x39: {  	v3 =	vperm.xlane v3, v2;
	v4 =	vadd.s32 v1, v4;
	_ =	sdelay $0x1  }
0x3a: {  	v3 =	vadd.s32 v1, v3;
	_ =	sdelay $0x2  }
0x3b: {  	[hbm4b:s3+s2] =	stream.indirect_vreg.scatter [tilespmem:s14], [sflag:$0x1], $0x80, v4, vm0, $0xb8;
	[tilespmem:$0x4400] =	vst v63  }
0x3c: {  	_ = 	snop  }
0x3d: {  	[hbm4b:s3+s2] =	stream.indirect_vreg.scatter [tilespmem:s15], [sflag:$0x1], $0x80, v3, vm0, $0xb8;
	[tilespmem:$0x4400] =	vst v63  }
0x3e: {  	v3 =	vld [tilespmem:$0x80];
	_ =	sdelay $0x4  }
0x3f: {  	v36 =	vshll.u32 v3, $0x1  }
0x40: {  	v3 =	vand.u32 $0x7, v3;
	v4 =	vand.u32 $0xFFFFFFF0, v36  }
0x41: {  	v3 =	vor.u32 v3, v4  }
0x42: {  	v4 =	vperm.xlane v3, v0;
	_ =	sdelay $0x1  }
0x43: {  	v3 =	vperm.xlane v3, v2;
	v4 =	vadd.s32 v1, v4;
	_ =	sdelay $0x1  }
0x44: {  	v3 =	vadd.s32 v1, v3;
	_ =	sdelay $0x2  }
0x45: {  	[hbm4b:s3+s2] =	stream.indirect_vreg.scatter [tilespmem:s8], [sflag:$0x1], $0x80, v4, vm0, $0xb8;
	[tilespmem:$0x4400] =	vst v63  }
0x46: {  	_ = 	snop  }
0x47: {  	[hbm4b:s3+s2] =	stream.indirect_vreg.scatter [tilespmem:s9], [sflag:$0x1], $0x80, v3, vm0, $0xb8;
	[tilespmem:$0x4400] =	vst v63  }
0x48: {  	v3 =	vld [tilespmem:$0x90];
	_ =	sdelay $0x4  }
0x49: {  	v37 =	vshll.u32 v3, $0x1  }
0x4a: {  	v3 =	vand.u32 $0x7, v3;
	v4 =	vand.u32 $0xFFFFFFF0, v37  }
0x4b: {  	v3 =	vor.u32 v3, v4  }
0x4c: {  	v4 =	vperm.xlane v3, v0;
	_ =	sdelay $0x1  }
0x4d: {  	v3 =	vperm.xlane v3, v2;
	v4 =	vadd.s32 v1, v4;
	_ =	sdelay $0x1  }
0x4e: {  	v3 =	vadd.s32 v1, v3;
	_ =	sdelay $0x2  }
0x4f: {  	[hbm4b:s3+s2] =	stream.indirect_vreg.scatter [tilespmem:s10], [sflag:$0x1], $0x80, v4, vm0, $0xb8;
	[tilespmem:$0x4400] =	vst v63  }
0x50: {  	_ = 	snop  }
0x51: {  	[hbm4b:s3+s2] =	stream.indirect_vreg.scatter [tilespmem:s11], [sflag:$0x1], $0x80, v3, vm0, $0xb8;
	[tilespmem:$0x4400] =	vst v63  }
0x52: {  	v3 =	vld [tilespmem:$0xA0];
	_ =	sdelay $0x4  }
0x53: {  	v38 =	vshll.u32 v3, $0x1  }
0x54: {  	v3 =	vand.u32 $0x7, v3;
	v4 =	vand.u32 $0xFFFFFFF0, v38  }
0x55: {  	v3 =	vor.u32 v3, v4  }
0x56: {  	v4 =	vperm.xlane v3, v0;
	_ =	sdelay $0x1  }
0x57: {  	v3 =	vperm.xlane v3, v2;
	v4 =	vadd.s32 v1, v4;
	_ =	sdelay $0x1  }
0x58: {  	v3 =	vadd.s32 v1, v3;
	_ =	sdelay $0x2  }
0x59: {  	[hbm4b:s3+s2] =	stream.indirect_vreg.scatter [tilespmem:s12], [sflag:$0x1], $0x80, v4, vm0, $0xb8;
	[tilespmem:$0x4400] =	vst v63  }
0x5a: {  	_ = 	snop  }
0x5b: {  	[hbm4b:s3+s2] =	stream.indirect_vreg.scatter [tilespmem:s13], [sflag:$0x1], $0x80, v3, vm0, $0xb8;
	[tilespmem:$0x4400] =	vst v63  }
0x5c: {  	v3 =	vld [tilespmem:$0xB0];
	_ =	sdelay $0x4  }
0x5d: {  	v39 =	vshll.u32 v3, $0x1  }
0x5e: {  	v3 =	vand.u32 $0x7, v3;
	v4 =	vand.u32 $0xFFFFFFF0, v39  }
0x5f: {  	v3 =	vor.u32 v3, v4  }
0x60: {  	v4 =	vperm.xlane v3, v0;
	_ =	sdelay $0x1  }
0x61: {  	v3 =	vperm.xlane v3, v2;
	v4 =	vadd.s32 v1, v4;
	_ =	sdelay $0x1  }
0x62: {  	v3 =	vadd.s32 v1, v3;
	_ =	sdelay $0x2  }
0x63: {  	[hbm4b:s3+s2] =	stream.indirect_vreg.scatter [tilespmem:s14], [sflag:$0x1], $0x80, v4, vm0, $0xb8;
	[tilespmem:$0x4400] =	vst v63  }
0x64: {  	_ = 	snop  }
0x65: {  	[hbm4b:s3+s2] =	stream.indirect_vreg.scatter [tilespmem:s15], [sflag:$0x1], $0x80, v3, vm0, $0xb8;
	[tilespmem:$0x4400] =	vst v63  }
0x66: {  	v3 =	vld [tilespmem:$0x100];
	_ =	sdelay $0x4  }
0x67: {  	v40 =	vshll.u32 v3, $0x1  }
0x68: {  	v3 =	vand.u32 $0x7, v3;
	v4 =	vand.u32 $0xFFFFFFF0, v40  }
0x69: {  	v3 =	vor.u32 v3, v4  }
0x6a: {  	v4 =	vperm.xlane v3, v0;
	_ =	sdelay $0x1  }
0x6b: {  	v3 =	vperm.xlane v3, v2;
	v4 =	vadd.s32 v1, v4;
	_ =	sdelay $0x1  }
0x6c: {  	v3 =	vadd.s32 v1, v3;
	_ =	sdelay $0x2  }
0x6d: {  	[hbm4b:s3+s2] =	stream.indirect_vreg.scatter [tilespmem:s8], [sflag:$0x1], $0x80, v4, vm0, $0xb8;
	[tilespmem:$0x4400] =	vst v63  }
0x6e: {  	_ = 	snop  }
0x6f: {  	[hbm4b:s3+s2] =	stream.indirect_vreg.scatter [tilespmem:s9], [sflag:$0x1], $0x80, v3, vm0, $0xb8;
	[tilespmem:$0x4400] =	vst v63  }
0x70: {  	v3 =	vld [tilespmem:$0x110];
	_ =	sdelay $0x4  }
0x71: {  	v41 =	vshll.u32 v3, $0x1  }
0x72: {  	v3 =	vand.u32 $0x7, v3;
	v4 =	vand.u32 $0xFFFFFFF0, v41  }
0x73: {  	v3 =	vor.u32 v3, v4  }
0x74: {  	v4 =	vperm.xlane v3, v0;
	_ =	sdelay $0x1  }
0x75: {  	v3 =	vperm.xlane v3, v2;
	v4 =	vadd.s32 v1, v4;
	_ =	sdelay $0x1  }
0x76: {  	v3 =	vadd.s32 v1, v3;
	_ =	sdelay $0x2  }
0x77: {  	[hbm4b:s3+s2] =	stream.indirect_vreg.scatter [tilespmem:s10], [sflag:$0x1], $0x80, v4, vm0, $0xb8;
	[tilespmem:$0x4400] =	vst v63  }
0x78: {  	_ = 	snop  }
0x79: {  	[hbm4b:s3+s2] =	stream.indirect_vreg.scatter [tilespmem:s11], [sflag:$0x1], $0x80, v3, vm0, $0xb8;
	[tilespmem:$0x4400] =	vst v63  }
0x7a: {  	v3 =	vld [tilespmem:$0x120];
	_ =	sdelay $0x4  }
0x7b: {  	v42 =	vshll.u32 v3, $0x1  }
0x7c: {  	v3 =	vand.u32 $0x7, v3;
	v4 =	vand.u32 $0xFFFFFFF0, v42  }
0x7d: {  	v3 =	vor.u32 v3, v4  }
0x7e: {  	v4 =	vperm.xlane v3, v0;
	_ =	sdelay $0x1  }
0x7f: {  	v3 =	vperm.xlane v3, v2;
	v4 =	vadd.s32 v1, v4;
	_ =	sdelay $0x1  }
0x80: {  	v3 =	vadd.s32 v1, v3;
	_ =	sdelay $0x2  }
0x81: {  	[hbm4b:s3+s2] =	stream.indirect_vreg.scatter [tilespmem:s12], [sflag:$0x1], $0x80, v4, vm0, $0xb8;
	[tilespmem:$0x4400] =	vst v63  }
0x82: {  	_ = 	snop  }
0x83: {  	[hbm4b:s3+s2] =	stream.indirect_vreg.scatter [tilespmem:s13], [sflag:$0x1], $0x80, v3, vm0, $0xb8;
	[tilespmem:$0x4400] =	vst v63  }
0x84: {  	v3 =	vld [tilespmem:$0x130];
	_ =	sdelay $0x4  }
0x85: {  	v43 =	vshll.u32 v3, $0x1  }
0x86: {  	v3 =	vand.u32 $0x7, v3;
	v4 =	vand.u32 $0xFFFFFFF0, v43  }
0x87: {  	v3 =	vor.u32 v3, v4  }
0x88: {  	v4 =	vperm.xlane v3, v0;
	_ =	sdelay $0x1  }
0x89: {  	v3 =	vperm.xlane v3, v2;
	v4 =	vadd.s32 v1, v4;
	_ =	sdelay $0x1  }
0x8a: {  	v3 =	vadd.s32 v1, v3;
	_ =	sdelay $0x2  }
0x8b: {  	[hbm4b:s3+s2] =	stream.indirect_vreg.scatter [tilespmem:s14], [sflag:$0x1], $0x80, v4, vm0, $0xb8;
	[tilespmem:$0x4400] =	vst v63  }
0x8c: {  	_ = 	snop  }
0x8d: {  	[hbm4b:s3+s2] =	stream.indirect_vreg.scatter [tilespmem:s15], [sflag:$0x1], $0x80, v3, vm0, $0xb8;
	[tilespmem:$0x4400] =	vst v63  }
0x8e: {  	v3 =	vld [tilespmem:$0x180];
	_ =	sdelay $0x4  }
0x8f: {  	v44 =	vshll.u32 v3, $0x1  }
0x90: {  	v3 =	vand.u32 $0x7, v3;
	v4 =	vand.u32 $0xFFFFFFF0, v44  }
0x91: {  	v3 =	vor.u32 v3, v4  }
0x92: {  	v4 =	vperm.xlane v3, v0;
	_ =	sdelay $0x1  }
0x93: {  	v3 =	vperm.xlane v3, v2;
	v4 =	vadd.s32 v1, v4;
	_ =	sdelay $0x1  }
0x94: {  	v3 =	vadd.s32 v1, v3;
	_ =	sdelay $0x2  }
0x95: {  	[hbm4b:s3+s2] =	stream.indirect_vreg.scatter [tilespmem:s8], [sflag:$0x1], $0x80, v4, vm0, $0xb8;
	[tilespmem:$0x4400] =	vst v63  }
0x96: {  	_ = 	snop  }
0x97: {  	[hbm4b:s3+s2] =	stream.indirect_vreg.scatter [tilespmem:s9], [sflag:$0x1], $0x80, v3, vm0, $0xb8;
	[tilespmem:$0x4400] =	vst v63  }
0x98: {  	v3 =	vld [tilespmem:$0x190];
	_ =	sdelay $0x4  }
0x99: {  	v45 =	vshll.u32 v3, $0x1  }
0x9a: {  	v3 =	vand.u32 $0x7, v3;
	v4 =	vand.u32 $0xFFFFFFF0, v45  }
0x9b: {  	v3 =	vor.u32 v3, v4  }
0x9c: {  	v4 =	vperm.xlane v3, v0;
	_ =	sdelay $0x1  }
0x9d: {  	v3 =	vperm.xlane v3, v2;
	v4 =	vadd.s32 v1, v4;
	_ =	sdelay $0x1  }
0x9e: {  	v3 =	vadd.s32 v1, v3;
	_ =	sdelay $0x2  }
0x9f: {  	[hbm4b:s3+s2] =	stream.indirect_vreg.scatter [tilespmem:s10], [sflag:$0x1], $0x80, v4, vm0, $0xb8;
	[tilespmem:$0x4400] =	vst v63  }
0xa0: {  	_ = 	snop  }
0xa1: {  	[hbm4b:s3+s2] =	stream.indirect_vreg.scatter [tilespmem:s11], [sflag:$0x1], $0x80, v3, vm0, $0xb8;
	[tilespmem:$0x4400] =	vst v63  }
0xa2: {  	v3 =	vld [tilespmem:$0x1A0];
	_ =	sdelay $0x4  }
0xa3: {  	v46 =	vshll.u32 v3, $0x1  }
0xa4: {  	v3 =	vand.u32 $0x7, v3;
	v4 =	vand.u32 $0xFFFFFFF0, v46  }
0xa5: {  	v3 =	vor.u32 v3, v4  }
0xa6: {  	v4 =	vperm.xlane v3, v0;
	_ =	sdelay $0x1  }
0xa7: {  	v3 =	vperm.xlane v3, v2;
	v4 =	vadd.s32 v1, v4;
	_ =	sdelay $0x1  }
0xa8: {  	v3 =	vadd.s32 v1, v3;
	_ =	sdelay $0x2  }
0xa9: {  	[hbm4b:s3+s2] =	stream.indirect_vreg.scatter [tilespmem:s12], [sflag:$0x1], $0x80, v4, vm0, $0xb8;
	[tilespmem:$0x4400] =	vst v63  }
0xaa: {  	_ = 	snop  }
0xab: {  	[hbm4b:s3+s2] =	stream.indirect_vreg.scatter [tilespmem:s13], [sflag:$0x1], $0x80, v3, vm0, $0xb8;
	[tilespmem:$0x4400] =	vst v63  }
0xac: {  	v3 =	vld [tilespmem:$0x1B0];
	_ =	sdelay $0x4  }
0xad: {  	v47 =	vshll.u32 v3, $0x1  }
0xae: {  	v3 =	vand.u32 $0x7, v3;
	v4 =	vand.u32 $0xFFFFFFF0, v47  }
0xaf: {  	v3 =	vor.u32 v3, v4  }
0xb0: {  	v4 =	vperm.xlane v3, v0;
	_ =	sdelay $0x1  }
0xb1: {  	v3 =	vperm.xlane v3, v2;
	v4 =	vadd.s32 v1, v4;
	_ =	sdelay $0x1  }
0xb2: {  	v3 =	vadd.s32 v1, v3;
	_ =	sdelay $0x2  }
0xb3: {  	[hbm4b:s3+s2] =	stream.indirect_vreg.scatter [tilespmem:s14], [sflag:$0x1], $0x80, v4, vm0, $0xb8;
	[tilespmem:$0x4400] =	vst v63  }
0xb4: {  	_ = 	snop  }
0xb5: {  	[hbm4b:s3+s2] =	stream.indirect_vreg.scatter [tilespmem:s15], [sflag:$0x1], $0x80, v3, vm0, $0xb8;
	[tilespmem:$0x4400] =	vst v63  }
0xb6: {  	v3 =	vld [tilespmem:$0x200];
	_ =	sdelay $0x4  }
0xb7: {  	v48 =	vshll.u32 v3, $0x1  }
0xb8: {  	v3 =	vand.u32 $0x7, v3;
	v4 =	vand.u32 $0xFFFFFFF0, v48  }
0xb9: {  	v3 =	vor.u32 v3, v4  }
0xba: {  	v4 =	vperm.xlane v3, v0;
	_ =	sdelay $0x1  }
0xbb: {  	v3 =	vperm.xlane v3, v2;
	v4 =	vadd.s32 v1, v4;
	_ =	sdelay $0x1  }
0xbc: {  	v3 =	vadd.s32 v1, v3;
	_ =	sdelay $0x2  }
0xbd: {  	[hbm4b:s3+s2] =	stream.indirect_vreg.scatter [tilespmem:s8], [sflag:$0x1], $0x80, v4, vm0, $0xb8;
	[tilespmem:$0x4400] =	vst v63  }
0xbe: {  	_ = 	snop  }
0xbf: {  	[hbm4b:s3+s2] =	stream.indirect_vreg.scatter [tilespmem:s9], [sflag:$0x1], $0x80, v3, vm0, $0xb8;
	[tilespmem:$0x4400] =	vst v63  }
0xc0: {  	v3 =	vld [tilespmem:$0x210];
	_ =	sdelay $0x4  }
0xc1: {  	v49 =	vshll.u32 v3, $0x1  }
0xc2: {  	v3 =	vand.u32 $0x7, v3;
	v4 =	vand.u32 $0xFFFFFFF0, v49  }
0xc3: {  	v3 =	vor.u32 v3, v4  }
0xc4: {  	v4 =	vperm.xlane v3, v0;
	_ =	sdelay $0x1  }
0xc5: {  	v3 =	vperm.xlane v3, v2;
	v4 =	vadd.s32 v1, v4;
	_ =	sdelay $0x1  }
0xc6: {  	v3 =	vadd.s32 v1, v3;
	_ =	sdelay $0x2  }
0xc7: {  	[hbm4b:s3+s2] =	stream.indirect_vreg.scatter [tilespmem:s10], [sflag:$0x1], $0x80, v4, vm0, $0xb8;
	[tilespmem:$0x4400] =	vst v63  }
0xc8: {  	_ = 	snop  }
0xc9: {  	[hbm4b:s3+s2] =	stream.indirect_vreg.scatter [tilespmem:s11], [sflag:$0x1], $0x80, v3, vm0, $0xb8;
	[tilespmem:$0x4400] =	vst v63  }
0xca: {  	v3 =	vld [tilespmem:$0x220];
	_ =	sdelay $0x4  }
0xcb: {  	v50 =	vshll.u32 v3, $0x1  }
0xcc: {  	v3 =	vand.u32 $0x7, v3;
	v4 =	vand.u32 $0xFFFFFFF0, v50  }
0xcd: {  	v3 =	vor.u32 v3, v4  }
0xce: {  	v4 =	vperm.xlane v3, v0;
	_ =	sdelay $0x1  }
0xcf: {  	v3 =	vperm.xlane v3, v2;
	v4 =	vadd.s32 v1, v4;
	_ =	sdelay $0x1  }
0xd0: {  	v3 =	vadd.s32 v1, v3;
	_ =	sdelay $0x2  }
0xd1: {  	[hbm4b:s3+s2] =	stream.indirect_vreg.scatter [tilespmem:s12], [sflag:$0x1], $0x80, v4, vm0, $0xb8;
	[tilespmem:$0x4400] =	vst v63  }
0xd2: {  	_ = 	snop  }
0xd3: {  	[hbm4b:s3+s2] =	stream.indirect_vreg.scatter [tilespmem:s13], [sflag:$0x1], $0x80, v3, vm0, $0xb8;
	[tilespmem:$0x4400] =	vst v63  }
0xd4: {  	v3 =	vld [tilespmem:$0x230];
	_ =	sdelay $0x4  }
0xd5: {  	v51 =	vshll.u32 v3, $0x1  }
0xd6: {  	v3 =	vand.u32 $0x7, v3;
	v4 =	vand.u32 $0xFFFFFFF0, v51  }
0xd7: {  	v3 =	vor.u32 v3, v4  }
0xd8: {  	v4 =	vperm.xlane v3, v0;
	_ =	sdelay $0x1  }
0xd9: {  	v3 =	vperm.xlane v3, v2;
	v4 =	vadd.s32 v1, v4;
	_ =	sdelay $0x1  }
0xda: {  	v3 =	vadd.s32 v1, v3;
	_ =	sdelay $0x2  }
0xdb: {  	[hbm4b:s3+s2] =	stream.indirect_vreg.scatter [tilespmem:s14], [sflag:$0x1], $0x80, v4, vm0, $0xb8;
	[tilespmem:$0x4400] =	vst v63  }
0xdc: {  	_ = 	snop  }
0xdd: {  	[hbm4b:s3+s2] =	stream.indirect_vreg.scatter [tilespmem:s15], [sflag:$0x1], $0x80, v3, vm0, $0xb8;
	[tilespmem:$0x4400] =	vst v63  }
0xde: {  	v3 =	vld [tilespmem:$0x280];
	_ =	sdelay $0x4  }
0xdf: {  	v52 =	vshll.u32 v3, $0x1  }
0xe0: {  	v3 =	vand.u32 $0x7, v3;
	v4 =	vand.u32 $0xFFFFFFF0, v52  }
0xe1: {  	v3 =	vor.u32 v3, v4  }
0xe2: {  	v4 =	vperm.xlane v3, v0;
	_ =	sdelay $0x1  }
0xe3: {  	v3 =	vperm.xlane v3, v2;
	v4 =	vadd.s32 v1, v4;
	_ =	sdelay $0x1  }
0xe4: {  	v3 =	vadd.s32 v1, v3;
	_ =	sdelay $0x2  }
0xe5: {  	[hbm4b:s3+s2] =	stream.indirect_vreg.scatter [tilespmem:s8], [sflag:$0x1], $0x80, v4, vm0, $0xb8;
	[tilespmem:$0x4400] =	vst v63  }
0xe6: {  	_ = 	snop  }
0xe7: {  	[hbm4b:s3+s2] =	stream.indirect_vreg.scatter [tilespmem:s9], [sflag:$0x1], $0x80, v3, vm0, $0xb8;
	[tilespmem:$0x4400] =	vst v63  }
0xe8: {  	v3 =	vld [tilespmem:$0x290];
	_ =	sdelay $0x4  }
0xe9: {  	v53 =	vshll.u32 v3, $0x1  }
0xea: {  	v3 =	vand.u32 $0x7, v3;
	v4 =	vand.u32 $0xFFFFFFF0, v53  }
0xeb: {  	v3 =	vor.u32 v3, v4  }
0xec: {  	v4 =	vperm.xlane v3, v0;
	_ =	sdelay $0x1  }
0xed: {  	v3 =	vperm.xlane v3, v2;
	v4 =	vadd.s32 v1, v4;
	_ =	sdelay $0x1  }
0xee: {  	v3 =	vadd.s32 v1, v3;
	_ =	sdelay $0x2  }
0xef: {  	[hbm4b:s3+s2] =	stream.indirect_vreg.scatter [tilespmem:s10], [sflag:$0x1], $0x80, v4, vm0, $0xb8;
	[tilespmem:$0x4400] =	vst v63  }
0xf0: {  	_ = 	snop  }
0xf1: {  	[hbm4b:s3+s2] =	stream.indirect_vreg.scatter [tilespmem:s11], [sflag:$0x1], $0x80, v3, vm0, $0xb8;
	[tilespmem:$0x4400] =	vst v63  }
0xf2: {  	v3 =	vld [tilespmem:$0x2A0];
	_ =	sdelay $0x4  }
0xf3: {  	v54 =	vshll.u32 v3, $0x1  }
0xf4: {  	v3 =	vand.u32 $0x7, v3;
	v4 =	vand.u32 $0xFFFFFFF0, v54  }
0xf5: {  	v3 =	vor.u32 v3, v4  }
0xf6: {  	v4 =	vperm.xlane v3, v0;
	_ =	sdelay $0x1  }
0xf7: {  	v3 =	vperm.xlane v3, v2;
	v4 =	vadd.s32 v1, v4;
	_ =	sdelay $0x1  }
0xf8: {  	v3 =	vadd.s32 v1, v3;
	_ =	sdelay $0x2  }
0xf9: {  	[hbm4b:s3+s2] =	stream.indirect_vreg.scatter [tilespmem:s12], [sflag:$0x1], $0x80, v4, vm0, $0xb8;
	[tilespmem:$0x4400] =	vst v63  }
0xfa: {  	_ = 	snop  }
0xfb: {  	[hbm4b:s3+s2] =	stream.indirect_vreg.scatter [tilespmem:s13], [sflag:$0x1], $0x80, v3, vm0, $0xb8;
	[tilespmem:$0x4400] =	vst v63  }
0xfc: {  	v3 =	vld [tilespmem:$0x2B0];
	_ =	sdelay $0x4  }
0xfd: {  	v55 =	vshll.u32 v3, $0x1  }
0xfe: {  	v3 =	vand.u32 $0x7, v3;
	v4 =	vand.u32 $0xFFFFFFF0, v55  }
0xff: {  	v3 =	vor.u32 v3, v4  }
0x100: {  	v4 =	vperm.xlane v3, v0;
	_ =	sdelay $0x1  }
0x101: {  	v3 =	vperm.xlane v3, v2;
	v4 =	vadd.s32 v1, v4;
	_ =	sdelay $0x1  }
0x102: {  	v3 =	vadd.s32 v1, v3;
	_ =	sdelay $0x2  }
0x103: {  	[hbm4b:s3+s2] =	stream.indirect_vreg.scatter [tilespmem:s14], [sflag:$0x1], $0x80, v4, vm0, $0xb8;
	[tilespmem:$0x4400] =	vst v63  }
0x104: {  	_ = 	snop  }
0x105: {  	[hbm4b:s3+s2] =	stream.indirect_vreg.scatter [tilespmem:s15], [sflag:$0x1], $0x80, v3, vm0, $0xb8;
	[tilespmem:$0x4400] =	vst v63  }
0x106: {  	v3 =	vld [tilespmem:$0x300];
	_ =	sdelay $0x4  }
0x107: {  	v56 =	vshll.u32 v3, $0x1  }
0x108: {  	v3 =	vand.u32 $0x7, v3;
	v4 =	vand.u32 $0xFFFFFFF0, v56  }
0x109: {  	v3 =	vor.u32 v3, v4  }
0x10a: {  	v4 =	vperm.xlane v3, v0;
	_ =	sdelay $0x1  }
0x10b: {  	v3 =	vperm.xlane v3, v2;
	v4 =	vadd.s32 v1, v4;
	_ =	sdelay $0x1  }
0x10c: {  	v3 =	vadd.s32 v1, v3;
	_ =	sdelay $0x2  }
0x10d: {  	[hbm4b:s3+s2] =	stream.indirect_vreg.scatter [tilespmem:s8], [sflag:$0x1], $0x80, v4, vm0, $0xb8;
	[tilespmem:$0x4400] =	vst v63  }
0x10e: {  	_ = 	snop  }
0x10f: {  	[hbm4b:s3+s2] =	stream.indirect_vreg.scatter [tilespmem:s9], [sflag:$0x1], $0x80, v3, vm0, $0xb8;
	[tilespmem:$0x4400] =	vst v63  }
0x110: {  	v3 =	vld [tilespmem:$0x310];
	_ =	sdelay $0x4  }
0x111: {  	v57 =	vshll.u32 v3, $0x1  }
0x112: {  	v3 =	vand.u32 $0x7, v3;
	v4 =	vand.u32 $0xFFFFFFF0, v57  }
0x113: {  	v3 =	vor.u32 v3, v4  }
0x114: {  	v4 =	vperm.xlane v3, v0;
	_ =	sdelay $0x1  }
0x115: {  	v3 =	vperm.xlane v3, v2;
	v4 =	vadd.s32 v1, v4;
	_ =	sdelay $0x1  }
0x116: {  	v3 =	vadd.s32 v1, v3;
	_ =	sdelay $0x2  }
0x117: {  	[hbm4b:s3+s2] =	stream.indirect_vreg.scatter [tilespmem:s10], [sflag:$0x1], $0x80, v4, vm0, $0xb8;
	[tilespmem:$0x4400] =	vst v63  }
0x118: {  	_ = 	snop  }
0x119: {  	[hbm4b:s3+s2] =	stream.indirect_vreg.scatter [tilespmem:s11], [sflag:$0x1], $0x80, v3, vm0, $0xb8;
	[tilespmem:$0x4400] =	vst v63  }
0x11a: {  	v3 =	vld [tilespmem:$0x320];
	_ =	sdelay $0x4  }
0x11b: {  	v58 =	vshll.u32 v3, $0x1  }
0x11c: {  	v3 =	vand.u32 $0x7, v3;
	v4 =	vand.u32 $0xFFFFFFF0, v58  }
0x11d: {  	v3 =	vor.u32 v3, v4  }
0x11e: {  	v4 =	vperm.xlane v3, v0;
	_ =	sdelay $0x1  }
0x11f: {  	v3 =	vperm.xlane v3, v2;
	v4 =	vadd.s32 v1, v4;
	_ =	sdelay $0x1  }
0x120: {  	v3 =	vadd.s32 v1, v3;
	_ =	sdelay $0x2  }
0x121: {  	[hbm4b:s3+s2] =	stream.indirect_vreg.scatter [tilespmem:s12], [sflag:$0x1], $0x80, v4, vm0, $0xb8;
	[tilespmem:$0x4400] =	vst v63  }
0x122: {  	_ = 	snop  }
0x123: {  	[hbm4b:s3+s2] =	stream.indirect_vreg.scatter [tilespmem:s13], [sflag:$0x1], $0x80, v3, vm0, $0xb8;
	[tilespmem:$0x4400] =	vst v63  }
0x124: {  	v3 =	vld [tilespmem:$0x330];
	_ =	sdelay $0x4  }
0x125: {  	v59 =	vshll.u32 v3, $0x1  }
0x126: {  	v3 =	vand.u32 $0x7, v3;
	v4 =	vand.u32 $0xFFFFFFF0, v59  }
0x127: {  	v3 =	vor.u32 v3, v4  }
0x128: {  	v4 =	vperm.xlane v3, v0;
	_ =	sdelay $0x1  }
0x129: {  	v3 =	vperm.xlane v3, v2;
	v4 =	vadd.s32 v1, v4;
	_ =	sdelay $0x1  }
0x12a: {  	v3 =	vadd.s32 v1, v3;
	_ =	sdelay $0x2  }
0x12b: {  	[hbm4b:s3+s2] =	stream.indirect_vreg.scatter [tilespmem:s14], [sflag:$0x1], $0x80, v4, vm0, $0xb8;
	[tilespmem:$0x4400] =	vst v63  }
0x12c: {  	_ = 	snop  }
0x12d: {  	[hbm4b:s3+s2] =	stream.indirect_vreg.scatter [tilespmem:s15], [sflag:$0x1], $0x80, v3, vm0, $0xb8;
	[tilespmem:$0x4400] =	vst v63  }
0x12e: {  	v3 =	vld [tilespmem:$0x380];
	_ =	sdelay $0x4  }
0x12f: {  	v60 =	vshll.u32 v3, $0x1  }
0x130: {  	v3 =	vand.u32 $0x7, v3;
	v4 =	vand.u32 $0xFFFFFFF0, v60  }
0x131: {  	v3 =	vor.u32 v3, v4  }
0x132: {  	v4 =	vperm.xlane v3, v0;
	_ =	sdelay $0x1  }
0x133: {  	v3 =	vperm.xlane v3, v2;
	v4 =	vadd.s32 v1, v4;
	_ =	sdelay $0x1  }
0x134: {  	v3 =	vadd.s32 v1, v3;
	_ =	sdelay $0x2  }
0x135: {  	[hbm4b:s3+s2] =	stream.indirect_vreg.scatter [tilespmem:s8], [sflag:$0x1], $0x80, v4, vm0, $0xb8;
	[tilespmem:$0x4400] =	vst v63  }
0x136: {  	_ = 	snop  }
0x137: {  	[hbm4b:s3+s2] =	stream.indirect_vreg.scatter [tilespmem:s9], [sflag:$0x1], $0x80, v3, vm0, $0xb8;
	[tilespmem:$0x4400] =	vst v63  }
0x138: {  	v3 =	vld [tilespmem:$0x390];
	_ =	sdelay $0x4  }
0x139: {  	v61 =	vshll.u32 v3, $0x1  }
0x13a: {  	v3 =	vand.u32 $0x7, v3;
	v4 =	vand.u32 $0xFFFFFFF0, v61  }
0x13b: {  	v3 =	vor.u32 v3, v4  }
0x13c: {  	v4 =	vperm.xlane v3, v0;
	_ =	sdelay $0x1  }
0x13d: {  	v3 =	vperm.xlane v3, v2;
	v4 =	vadd.s32 v1, v4;
	_ =	sdelay $0x1  }
0x13e: {  	v3 =	vadd.s32 v1, v3;
	_ =	sdelay $0x2  }
0x13f: {  	[hbm4b:s3+s2] =	stream.indirect_vreg.scatter [tilespmem:s10], [sflag:$0x1], $0x80, v4, vm0, $0xb8;
	[tilespmem:$0x4400] =	vst v63  }
0x140: {  	_ = 	snop  }
0x141: {  	[hbm4b:s3+s2] =	stream.indirect_vreg.scatter [tilespmem:s11], [sflag:$0x1], $0x80, v3, vm0, $0xb8;
	[tilespmem:$0x4400] =	vst v63  }
0x142: {  	v3 =	vld [tilespmem:$0x3A0];
	_ =	sdelay $0x4  }
0x143: {  	v62 =	vshll.u32 v3, $0x1  }
0x144: {  	v3 =	vand.u32 $0x7, v3;
	v4 =	vand.u32 $0xFFFFFFF0, v62  }
0x145: {  	v3 =	vor.u32 v3, v4  }
0x146: {  	v4 =	vperm.xlane v3, v0;
	_ =	sdelay $0x1  }
0x147: {  	v3 =	vperm.xlane v3, v2;
	v4 =	vadd.s32 v1, v4;
	_ =	sdelay $0x1  }
0x148: {  	v3 =	vadd.s32 v1, v3;
	_ =	sdelay $0x2  }
0x149: {  	[hbm4b:s3+s2] =	stream.indirect_vreg.scatter [tilespmem:s12], [sflag:$0x1], $0x80, v4, vm0, $0xb8;
	[tilespmem:$0x4400] =	vst v63  }
0x14a: {  	_ = 	snop  }
0x14b: {  	[hbm4b:s3+s2] =	stream.indirect_vreg.scatter [tilespmem:s13], [sflag:$0x1], $0x80, v3, vm0, $0xb8;
	[tilespmem:$0x4400] =	vst v63  }
0x14c: {  	v3 =	vld [tilespmem:$0x3B0];
	_ =	sdelay $0x4  }
0x14d: {  	v63 =	vshll.u32 v3, $0x1  }
0x14e: {  	v3 =	vand.u32 $0x7, v3;
	v4 =	vand.u32 $0xFFFFFFF0, v63  }
0x14f: {  	v3 =	vor.u32 v3, v4  }
0x150: {  	v4 =	vperm.xlane v3, v0;
	_ =	sdelay $0x1  }
0x151: {  	v3 =	vperm.xlane v3, v2;
	v4 =	vadd.s32 v1, v4;
	_ =	sdelay $0x1  }
0x152: {  	v3 =	vadd.s32 v1, v3;
	_ =	sdelay $0x2  }
0x153: {  	[hbm4b:s3+s2] =	stream.indirect_vreg.scatter [tilespmem:s14], [sflag:$0x1], $0x80, v4, vm0, $0xb8;
	[tilespmem:$0x4400] =	vst v63  }
0x154: {  	_ = 	snop  }
0x155: {  	[hbm4b:s3+s2] =	stream.indirect_vreg.scatter [tilespmem:s15], [sflag:$0x1], $0x80, v3, vm0, $0xb8;
	[tilespmem:$0x4400] =	vst v63  }
0x156: {  	_ =	swait.ge [sflag:s16], $0x4000  }
0x157: {  	[sflag:s16] =	ssyncset.done $0x0  }
0x158: {  	[sflag:s16] =	ssyncadd.s32 $0xFFFFC000  }
0x159: {  	_ =	swait.ge [sflag:s16], $0x4000  }
0x15a: {  	[sflag:s16] =	ssyncset.done $0x0  }
0x15b: {  	[sflag:s16] =	ssyncadd.s32 $0xFFFFC000  }
0x15c: {  	_ =	swait.ge [sflag:s16], $0x4000  }
0x15d: {  	[sflag:s16] =	ssyncset.done $0x0  }
0x15e: {  	[sflag:s16] =	ssyncadd.s32 $0xFFFFC000  }
0x15f: {  	_ =	swait.ge [sflag:s16], $0x4000  }
0x160: {  	[sflag:s16] =	ssyncset.done $0x0  }
0x161: {  	[sflag:s16] =	ssyncadd.s32 $0xFFFFC000  }
0x162: {  	_ =	swait.ge [sflag:s16], $0x4000  }
0x163: {  	[sflag:s16] =	ssyncset.done $0x0  }
0x164: {  	[sflag:s16] =	ssyncadd.s32 $0xFFFFC000  }
0x165: {  	_ =	swait.ge [sflag:s16], $0x4000  }
0x166: {  	[sflag:s16] =	ssyncset.done $0x0  }
0x167: {  	[sflag:s16] =	ssyncadd.s32 $0xFFFFC000  }
0x168: {  	p0 =	sne.s32 s6, $0x1;
	_ =	swait.ge [sflag:s16], $0x4000  }
.Ltmp0:
0x169: {  	[sflag:s16] =	ssyncset.done $0x0;
	(pc) =	sbr.rel @p0 .LBB2_1-.Ltmp0, $4  }
0x16a: {  	[sflag:s16] =	ssyncadd.s32 $0xFFFFC000  }
0x16b: {  	_ =	swait.ge [sflag:s16], $0x4000  }
0x16c: {  	[sflag:s16] =	ssyncset.done $0x0  }
0x16d: {  	s6 =	sadd.s32 $0xFFFFFFFF, s6;
	[sflag:s16] =	ssyncadd.s32 $0xFFFFC000  }
0x16e: {  	_ =	sfence.sel $0x180000  }
0x16f: {  	[bflag:$0x0] =	sbarrier.arrive $0xFFFF  }
0x170: {  	p0 =	sne.s32 s1, $0x0;
	_ =	strace $0x9000004A  }
0x171: {  	s0 =	sadd.s32 @!p0 $0x100000, s0;
	[bflag:$0x2] =	sbarrier.arrive $0xFFFF  }
0x172: {  	[sflag:s0] =	ssyncadd.tile.s32 @!p0 $0x1;
	_ =	shalt  }
.Lfunc_end2:
_tile_overlayer_lowered:
.L_overlay_start_2:
0x173: {  	(tag) =	ssettag $0x2  }
0x174: {  	s0 =	rddreg [dreg:$0x0];
	s2 =	stileid.u32  }
0x175: {  	s1 =	rddreg [dreg:$0x1];
	p0 =	sne.s32 s2, $0x0  }
0x176: {  	s3 =	rddreg [dreg:$0x2];
	[bflag:$0x3] =	sbarrier.arrive $0xFFFF;
	s2 =	simm.s32 @!p0 $0x1C02  }
0x177: {  	[timem:s3], [sflag:s2] =	dma.local @!p0 [hbm:s0], s1  }
0x178: {  	s0 =	simm.s32 @!p0 $0x2  }
0x179: {  	_ =	swait.ge @!p0 [sflag:s0], s1  }
0x17a: {  	s1 =	ssub.s32 @!p0 $0x0, s1;
	[sflag:s0] =	ssyncset.done @!p0 $0x0  }
0x17b: {  	[sflag:s0] =	ssyncadd.s32 @!p0 s1  }
0x17c: {  	[bflag:$0x3] =	sbarrier.arrive $0xFFFF  }
0x17d: {  	_ =	shalt  }

</sc_bundles>
